<compile_context>
chip_gen: v7x
topology: tpu7x:2x2x1
jax: 0.10.2.dev20260603
libtpu: 0.0.44.dev20260713+nightly
codegen_flags: <defaults>
</compile_context>

<pallas_src>
import functools

import jax
import jax.numpy as jnp
from jax import lax
from jax.experimental import pallas as pl
from jax.experimental.pallas import tpu as pltpu
from jax.experimental.pallas import tpu_sc as plsc

N_NODES = 10000
N_PAD = 10240
N_EDGES = 320000
D_IN = 128
D_HID = 256
D_OUT = 64

NC = 2
NS = 16
CHUNK = 128
NCHUNKS = N_EDGES // CHUNK
T_STEPS = -(-NCHUNKS // (NC * NS))
ROWS_PER_TILE = N_PAD // NS
ZROWS = 128


NBUF = 2
ISLOTS = 4
W = NC * NS
T = 79
CH_PAD = W * T
E_PAD = CH_PAD * CHUNK
DUMP_ROW0 = N_NODES
NDUMP = N_PAD - N_NODES


def _make_sc_spmm(d, tiled):
    mesh = plsc.VectorSubcoreMesh(
        core_axis_name="c", subcore_axis_name="s",
        num_cores=NC, num_subcores=NS)
    scratch = {
        "srcs": [pltpu.VMEM((CHUNK,), jnp.int32) for _ in range(ISLOTS)],
        "dsts": [pltpu.VMEM((CHUNK,), jnp.int32) for _ in range(ISLOTS)],
        "rows": [pltpu.VMEM((CHUNK, d), jnp.float32) for _ in range(NBUF)],
        "acc": pltpu.VMEM_SHARED((N_PAD, d), jnp.float32),
        "isems": [pltpu.SemaphoreType.DMA for _ in range(ISLOTS)],
        "gsems": [pltpu.SemaphoreType.DMA for _ in range(NBUF)],
        "ssems": [pltpu.SemaphoreType.DMA for _ in range(NBUF)],
    }
    out_type = jax.ShapeDtypeStruct((NC, N_PAD, d), jnp.float32)

    def kern(table_hbm, src_hbm, dst_hbm, out_hbm, *, srcs, dsts, rows,
             acc, isems, gsems, ssems):
        cid = lax.axis_index("c")
        sid = lax.axis_index("s")
        wid = cid * NS + sid
        start = wid * 78 + jnp.minimum(wid, 4)
        nch = jnp.where(wid < 4, 79, 78)

        _fill(rows[0], CHUNK, d, 0.0)
        r0 = sid * ROWS_PER_TILE
        for j in range(ROWS_PER_TILE // CHUNK):
            pltpu.sync_copy(rows[0], acc.at[pl.ds(r0 + j * CHUNK, CHUNK)])
        plsc.subcore_barrier()

        def idx_load(t, slot):
            base = (start + t) * CHUNK
            pltpu.async_copy(dst_hbm.at[pl.ds(base, CHUNK)], dsts[slot],
                             isems[slot])
            pltpu.async_copy(src_hbm.at[pl.ds(base, CHUNK)], srcs[slot],
                             isems[slot])

        def idx_wait(slot):
            pltpu.make_async_copy(
                src_hbm.at[pl.ds(0, CHUNK)], dsts[slot], isems[slot]).wait()
            pltpu.make_async_copy(
                src_hbm.at[pl.ds(0, CHUNK)], srcs[slot], isems[slot]).wait()

        idx_load(0, 0)
        idx_load(1, 1)

        def step4(g, carry):
            for b in range(ISLOTS):
                t = g * ISLOTS + b
                rb = b % NBUF

                @pl.when(t < nch)
                def _():
                    idx_wait(b)

                    @pl.when(t >= NBUF)
                    def _():
                        pltpu.make_async_copy(
                            rows[rb], acc.at[dsts[b]], ssems[rb]).wait()

                    idx_load(t + NBUF, (b + NBUF) % ISLOTS)
                    pltpu.async_copy(
                        table_hbm.at[srcs[b]], rows[rb], gsems[rb])

                    @pl.when(t >= 1)
                    def _():
                        pb = (b + 1) % NBUF
                        pltpu.make_async_copy(
                            table_hbm.at[srcs[b]], rows[pb],
                            gsems[pb]).wait()
                        pltpu.async_copy(
                            rows[pb], acc.at[dsts[(b + 3) % ISLOTS]],
                            ssems[pb], add=True)
            return carry

        lax.fori_loop(0, -(-T // ISLOTS), step4, 0)

        def last_scatter(gslot, islot):
            pltpu.make_async_copy(
                table_hbm.at[srcs[0]], rows[gslot], gsems[gslot]).wait()
            pltpu.async_copy(
                rows[gslot], acc.at[dsts[islot]], ssems[gslot], add=True)

        @pl.when(wid < 4)
        def _():
            last_scatter(0, 2)

        @pl.when(wid >= 4)
        def _():
            last_scatter(1, 1)

        for rb in range(NBUF):
            pltpu.make_async_copy(
                rows[rb], acc.at[dsts[0]], ssems[rb]).wait()

        @pl.when(wid < 4)
        def _():
            idx_wait(3)
            idx_wait(0)

        @pl.when(wid >= 4)
        def _():
            idx_wait(2)
            idx_wait(3)

        plsc.subcore_barrier()
        pltpu.sync_copy(acc.at[pl.ds(r0, ROWS_PER_TILE)],
                        out_hbm.at[cid, pl.ds(r0, ROWS_PER_TILE)])

    params = pltpu.CompilerParams(use_tc_tiling_on_sc=tiled)
    return functools.partial(
        pl.kernel, out_type=out_type, mesh=mesh, scratch_types=scratch,
        compiler_params=params, name=f"sc_spmm_{d}")(kern)


def _fill(ref, nrows, d, value):
    def outer(i, carry):
        def inner(j, carry2):
            ref[i, pl.ds(j * 16, 16)] = jnp.full((16,), value, jnp.float32)
            return carry2
        return lax.fori_loop(0, d // 16, inner, carry)
    lax.fori_loop(0, nrows, outer, 0)


def _make_sc_deg(tiled):
    d = 16
    mesh = plsc.VectorSubcoreMesh(
        core_axis_name="c", subcore_axis_name="s",
        num_cores=NC, num_subcores=NS)
    scratch = {
        "dstall": pltpu.VMEM((T, CHUNK), jnp.int32),
        "ones": pltpu.VMEM((CHUNK, d), jnp.float32),
        "zbuf": pltpu.VMEM((ZROWS, d), jnp.float32),
        "acc": pltpu.VMEM_SHARED((N_PAD, d), jnp.float32),
        "sem": pltpu.SemaphoreType.DMA,
    }
    out_type = jax.ShapeDtypeStruct((NC, N_PAD, 16), jnp.float32)

    def kern(dst2d_hbm, out_hbm, *, dstall, ones, zbuf, acc, sem):
        cid = lax.axis_index("c")
        sid = lax.axis_index("s")
        start = (cid * NS + sid) * T

        _fill(ones, CHUNK, d, 1.0)
        _fill(zbuf, ZROWS, d, 0.0)
        pltpu.sync_copy(dst2d_hbm.at[pl.ds(start, T)], dstall)
        r0 = sid * ROWS_PER_TILE
        for j in range(ROWS_PER_TILE // ZROWS):
            pltpu.sync_copy(zbuf, acc.at[pl.ds(r0 + j * ZROWS, ZROWS)])
        plsc.subcore_barrier()

        def fire(t, carry):
            pltpu.async_copy(ones, acc.at[dstall.at[t]], sem, add=True)
            return carry

        lax.fori_loop(0, T, fire, 0)

        def drain(t, carry):
            pltpu.make_async_copy(ones, acc.at[dstall.at[t]], sem).wait()
            return carry

        lax.fori_loop(0, T, drain, 0)
        plsc.subcore_barrier()
        pltpu.sync_copy(acc.at[pl.ds(r0, ROWS_PER_TILE)],
                        out_hbm.at[cid, pl.ds(r0, ROWS_PER_TILE)])

    params = pltpu.CompilerParams(use_tc_tiling_on_sc=tiled)
    return functools.partial(
        pl.kernel, out_type=out_type, mesh=mesh, scratch_types=scratch,
        compiler_params=params, name="sc_deg")(kern)


_sc_deg = _make_sc_deg(tiled=False)
_sc_spmm128 = _make_sc_spmm(D_IN, tiled=True)
_sc_spmm64 = _make_sc_spmm(D_OUT, tiled=False)

_BLK = 2000
_GRID = N_NODES // _BLK


def _prescale_body(degp_ref, x_ref, dinv_ref, xs_ref):
    deg = degp_ref[0] + degp_ref[1] + 1.0
    dinv = lax.rsqrt(deg)
    dinv_ref[...] = dinv
    xs_ref[...] = dinv * x_ref[...]


_tc_prescale = pl.pallas_call(
    _prescale_body,
    grid=(_GRID,),
    in_specs=[
        pl.BlockSpec((NC, _BLK, 1), lambda i: (0, i, 0)),
        pl.BlockSpec((_BLK, D_IN), lambda i: (i, 0)),
    ],
    out_specs=[
        pl.BlockSpec((_BLK, 1), lambda i: (i, 0)),
        pl.BlockSpec((_BLK, D_IN), lambda i: (i, 0)),
    ],
    out_shape=[
        jax.ShapeDtypeStruct((N_NODES, 1), jnp.float32),
        jax.ShapeDtypeStruct((N_NODES, D_IN), jnp.float32),
    ],
)


def _mid_body(y1p_ref, xs_ref, dinv_ref, w1_ref, b1_ref, w2_ref, gs_ref):
    z = dinv_ref[...] * (y1p_ref[0] + y1p_ref[1] + xs_ref[...])
    h = jnp.dot(z, w1_ref[...], preferred_element_type=jnp.float32)
    h = jnp.maximum(h + b1_ref[...], 0.0)
    g = jnp.dot(h, w2_ref[...], preferred_element_type=jnp.float32)
    gs_ref[...] = dinv_ref[...] * g


_tc_mid = pl.pallas_call(
    _mid_body,
    grid=(_GRID,),
    in_specs=[
        pl.BlockSpec((NC, _BLK, D_IN), lambda i: (0, i, 0)),
        pl.BlockSpec((_BLK, D_IN), lambda i: (i, 0)),
        pl.BlockSpec((_BLK, 1), lambda i: (i, 0)),
        pl.BlockSpec((D_IN, D_HID), lambda i: (0, 0)),
        pl.BlockSpec((1, D_HID), lambda i: (0, 0)),
        pl.BlockSpec((D_HID, D_OUT), lambda i: (0, 0)),
    ],
    out_specs=pl.BlockSpec((_BLK, D_OUT), lambda i: (i, 0)),
    out_shape=jax.ShapeDtypeStruct((N_NODES, D_OUT), jnp.float32),
)


def _final_body(y2p_ref, gs_ref, dinv_ref, b2_ref, out_ref):
    t = dinv_ref[...] * (y2p_ref[0] + y2p_ref[1] + gs_ref[...]) + b2_ref[...]
    m = jnp.max(t, axis=1, keepdims=True)
    e = jnp.exp(t - m)
    sm = jnp.sum(e, axis=1, keepdims=True)
    out_ref[...] = (t - m) - jnp.log(sm)


_tc_final = pl.pallas_call(
    _final_body,
    grid=(_GRID,),
    in_specs=[
        pl.BlockSpec((NC, _BLK, D_OUT), lambda i: (0, i, 0)),
        pl.BlockSpec((_BLK, D_OUT), lambda i: (i, 0)),
        pl.BlockSpec((_BLK, 1), lambda i: (i, 0)),
        pl.BlockSpec((1, D_OUT), lambda i: (0, 0)),
    ],
    out_specs=pl.BlockSpec((_BLK, D_OUT), lambda i: (i, 0)),
    out_shape=jax.ShapeDtypeStruct((N_NODES, D_OUT), jnp.float32),
)


@jax.jit
def kernel(x, edge_index, W1, b1, W2, b2):
    npad = E_PAD - N_EDGES
    ei = jnp.ravel(edge_index)
    src = jnp.concatenate([ei[:N_EDGES], jnp.zeros((npad,), jnp.int32)])
    dst = jnp.concatenate(
        [ei[N_EDGES:],
         DUMP_ROW0 + (jnp.arange(npad, dtype=jnp.int32) % NDUMP)])
    degp = _sc_deg(dst.reshape(CH_PAD, CHUNK))
    deg_col = jnp.ravel(degp)[::16].reshape(NC, N_PAD, 1)[:, :N_NODES]
    dinv, xs = _tc_prescale(deg_col, x)
    y1p = _sc_spmm128(xs, src, dst)
    gs = _tc_mid(y1p, xs, dinv, W1, b1.reshape(1, D_HID), W2)
    y2p = _sc_spmm64(gs, src, dst)
    return _tc_final(y2p, gs, dinv, b2.reshape(1, D_OUT))

# --- scband reference (transcript-rebuilt; emitter-appended) ---
"""Pipeline reference for scband-target-model-65747359367630 (READ-ONLY COPY).

The authoritative reference and input builder live on the scoring server;
editing this copy changes nothing except your own understanding.
"""

import jax, jax.numpy as jnp
import numpy as np

N = 10000
E = 320000
D_IN = 128
D_HID = 256
D_OUT = 64


def gcn_conv(x, edge_index, W, b):
    num_nodes = x.shape[0]
    src = edge_index[0]
    dst = edge_index[1]
    loop = jnp.arange(num_nodes, dtype=src.dtype)
    src = jnp.concatenate([src, loop])
    dst = jnp.concatenate([dst, loop])
    deg = jnp.zeros((num_nodes,), x.dtype).at[dst].add(1.0)
    dinv = jax.lax.rsqrt(deg)  # deg >= 1 thanks to self loops
    norm = dinv[src] * dinv[dst]
    h = x @ W
    msg = h[src] * norm[:, None]
    out = jnp.zeros((num_nodes, W.shape[1]), x.dtype).at[dst].add(msg)
    return out + b


def setup_inputs(seed: int = 0):
    key = jax.random.key(seed)
    k1, k2, k3, k4 = jax.random.split(key, 4)
    x = jax.random.normal(k1, (N, D_IN), dtype=jnp.float32)
    edge_index = jax.random.randint(k2, (2, E), 0, N, dtype=jnp.int32)
    W1 = jax.random.normal(k3, (D_IN, D_HID), dtype=jnp.float32) * (1.0 / np.sqrt(D_IN))
    b1 = jnp.zeros((D_HID,), dtype=jnp.float32)
    W2 = jax.random.normal(k4, (D_HID, D_OUT), dtype=jnp.float32) * (1.0 / np.sqrt(D_HID))
    b2 = jnp.zeros((D_OUT,), dtype=jnp.float32)
    return {"x": x, "edge_index": edge_index, "W1": W1, "b1": b1, "W2": W2, "b2": b2}


def reference(x, edge_index, W1, b1, W2, b2):
    h = jax.nn.relu(gcn_conv(x, edge_index, W1, b1))
    h = gcn_conv(h, edge_index, W2, b2)
    return jax.nn.log_softmax(h, axis=1)

if __name__ == "__main__":
    import jax
    _d = setup_inputs()
    print(jax.jit(kernel)(*tuple(_d.values())))

</pallas_src>

<mosaic_0001>
#map = affine_map<(d0, d1) -> (0, 0)>
#map1 = affine_map<(d0, d1) -> (0)>
#map2 = affine_map<(d0, d1) -> (0, 0, 0)>
module attributes {stable_mosaic.version = 14 : i64} {
  func.func @sc_spmm_128(%arg0: i32, %arg1: i32, %arg2: memref<10000x128xf32, #tpu.memory_space<hbm>>, %arg3: memref<323584xi32, #tpu.memory_space<hbm>>, %arg4: memref<323584xi32, #tpu.memory_space<hbm>>, %arg5: memref<2x10240x128xf32, #tpu.memory_space<hbm>>, %arg6: memref<10240x128xf32, #tpu.memory_space<vmem_shared>>, %arg7: memref<128xi32, #tpu.memory_space<vmem>>, %arg8: memref<128xi32, #tpu.memory_space<vmem>>, %arg9: memref<128xi32, #tpu.memory_space<vmem>>, %arg10: memref<128xi32, #tpu.memory_space<vmem>>, %arg11: memref<!tpu.dma_semaphore, #tpu.memory_space<semaphore_mem>>, %arg12: memref<!tpu.dma_semaphore, #tpu.memory_space<semaphore_mem>>, %arg13: memref<!tpu.dma_semaphore, #tpu.memory_space<semaphore_mem>>, %arg14: memref<!tpu.dma_semaphore, #tpu.memory_space<semaphore_mem>>, %arg15: memref<!tpu.dma_semaphore, #tpu.memory_space<semaphore_mem>>, %arg16: memref<!tpu.dma_semaphore, #tpu.memory_space<semaphore_mem>>, %arg17: memref<128x128xf32, #tpu.memory_space<vmem>>, %arg18: memref<128x128xf32, #tpu.memory_space<vmem>>, %arg19: memref<128xi32, #tpu.memory_space<vmem>>, %arg20: memref<128xi32, #tpu.memory_space<vmem>>, %arg21: memref<128xi32, #tpu.memory_space<vmem>>, %arg22: memref<128xi32, #tpu.memory_space<vmem>>, %arg23: memref<!tpu.dma_semaphore, #tpu.memory_space<semaphore_mem>>, %arg24: memref<!tpu.dma_semaphore, #tpu.memory_space<semaphore_mem>>) attributes {dimension_semantics = [#tpu.dimension_semantics<core_parallel>, #tpu.dimension_semantics<subcore_parallel>], iteration_bounds = array<i64: 2, 16>, scalar_prefetch = 0 : i64, scratch_operands = 19 : i64, tpu.core_type = #tpu.core_type<sc_vector_subcore>, window_params = [{transform_indices = #map}, {transform_indices = #map1}, {transform_indices = #map1}, {transform_indices = #map2}]} {
    %mul3A = arith.constant 16 : i32
    %mul3A_0 = arith.muli %arg0, %mul3A : i32
    %add3A = arith.addi %mul3A_0, %arg1 : i32
    %mul3A_1 = arith.constant 78 : i32
    %mul3A_2 = arith.muli %add3A, %mul3A_1 : i32
    %min3A = arith.constant 4 : i32
    %min3A_3 = arith.minsi %add3A, %min3A : i32
    %add3A_4 = arith.addi %mul3A_2, %min3A_3 : i32
    %lt3A = arith.constant 4 : i32
    %lt3A_5 = arith.cmpi slt, %add3A, %lt3A : i32
    %jit3A = arith.constant 79 : i32
    %jit3A_6 = arith.constant 78 : i32
    %select_n3A = arith.select %lt3A_5, %jit3A, %jit3A_6 : i32
    %scan3A = arith.constant 0 : i32
    %scan3A_7 = arith.constant 0 : i32
    %scan3A_8 = arith.constant 128 : i32
    %scan3A_9 = arith.addi %scan3A_7, %scan3A_8 : i32
    %scan3A_10 = arith.constant 1 : i32
    scf.for %scan3A_68 = %scan3A_7 to %scan3A_9 step %scan3A_10  : i32 {
      %scan3A_69 = arith.constant 0 : i32
      %scan3A_70 = arith.constant 8 : i32
      %scan3A_71 = arith.addi %scan3A_69, %scan3A_70 : i32
      %scan3A_72 = arith.constant 1 : i32
      scf.for %scan3A_74 = %scan3A_69 to %scan3A_71 step %scan3A_72  : i32 {
        %broadcast_in_dim3A = arith.constant 0.000000e+00 : f32
        %broadcast_in_dim3A_75 = vector.broadcast %broadcast_in_dim3A : f32 to vector<16xf32>
        %mul3A_76 = arith.constant 16 : i32
        %mul3A_77 = arith.muli %scan3A_74, %mul3A_76 : i32
        %swap3A = arith.index_cast %scan3A_68 : i32 to index
        %swap3A_78 = arith.index_cast %mul3A_77 : i32 to index
        %swap3A_79 = tpu.vector_load %arg17[%swap3A, %swap3A_78] {strides = array<i32>} : memref<128x128xf32, #tpu.memory_space<vmem>>, vector<1x16xf32>,
        %swap3A_80 = vector.shape_cast %swap3A_79 : vector<1x16xf32> to vector<16xf32>
        %swap3A_81 = vector.shape_cast %broadcast_in_dim3A_75 : vector<16xf32> to vector<1x16xf32>
        tpu.vector_store %arg17[%swap3A, %swap3A_78], %swap3A_81 {strides = array<i32>} : memref<128x128xf32, #tpu.memory_space<vmem>>, vector<1x16xf32>,
      }
      %scan3A_73 = arith.constant 8 : i32
    }
    %scan3A_11 = arith.constant 128 : i32
    %mul3A_12 = arith.constant 640 : i32
    %mul3A_13 = arith.muli %arg1, %mul3A_12 : i32
    %add3A_14 = arith.constant 0 : i32
    %add3A_15 = arith.addi %mul3A_13, %add3A_14 : i32
    "tpu.region"() ({
      %run_scoped3A = tpu.sem_alloc : memref<!tpu.dma_semaphore, #tpu.memory_space<semaphore_mem>>
      %dma_start3A_68 = arith.constant 0 : i32
      %dma_start3A_69 = tpu.memref_slice %arg6[%add3A_15, %dma_start3A_68] : memref<10240x128xf32, #tpu.memory_space<vmem_shared>> -> memref<128x128xf32, #tpu.memory_space<vmem_shared>>
      %dma_start3A_70 = arith.constant 0 : i32
      %dma_start3A_71 = tpu.memref_slice %arg6[%add3A_15, %dma_start3A_70] : memref<10240x128xf32, #tpu.memory_space<vmem_shared>> -> memref<128x128xf32, #tpu.memory_space<vmem_shared>>
      tpu.enqueue_dma source(%arg17 : memref<128x128xf32, #tpu.memory_space<vmem>>) target(%dma_start3A_71 : memref<128x128xf32, #tpu.memory_space<vmem_shared>>) target_semaphore(%run_scoped3A : memref<!tpu.dma_semaphore, #tpu.memory_space<semaphore_mem>>)
      %dma_wait3A_72 = arith.constant 0 : i32
      %dma_wait3A_73 = tpu.memref_slice %arg6[%add3A_15, %dma_wait3A_72] : memref<10240x128xf32, #tpu.memory_space<vmem_shared>> -> memref<128x128xf32, #tpu.memory_space<vmem_shared>>
      %dma_wait3A_74 = arith.constant 0 : i32
      %dma_wait3A_75 = tpu.memref_slice %arg6[%add3A_15, %dma_wait3A_74] : memref<10240x128xf32, #tpu.memory_space<vmem_shared>> -> memref<128x128xf32, #tpu.memory_space<vmem_shared>>
      tpu.wait_dma2 semaphore(%run_scoped3A : memref<!tpu.dma_semaphore, #tpu.memory_space<semaphore_mem>>) src(%arg17 : memref<128x128xf32, #tpu.memory_space<vmem>>) dst(%dma_wait3A_75 : memref<128x128xf32, #tpu.memory_space<vmem_shared>>)
      tpu.yield
    }) : () -> ()
    %add3A_16 = arith.constant 128 : i32
    %add3A_17 = arith.addi %mul3A_13, %add3A_16 : i32
    "tpu.region"() ({
      %run_scoped3A = tpu.sem_alloc : memref<!tpu.dma_semaphore, #tpu.memory_space<semaphore_mem>>
      %dma_start3A_68 = arith.constant 0 : i32
      %dma_start3A_69 = tpu.memref_slice %arg6[%add3A_17, %dma_start3A_68] : memref<10240x128xf32, #tpu.memory_space<vmem_shared>> -> memref<128x128xf32, #tpu.memory_space<vmem_shared>>
      %dma_start3A_70 = arith.constant 0 : i32
      %dma_start3A_71 = tpu.memref_slice %arg6[%add3A_17, %dma_start3A_70] : memref<10240x128xf32, #tpu.memory_space<vmem_shared>> -> memref<128x128xf32, #tpu.memory_space<vmem_shared>>
      tpu.enqueue_dma source(%arg17 : memref<128x128xf32, #tpu.memory_space<vmem>>) target(%dma_start3A_71 : memref<128x128xf32, #tpu.memory_space<vmem_shared>>) target_semaphore(%run_scoped3A : memref<!tpu.dma_semaphore, #tpu.memory_space<semaphore_mem>>)
      %dma_wait3A_72 = arith.constant 0 : i32
      %dma_wait3A_73 = tpu.memref_slice %arg6[%add3A_17, %dma_wait3A_72] : memref<10240x128xf32, #tpu.memory_space<vmem_shared>> -> memref<128x128xf32, #tpu.memory_space<vmem_shared>>
      %dma_wait3A_74 = arith.constant 0 : i32
      %dma_wait3A_75 = tpu.memref_slice %arg6[%add3A_17, %dma_wait3A_74] : memref<10240x128xf32, #tpu.memory_space<vmem_shared>> -> memref<128x128xf32, #tpu.memory_space<vmem_shared>>
      tpu.wait_dma2 semaphore(%run_scoped3A : memref<!tpu.dma_semaphore, #tpu.memory_space<semaphore_mem>>) src(%arg17 : memref<128x128xf32, #tpu.memory_space<vmem>>) dst(%dma_wait3A_75 : memref<128x128xf32, #tpu.memory_space<vmem_shared>>)
      tpu.yield
    }) : () -> ()
    %add3A_18 = arith.constant 256 : i32
    %add3A_19 = arith.addi %mul3A_13, %add3A_18 : i32
    "tpu.region"() ({
      %run_scoped3A = tpu.sem_alloc : memref<!tpu.dma_semaphore, #tpu.memory_space<semaphore_mem>>
      %dma_start3A_68 = arith.constant 0 : i32
      %dma_start3A_69 = tpu.memref_slice %arg6[%add3A_19, %dma_start3A_68] : memref<10240x128xf32, #tpu.memory_space<vmem_shared>> -> memref<128x128xf32, #tpu.memory_space<vmem_shared>>
      %dma_start3A_70 = arith.constant 0 : i32
      %dma_start3A_71 = tpu.memref_slice %arg6[%add3A_19, %dma_start3A_70] : memref<10240x128xf32, #tpu.memory_space<vmem_shared>> -> memref<128x128xf32, #tpu.memory_space<vmem_shared>>
      tpu.enqueue_dma source(%arg17 : memref<128x128xf32, #tpu.memory_space<vmem>>) target(%dma_start3A_71 : memref<128x128xf32, #tpu.memory_space<vmem_shared>>) target_semaphore(%run_scoped3A : memref<!tpu.dma_semaphore, #tpu.memory_space<semaphore_mem>>)
      %dma_wait3A_72 = arith.constant 0 : i32
      %dma_wait3A_73 = tpu.memref_slice %arg6[%add3A_19, %dma_wait3A_72] : memref<10240x128xf32, #tpu.memory_space<vmem_shared>> -> memref<128x128xf32, #tpu.memory_space<vmem_shared>>
      %dma_wait3A_74 = arith.constant 0 : i32
      %dma_wait3A_75 = tpu.memref_slice %arg6[%add3A_19, %dma_wait3A_74] : memref<10240x128xf32, #tpu.memory_space<vmem_shared>> -> memref<128x128xf32, #tpu.memory_space<vmem_shared>>
      tpu.wait_dma2 semaphore(%run_scoped3A : memref<!tpu.dma_semaphore, #tpu.memory_space<semaphore_mem>>) src(%arg17 : memref<128x128xf32, #tpu.memory_space<vmem>>) dst(%dma_wait3A_75 : memref<128x128xf32, #tpu.memory_space<vmem_shared>>)
      tpu.yield
    }) : () -> ()
    %add3A_20 = arith.constant 384 : i32
    %add3A_21 = arith.addi %mul3A_13, %add3A_20 : i32
    "tpu.region"() ({
      %run_scoped3A = tpu.sem_alloc : memref<!tpu.dma_semaphore, #tpu.memory_space<semaphore_mem>>
      %dma_start3A_68 = arith.constant 0 : i32
      %dma_start3A_69 = tpu.memref_slice %arg6[%add3A_21, %dma_start3A_68] : memref<10240x128xf32, #tpu.memory_space<vmem_shared>> -> memref<128x128xf32, #tpu.memory_space<vmem_shared>>
      %dma_start3A_70 = arith.constant 0 : i32
      %dma_start3A_71 = tpu.memref_slice %arg6[%add3A_21, %dma_start3A_70] : memref<10240x128xf32, #tpu.memory_space<vmem_shared>> -> memref<128x128xf32, #tpu.memory_space<vmem_shared>>
      tpu.enqueue_dma source(%arg17 : memref<128x128xf32, #tpu.memory_space<vmem>>) target(%dma_start3A_71 : memref<128x128xf32, #tpu.memory_space<vmem_shared>>) target_semaphore(%run_scoped3A : memref<!tpu.dma_semaphore, #tpu.memory_space<semaphore_mem>>)
      %dma_wait3A_72 = arith.constant 0 : i32
      %dma_wait3A_73 = tpu.memref_slice %arg6[%add3A_21, %dma_wait3A_72] : memref<10240x128xf32, #tpu.memory_space<vmem_shared>> -> memref<128x128xf32, #tpu.memory_space<vmem_shared>>
      %dma_wait3A_74 = arith.constant 0 : i32
      %dma_wait3A_75 = tpu.memref_slice %arg6[%add3A_21, %dma_wait3A_74] : memref<10240x128xf32, #tpu.memory_space<vmem_shared>> -> memref<128x128xf32, #tpu.memory_space<vmem_shared>>
      tpu.wait_dma2 semaphore(%run_scoped3A : memref<!tpu.dma_semaphore, #tpu.memory_space<semaphore_mem>>) src(%arg17 : memref<128x128xf32, #tpu.memory_space<vmem>>) dst(%dma_wait3A_75 : memref<128x128xf32, #tpu.memory_space<vmem_shared>>)
      tpu.yield
    }) : () -> ()
    %add3A_22 = arith.constant 512 : i32
    %add3A_23 = arith.addi %mul3A_13, %add3A_22 : i32
    "tpu.region"() ({
      %run_scoped3A = tpu.sem_alloc : memref<!tpu.dma_semaphore, #tpu.memory_space<semaphore_mem>>
      %dma_start3A_68 = arith.constant 0 : i32
      %dma_start3A_69 = tpu.memref_slice %arg6[%add3A_23, %dma_start3A_68] : memref<10240x128xf32, #tpu.memory_space<vmem_shared>> -> memref<128x128xf32, #tpu.memory_space<vmem_shared>>
      %dma_start3A_70 = arith.constant 0 : i32
      %dma_start3A_71 = tpu.memref_slice %arg6[%add3A_23, %dma_start3A_70] : memref<10240x128xf32, #tpu.memory_space<vmem_shared>> -> memref<128x128xf32, #tpu.memory_space<vmem_shared>>
      tpu.enqueue_dma source(%arg17 : memref<128x128xf32, #tpu.memory_space<vmem>>) target(%dma_start3A_71 : memref<128x128xf32, #tpu.memory_space<vmem_shared>>) target_semaphore(%run_scoped3A : memref<!tpu.dma_semaphore, #tpu.memory_space<semaphore_mem>>)
      %dma_wait3A_72 = arith.constant 0 : i32
      %dma_wait3A_73 = tpu.memref_slice %arg6[%add3A_23, %dma_wait3A_72] : memref<10240x128xf32, #tpu.memory_space<vmem_shared>> -> memref<128x128xf32, #tpu.memory_space<vmem_shared>>
      %dma_wait3A_74 = arith.constant 0 : i32
      %dma_wait3A_75 = tpu.memref_slice %arg6[%add3A_23, %dma_wait3A_74] : memref<10240x128xf32, #tpu.memory_space<vmem_shared>> -> memref<128x128xf32, #tpu.memory_space<vmem_shared>>
      tpu.wait_dma2 semaphore(%run_scoped3A : memref<!tpu.dma_semaphore, #tpu.memory_space<semaphore_mem>>) src(%arg17 : memref<128x128xf32, #tpu.memory_space<vmem>>) dst(%dma_wait3A_75 : memref<128x128xf32, #tpu.memory_space<vmem_shared>>)
      tpu.yield
    }) : () -> ()
    %barrier3A = arith.constant 0 : index
    tpu.barrier barrier_id(%barrier3A)
    %add3A_24 = arith.constant 0 : i32
    %add3A_25 = arith.addi %add3A_4, %add3A_24 : i32
    %mul3A_26 = arith.constant 128 : i32
    %mul3A_27 = arith.muli %add3A_25, %mul3A_26 : i32
    %dma_start3A = tpu.memref_slice %arg4[%mul3A_27] : memref<323584xi32, #tpu.memory_space<hbm>> -> memref<128xi32, #tpu.memory_space<hbm>>
    %dma_start3A_28 = tpu.memref_slice %arg4[%mul3A_27] : memref<323584xi32, #tpu.memory_space<hbm>> -> memref<128xi32, #tpu.memory_space<hbm>>
    tpu.enqueue_dma source(%dma_start3A_28 : memref<128xi32, #tpu.memory_space<hbm>>) target(%arg7 : memref<128xi32, #tpu.memory_space<vmem>>) target_semaphore(%arg13 : memref<!tpu.dma_semaphore, #tpu.memory_space<semaphore_mem>>)
    %dma_start3A_29 = tpu.memref_slice %arg3[%mul3A_27] : memref<323584xi32, #tpu.memory_space<hbm>> -> memref<128xi32, #tpu.memory_space<hbm>>
    %dma_start3A_30 = tpu.memref_slice %arg3[%mul3A_27] : memref<323584xi32, #tpu.memory_space<hbm>> -> memref<128xi32, #tpu.memory_space<hbm>>
    tpu.enqueue_dma source(%dma_start3A_30 : memref<128xi32, #tpu.memory_space<hbm>>) target(%arg19 : memref<128xi32, #tpu.memory_space<vmem>>) target_semaphore(%arg13 : memref<!tpu.dma_semaphore, #tpu.memory_space<semaphore_mem>>)
    %add3A_31 = arith.constant 1 : i32
    %add3A_32 = arith.addi %add3A_4, %add3A_31 : i32
    %mul3A_33 = arith.constant 128 : i32
    %mul3A_34 = arith.muli %add3A_32, %mul3A_33 : i32
    %dma_start3A_35 = tpu.memref_slice %arg4[%mul3A_34] : memref<323584xi32, #tpu.memory_space<hbm>> -> memref<128xi32, #tpu.memory_space<hbm>>
    %dma_start3A_36 = tpu.memref_slice %arg4[%mul3A_34] : memref<323584xi32, #tpu.memory_space<hbm>> -> memref<128xi32, #tpu.memory_space<hbm>>
    tpu.enqueue_dma source(%dma_start3A_36 : memref<128xi32, #tpu.memory_space<hbm>>) target(%arg8 : memref<128xi32, #tpu.memory_space<vmem>>) target_semaphore(%arg14 : memref<!tpu.dma_semaphore, #tpu.memory_space<semaphore_mem>>)
    %dma_start3A_37 = tpu.memref_slice %arg3[%mul3A_34] : memref<323584xi32, #tpu.memory_space<hbm>> -> memref<128xi32, #tpu.memory_space<hbm>>
    %dma_start3A_38 = tpu.memref_slice %arg3[%mul3A_34] : memref<323584xi32, #tpu.memory_space<hbm>> -> memref<128xi32, #tpu.memory_space<hbm>>
    tpu.enqueue_dma source(%dma_start3A_38 : memref<128xi32, #tpu.memory_space<hbm>>) target(%arg20 : memref<128xi32, #tpu.memory_space<vmem>>) target_semaphore(%arg14 : memref<!tpu.dma_semaphore, #tpu.memory_space<semaphore_mem>>)
    %scan3A_39 = arith.constant 0 : i32
    %scan3A_40 = arith.constant 0 : i32
    %scan3A_41 = arith.constant 20 : i32
    %scan3A_42 = arith.addi %scan3A_40, %scan3A_41 : i32
    %scan3A_43 = arith.constant 1 : i32
    scf.for %scan3A_68 = %scan3A_40 to %scan3A_42 step %scan3A_43  : i32 {
      %mul3A_69 = arith.constant 4 : i32
      %mul3A_70 = arith.muli %scan3A_68, %mul3A_69 : i32
      %add3A_71 = arith.constant 0 : i32
      %add3A_72 = arith.addi %mul3A_70, %add3A_71 : i32
      %lt3A_73 = arith.cmpi slt, %add3A_72, %select_n3A : i32
      %convert_element_type3A_74 = arith.extui %lt3A_73 : i1 to i32
      %cond3A_75 = arith.constant 0 : i32
      %cond3A_76 = arith.cmpi ne, %convert_element_type3A_74, %cond3A_75 : i32
      scf.if %cond3A_76 {
        %dma_wait3A_101 = arith.constant 0 : i32
        %dma_wait3A_102 = tpu.memref_slice %arg3[%dma_wait3A_101] : memref<323584xi32, #tpu.memory_space<hbm>> -> memref<128xi32, #tpu.memory_space<hbm>>
        %dma_wait3A_103 = arith.constant 0 : i32
        %dma_wait3A_104 = tpu.memref_slice %arg3[%dma_wait3A_103] : memref<323584xi32, #tpu.memory_space<hbm>> -> memref<128xi32, #tpu.memory_space<hbm>>
        tpu.wait_dma2 semaphore(%arg13 : memref<!tpu.dma_semaphore, #tpu.memory_space<semaphore_mem>>) src(%dma_wait3A_104 : memref<128xi32, #tpu.memory_space<hbm>>) dst(%arg7 : memref<128xi32, #tpu.memory_space<vmem>>)
        %dma_wait3A_105 = arith.constant 0 : i32
        %dma_wait3A_106 = tpu.memref_slice %arg3[%dma_wait3A_105] : memref<323584xi32, #tpu.memory_space<hbm>> -> memref<128xi32, #tpu.memory_space<hbm>>
        %dma_wait3A_107 = arith.constant 0 : i32
        %dma_wait3A_108 = tpu.memref_slice %arg3[%dma_wait3A_107] : memref<323584xi32, #tpu.memory_space<hbm>> -> memref<128xi32, #tpu.memory_space<hbm>>
        tpu.wait_dma2 semaphore(%arg13 : memref<!tpu.dma_semaphore, #tpu.memory_space<semaphore_mem>>) src(%dma_wait3A_108 : memref<128xi32, #tpu.memory_space<hbm>>) dst(%arg19 : memref<128xi32, #tpu.memory_space<vmem>>)
        %ge3A_109 = arith.constant 2 : i32
        %ge3A_110 = arith.cmpi sge, %add3A_72, %ge3A_109 : i32
        %convert_element_type3A_111 = arith.extui %ge3A_110 : i1 to i32
        %cond3A_112 = arith.constant 0 : i32
        %cond3A_113 = arith.cmpi ne, %convert_element_type3A_111, %cond3A_112 : i32
        scf.if %cond3A_113 {
          %dma_wait3A_131 = arith.constant 0 : i32
          %dma_wait3A_132 = arith.constant 0 : i32
          %dma_wait3A_133 = tpu.memref_slice %arg6[%dma_wait3A_131, %dma_wait3A_132] : memref<10240x128xf32, #tpu.memory_space<vmem_shared>> -> memref<10240x128xf32, #tpu.memory_space<vmem_shared>>
          tpu.wait_indirect_dma semaphore(%arg23 : memref<!tpu.dma_semaphore, #tpu.memory_space<semaphore_mem>>) src(%arg17 : memref<128x128xf32, #tpu.memory_space<vmem>>) dst(%dma_wait3A_133 : memref<10240x128xf32, #tpu.memory_space<vmem_shared>>)
        } else {
        }
        %add3A_114 = arith.constant 2 : i32
        %add3A_115 = arith.addi %add3A_72, %add3A_114 : i32
        %add3A_116 = arith.addi %add3A_4, %add3A_115 : i32
        %mul3A_117 = arith.constant 128 : i32
        %mul3A_118 = arith.muli %add3A_116, %mul3A_117 : i32
        %dma_start3A_119 = tpu.memref_slice %arg4[%mul3A_118] : memref<323584xi32, #tpu.memory_space<hbm>> -> memref<128xi32, #tpu.memory_space<hbm>>
        %dma_start3A_120 = tpu.memref_slice %arg4[%mul3A_118] : memref<323584xi32, #tpu.memory_space<hbm>> -> memref<128xi32, #tpu.memory_space<hbm>>
        tpu.enqueue_dma source(%dma_start3A_120 : memref<128xi32, #tpu.memory_space<hbm>>) target(%arg9 : memref<128xi32, #tpu.memory_space<vmem>>) target_semaphore(%arg15 : memref<!tpu.dma_semaphore, #tpu.memory_space<semaphore_mem>>)
        %dma_start3A_121 = tpu.memref_slice %arg3[%mul3A_118] : memref<323584xi32, #tpu.memory_space<hbm>> -> memref<128xi32, #tpu.memory_space<hbm>>
        %dma_start3A_122 = tpu.memref_slice %arg3[%mul3A_118] : memref<323584xi32, #tpu.memory_space<hbm>> -> memref<128xi32, #tpu.memory_space<hbm>>
        tpu.enqueue_dma source(%dma_start3A_122 : memref<128xi32, #tpu.memory_space<hbm>>) target(%arg21 : memref<128xi32, #tpu.memory_space<vmem>>) target_semaphore(%arg15 : memref<!tpu.dma_semaphore, #tpu.memory_space<semaphore_mem>>)
        %dma_start3A_123 = arith.constant 0 : i32
        %dma_start3A_124 = arith.constant 0 : i32
        %dma_start3A_125 = tpu.memref_slice %arg2[%dma_start3A_123, %dma_start3A_124] : memref<10000x128xf32, #tpu.memory_space<hbm>> -> memref<10000x128xf32, #tpu.memory_space<hbm>>
        tpu.enqueue_indirect_dma source(%dma_start3A_125 : memref<10000x128xf32, #tpu.memory_space<hbm>>) target(%arg17 : memref<128x128xf32, #tpu.memory_space<vmem>>) offsets(%arg19 : memref<128xi32, #tpu.memory_space<vmem>>) semaphore(%arg11 : memref<!tpu.dma_semaphore, #tpu.memory_space<semaphore_mem>>)
        %ge3A_126 = arith.constant 1 : i32
        %ge3A_127 = arith.cmpi sge, %add3A_72, %ge3A_126 : i32
        %convert_element_type3A_128 = arith.extui %ge3A_127 : i1 to i32
        %cond3A_129 = arith.constant 0 : i32
        %cond3A_130 = arith.cmpi ne, %convert_element_type3A_128, %cond3A_129 : i32
        scf.if %cond3A_130 {
          %dma_wait3A_131 = arith.constant 0 : i32
          %dma_wait3A_132 = arith.constant 0 : i32
          %dma_wait3A_133 = tpu.memref_slice %arg2[%dma_wait3A_131, %dma_wait3A_132] : memref<10000x128xf32, #tpu.memory_space<hbm>> -> memref<10000x128xf32, #tpu.memory_space<hbm>>
          tpu.wait_indirect_dma semaphore(%arg12 : memref<!tpu.dma_semaphore, #tpu.memory_space<semaphore_mem>>) src(%dma_wait3A_133 : memref<10000x128xf32, #tpu.memory_space<hbm>>) dst(%arg18 : memref<128x128xf32, #tpu.memory_space<vmem>>)
          %dma_start3A_134 = arith.constant 0 : i32
          %dma_start3A_135 = arith.constant 0 : i32
          %dma_start3A_136 = tpu.memref_slice %arg6[%dma_start3A_134, %dma_start3A_135] : memref<10240x128xf32, #tpu.memory_space<vmem_shared>> -> memref<10240x128xf32, #tpu.memory_space<vmem_shared>>
          tpu.enqueue_indirect_dma source(%arg18 : memref<128x128xf32, #tpu.memory_space<vmem>>) target(%dma_start3A_136 : memref<10240x128xf32, #tpu.memory_space<vmem_shared>>) offsets(%arg10 : memref<128xi32, #tpu.memory_space<vmem>>) semaphore(%arg24 : memref<!tpu.dma_semaphore, #tpu.memory_space<semaphore_mem>>) {add = true}
        } else {
        }
      } else {
      }
      %mul3A_77 = arith.constant 4 : i32
      %mul3A_78 = arith.muli %scan3A_68, %mul3A_77 : i32
      %add3A_79 = arith.constant 1 : i32
      %add3A_80 = arith.addi %mul3A_78, %add3A_79 : i32
      %lt3A_81 = arith.cmpi slt, %add3A_80, %select_n3A : i32
      %convert_element_type3A_82 = arith.extui %lt3A_81 : i1 to i32
      %cond3A_83 = arith.constant 0 : i32
      %cond3A_84 = arith.cmpi ne, %convert_element_type3A_82, %cond3A_83 : i32
      scf.if %cond3A_84 {
        %dma_wait3A_101 = arith.constant 0 : i32
        %dma_wait3A_102 = tpu.memref_slice %arg3[%dma_wait3A_101] : memref<323584xi32, #tpu.memory_space<hbm>> -> memref<128xi32, #tpu.memory_space<hbm>>
        %dma_wait3A_103 = arith.constant 0 : i32
        %dma_wait3A_104 = tpu.memref_slice %arg3[%dma_wait3A_103] : memref<323584xi32, #tpu.memory_space<hbm>> -> memref<128xi32, #tpu.memory_space<hbm>>
        tpu.wait_dma2 semaphore(%arg14 : memref<!tpu.dma_semaphore, #tpu.memory_space<semaphore_mem>>) src(%dma_wait3A_104 : memref<128xi32, #tpu.memory_space<hbm>>) dst(%arg8 : memref<128xi32, #tpu.memory_space<vmem>>)
        %dma_wait3A_105 = arith.constant 0 : i32
        %dma_wait3A_106 = tpu.memref_slice %arg3[%dma_wait3A_105] : memref<323584xi32, #tpu.memory_space<hbm>> -> memref<128xi32, #tpu.memory_space<hbm>>
        %dma_wait3A_107 = arith.constant 0 : i32
        %dma_wait3A_108 = tpu.memref_slice %arg3[%dma_wait3A_107] : memref<323584xi32, #tpu.memory_space<hbm>> -> memref<128xi32, #tpu.memory_space<hbm>>
        tpu.wait_dma2 semaphore(%arg14 : memref<!tpu.dma_semaphore, #tpu.memory_space<semaphore_mem>>) src(%dma_wait3A_108 : memref<128xi32, #tpu.memory_space<hbm>>) dst(%arg20 : memref<128xi32, #tpu.memory_space<vmem>>)
        %ge3A_109 = arith.constant 2 : i32
        %ge3A_110 = arith.cmpi sge, %add3A_80, %ge3A_109 : i32
        %convert_element_type3A_111 = arith.extui %ge3A_110 : i1 to i32
        %cond3A_112 = arith.constant 0 : i32
        %cond3A_113 = arith.cmpi ne, %convert_element_type3A_111, %cond3A_112 : i32
        scf.if %cond3A_113 {
          %dma_wait3A_131 = arith.constant 0 : i32
          %dma_wait3A_132 = arith.constant 0 : i32
          %dma_wait3A_133 = tpu.memref_slice %arg6[%dma_wait3A_131, %dma_wait3A_132] : memref<10240x128xf32, #tpu.memory_space<vmem_shared>> -> memref<10240x128xf32, #tpu.memory_space<vmem_shared>>
          tpu.wait_indirect_dma semaphore(%arg24 : memref<!tpu.dma_semaphore, #tpu.memory_space<semaphore_mem>>) src(%arg18 : memref<128x128xf32, #tpu.memory_space<vmem>>) dst(%dma_wait3A_133 : memref<10240x128xf32, #tpu.memory_space<vmem_shared>>)
        } else {
        }
        %add3A_114 = arith.constant 2 : i32
        %add3A_115 = arith.addi %add3A_80, %add3A_114 : i32
        %add3A_116 = arith.addi %add3A_4, %add3A_115 : i32
        %mul3A_117 = arith.constant 128 : i32
        %mul3A_118 = arith.muli %add3A_116, %mul3A_117 : i32
        %dma_start3A_119 = tpu.memref_slice %arg4[%mul3A_118] : memref<323584xi32, #tpu.memory_space<hbm>> -> memref<128xi32, #tpu.memory_space<hbm>>
        %dma_start3A_120 = tpu.memref_slice %arg4[%mul3A_118] : memref<323584xi32, #tpu.memory_space<hbm>> -> memref<128xi32, #tpu.memory_space<hbm>>
        tpu.enqueue_dma source(%dma_start3A_120 : memref<128xi32, #tpu.memory_space<hbm>>) target(%arg10 : memref<128xi32, #tpu.memory_space<vmem>>) target_semaphore(%arg16 : memref<!tpu.dma_semaphore, #tpu.memory_space<semaphore_mem>>)
        %dma_start3A_121 = tpu.memref_slice %arg3[%mul3A_118] : memref<323584xi32, #tpu.memory_space<hbm>> -> memref<128xi32, #tpu.memory_space<hbm>>
        %dma_start3A_122 = tpu.memref_slice %arg3[%mul3A_118] : memref<323584xi32, #tpu.memory_space<hbm>> -> memref<128xi32, #tpu.memory_space<hbm>>
        tpu.enqueue_dma source(%dma_start3A_122 : memref<128xi32, #tpu.memory_space<hbm>>) target(%arg22 : memref<128xi32, #tpu.memory_space<vmem>>) target_semaphore(%arg16 : memref<!tpu.dma_semaphore, #tpu.memory_space<semaphore_mem>>)
        %dma_start3A_123 = arith.constant 0 : i32
        %dma_start3A_124 = arith.constant 0 : i32
        %dma_start3A_125 = tpu.memref_slice %arg2[%dma_start3A_123, %dma_start3A_124] : memref<10000x128xf32, #tpu.memory_space<hbm>> -> memref<10000x128xf32, #tpu.memory_space<hbm>>
        tpu.enqueue_indirect_dma source(%dma_start3A_125 : memref<10000x128xf32, #tpu.memory_space<hbm>>) target(%arg18 : memref<128x128xf32, #tpu.memory_space<vmem>>) offsets(%arg20 : memref<128xi32, #tpu.memory_space<vmem>>) semaphore(%arg12 : memref<!tpu.dma_semaphore, #tpu.memory_space<semaphore_mem>>)
        %ge3A_126 = arith.constant 1 : i32
        %ge3A_127 = arith.cmpi sge, %add3A_80, %ge3A_126 : i32
        %convert_element_type3A_128 = arith.extui %ge3A_127 : i1 to i32
        %cond3A_129 = arith.constant 0 : i32
        %cond3A_130 = arith.cmpi ne, %convert_element_type3A_128, %cond3A_129 : i32
        scf.if %cond3A_130 {
          %dma_wait3A_131 = arith.constant 0 : i32
          %dma_wait3A_132 = arith.constant 0 : i32
          %dma_wait3A_133 = tpu.memref_slice %arg2[%dma_wait3A_131, %dma_wait3A_132] : memref<10000x128xf32, #tpu.memory_space<hbm>> -> memref<10000x128xf32, #tpu.memory_space<hbm>>
          tpu.wait_indirect_dma semaphore(%arg11 : memref<!tpu.dma_semaphore, #tpu.memory_space<semaphore_mem>>) src(%dma_wait3A_133 : memref<10000x128xf32, #tpu.memory_space<hbm>>) dst(%arg17 : memref<128x128xf32, #tpu.memory_space<vmem>>)
          %dma_start3A_134 = arith.constant 0 : i32
          %dma_start3A_135 = arith.constant 0 : i32
          %dma_start3A_136 = tpu.memref_slice %arg6[%dma_start3A_134, %dma_start3A_135] : memref<10240x128xf32, #tpu.memory_space<vmem_shared>> -> memref<10240x128xf32, #tpu.memory_space<vmem_shared>>
          tpu.enqueue_indirect_dma source(%arg17 : memref<128x128xf32, #tpu.memory_space<vmem>>) target(%dma_start3A_136 : memref<10240x128xf32, #tpu.memory_space<vmem_shared>>) offsets(%arg7 : memref<128xi32, #tpu.memory_space<vmem>>) semaphore(%arg23 : memref<!tpu.dma_semaphore, #tpu.memory_space<semaphore_mem>>) {add = true}
        } else {
        }
      } else {
      }
      %mul3A_85 = arith.constant 4 : i32
      %mul3A_86 = arith.muli %scan3A_68, %mul3A_85 : i32
      %add3A_87 = arith.constant 2 : i32
      %add3A_88 = arith.addi %mul3A_86, %add3A_87 : i32
      %lt3A_89 = arith.cmpi slt, %add3A_88, %select_n3A : i32
      %convert_element_type3A_90 = arith.extui %lt3A_89 : i1 to i32
      %cond3A_91 = arith.constant 0 : i32
      %cond3A_92 = arith.cmpi ne, %convert_element_type3A_90, %cond3A_91 : i32
      scf.if %cond3A_92 {
        %dma_wait3A_101 = arith.constant 0 : i32
        %dma_wait3A_102 = tpu.memref_slice %arg3[%dma_wait3A_101] : memref<323584xi32, #tpu.memory_space<hbm>> -> memref<128xi32, #tpu.memory_space<hbm>>
        %dma_wait3A_103 = arith.constant 0 : i32
        %dma_wait3A_104 = tpu.memref_slice %arg3[%dma_wait3A_103] : memref<323584xi32, #tpu.memory_space<hbm>> -> memref<128xi32, #tpu.memory_space<hbm>>
        tpu.wait_dma2 semaphore(%arg15 : memref<!tpu.dma_semaphore, #tpu.memory_space<semaphore_mem>>) src(%dma_wait3A_104 : memref<128xi32, #tpu.memory_space<hbm>>) dst(%arg9 : memref<128xi32, #tpu.memory_space<vmem>>)
        %dma_wait3A_105 = arith.constant 0 : i32
        %dma_wait3A_106 = tpu.memref_slice %arg3[%dma_wait3A_105] : memref<323584xi32, #tpu.memory_space<hbm>> -> memref<128xi32, #tpu.memory_space<hbm>>
        %dma_wait3A_107 = arith.constant 0 : i32
        %dma_wait3A_108 = tpu.memref_slice %arg3[%dma_wait3A_107] : memref<323584xi32, #tpu.memory_space<hbm>> -> memref<128xi32, #tpu.memory_space<hbm>>
        tpu.wait_dma2 semaphore(%arg15 : memref<!tpu.dma_semaphore, #tpu.memory_space<semaphore_mem>>) src(%dma_wait3A_108 : memref<128xi32, #tpu.memory_space<hbm>>) dst(%arg21 : memref<128xi32, #tpu.memory_space<vmem>>)
        %ge3A_109 = arith.constant 2 : i32
        %ge3A_110 = arith.cmpi sge, %add3A_88, %ge3A_109 : i32
        %convert_element_type3A_111 = arith.extui %ge3A_110 : i1 to i32
        %cond3A_112 = arith.constant 0 : i32
        %cond3A_113 = arith.cmpi ne, %convert_element_type3A_111, %cond3A_112 : i32
        scf.if %cond3A_113 {
          %dma_wait3A_131 = arith.constant 0 : i32
          %dma_wait3A_132 = arith.constant 0 : i32
          %dma_wait3A_133 = tpu.memref_slice %arg6[%dma_wait3A_131, %dma_wait3A_132] : memref<10240x128xf32, #tpu.memory_space<vmem_shared>> -> memref<10240x128xf32, #tpu.memory_space<vmem_shared>>
          tpu.wait_indirect_dma semaphore(%arg23 : memref<!tpu.dma_semaphore, #tpu.memory_space<semaphore_mem>>) src(%arg17 : memref<128x128xf32, #tpu.memory_space<vmem>>) dst(%dma_wait3A_133 : memref<10240x128xf32, #tpu.memory_space<vmem_shared>>)
        } else {
        }
        %add3A_114 = arith.constant 2 : i32
        %add3A_115 = arith.addi %add3A_88, %add3A_114 : i32
        %add3A_116 = arith.addi %add3A_4, %add3A_115 : i32
        %mul3A_117 = arith.constant 128 : i32
        %mul3A_118 = arith.muli %add3A_116, %mul3A_117 : i32
        %dma_start3A_119 = tpu.memref_slice %arg4[%mul3A_118] : memref<323584xi32, #tpu.memory_space<hbm>> -> memref<128xi32, #tpu.memory_space<hbm>>
        %dma_start3A_120 = tpu.memref_slice %arg4[%mul3A_118] : memref<323584xi32, #tpu.memory_space<hbm>> -> memref<128xi32, #tpu.memory_space<hbm>>
        tpu.enqueue_dma source(%dma_start3A_120 : memref<128xi32, #tpu.memory_space<hbm>>) target(%arg7 : memref<128xi32, #tpu.memory_space<vmem>>) target_semaphore(%arg13 : memref<!tpu.dma_semaphore, #tpu.memory_space<semaphore_mem>>)
        %dma_start3A_121 = tpu.memref_slice %arg3[%mul3A_118] : memref<323584xi32, #tpu.memory_space<hbm>> -> memref<128xi32, #tpu.memory_space<hbm>>
        %dma_start3A_122 = tpu.memref_slice %arg3[%mul3A_118] : memref<323584xi32, #tpu.memory_space<hbm>> -> memref<128xi32, #tpu.memory_space<hbm>>
        tpu.enqueue_dma source(%dma_start3A_122 : memref<128xi32, #tpu.memory_space<hbm>>) target(%arg19 : memref<128xi32, #tpu.memory_space<vmem>>) target_semaphore(%arg13 : memref<!tpu.dma_semaphore, #tpu.memory_space<semaphore_mem>>)
        %dma_start3A_123 = arith.constant 0 : i32
        %dma_start3A_124 = arith.constant 0 : i32
        %dma_start3A_125 = tpu.memref_slice %arg2[%dma_start3A_123, %dma_start3A_124] : memref<10000x128xf32, #tpu.memory_space<hbm>> -> memref<10000x128xf32, #tpu.memory_space<hbm>>
        tpu.enqueue_indirect_dma source(%dma_start3A_125 : memref<10000x128xf32, #tpu.memory_space<hbm>>) target(%arg17 : memref<128x128xf32, #tpu.memory_space<vmem>>) offsets(%arg21 : memref<128xi32, #tpu.memory_space<vmem>>) semaphore(%arg11 : memref<!tpu.dma_semaphore, #tpu.memory_space<semaphore_mem>>)
        %ge3A_126 = arith.constant 1 : i32
        %ge3A_127 = arith.cmpi sge, %add3A_88, %ge3A_126 : i32
        %convert_element_type3A_128 = arith.extui %ge3A_127 : i1 to i32
        %cond3A_129 = arith.constant 0 : i32
        %cond3A_130 = arith.cmpi ne, %convert_element_type3A_128, %cond3A_129 : i32
        scf.if %cond3A_130 {
          %dma_wait3A_131 = arith.constant 0 : i32
          %dma_wait3A_132 = arith.constant 0 : i32
          %dma_wait3A_133 = tpu.memref_slice %arg2[%dma_wait3A_131, %dma_wait3A_132] : memref<10000x128xf32, #tpu.memory_space<hbm>> -> memref<10000x128xf32, #tpu.memory_space<hbm>>
          tpu.wait_indirect_dma semaphore(%arg12 : memref<!tpu.dma_semaphore, #tpu.memory_space<semaphore_mem>>) src(%dma_wait3A_133 : memref<10000x128xf32, #tpu.memory_space<hbm>>) dst(%arg18 : memref<128x128xf32, #tpu.memory_space<vmem>>)
          %dma_start3A_134 = arith.constant 0 : i32
          %dma_start3A_135 = arith.constant 0 : i32
          %dma_start3A_136 = tpu.memref_slice %arg6[%dma_start3A_134, %dma_start3A_135] : memref<10240x128xf32, #tpu.memory_space<vmem_shared>> -> memref<10240x128xf32, #tpu.memory_space<vmem_shared>>
          tpu.enqueue_indirect_dma source(%arg18 : memref<128x128xf32, #tpu.memory_space<vmem>>) target(%dma_start3A_136 : memref<10240x128xf32, #tpu.memory_space<vmem_shared>>) offsets(%arg8 : memref<128xi32, #tpu.memory_space<vmem>>) semaphore(%arg24 : memref<!tpu.dma_semaphore, #tpu.memory_space<semaphore_mem>>) {add = true}
        } else {
        }
      } else {
      }
      %mul3A_93 = arith.constant 4 : i32
      %mul3A_94 = arith.muli %scan3A_68, %mul3A_93 : i32
      %add3A_95 = arith.constant 3 : i32
      %add3A_96 = arith.addi %mul3A_94, %add3A_95 : i32
      %lt3A_97 = arith.cmpi slt, %add3A_96, %select_n3A : i32
      %convert_element_type3A_98 = arith.extui %lt3A_97 : i1 to i32
      %cond3A_99 = arith.constant 0 : i32
      %cond3A_100 = arith.cmpi ne, %convert_element_type3A_98, %cond3A_99 : i32
      scf.if %cond3A_100 {
        %dma_wait3A_101 = arith.constant 0 : i32
        %dma_wait3A_102 = tpu.memref_slice %arg3[%dma_wait3A_101] : memref<323584xi32, #tpu.memory_space<hbm>> -> memref<128xi32, #tpu.memory_space<hbm>>
        %dma_wait3A_103 = arith.constant 0 : i32
        %dma_wait3A_104 = tpu.memref_slice %arg3[%dma_wait3A_103] : memref<323584xi32, #tpu.memory_space<hbm>> -> memref<128xi32, #tpu.memory_space<hbm>>
        tpu.wait_dma2 semaphore(%arg16 : memref<!tpu.dma_semaphore, #tpu.memory_space<semaphore_mem>>) src(%dma_wait3A_104 : memref<128xi32, #tpu.memory_space<hbm>>) dst(%arg10 : memref<128xi32, #tpu.memory_space<vmem>>)
        %dma_wait3A_105 = arith.constant 0 : i32
        %dma_wait3A_106 = tpu.memref_slice %arg3[%dma_wait3A_105] : memref<323584xi32, #tpu.memory_space<hbm>> -> memref<128xi32, #tpu.memory_space<hbm>>
        %dma_wait3A_107 = arith.constant 0 : i32
        %dma_wait3A_108 = tpu.memref_slice %arg3[%dma_wait3A_107] : memref<323584xi32, #tpu.memory_space<hbm>> -> memref<128xi32, #tpu.memory_space<hbm>>
        tpu.wait_dma2 semaphore(%arg16 : memref<!tpu.dma_semaphore, #tpu.memory_space<semaphore_mem>>) src(%dma_wait3A_108 : memref<128xi32, #tpu.memory_space<hbm>>) dst(%arg22 : memref<128xi32, #tpu.memory_space<vmem>>)
        %ge3A_109 = arith.constant 2 : i32
        %ge3A_110 = arith.cmpi sge, %add3A_96, %ge3A_109 : i32
        %convert_element_type3A_111 = arith.extui %ge3A_110 : i1 to i32
        %cond3A_112 = arith.constant 0 : i32
        %cond3A_113 = arith.cmpi ne, %convert_element_type3A_111, %cond3A_112 : i32
        scf.if %cond3A_113 {
          %dma_wait3A_131 = arith.constant 0 : i32
          %dma_wait3A_132 = arith.constant 0 : i32
          %dma_wait3A_133 = tpu.memref_slice %arg6[%dma_wait3A_131, %dma_wait3A_132] : memref<10240x128xf32, #tpu.memory_space<vmem_shared>> -> memref<10240x128xf32, #tpu.memory_space<vmem_shared>>
          tpu.wait_indirect_dma semaphore(%arg24 : memref<!tpu.dma_semaphore, #tpu.memory_space<semaphore_mem>>) src(%arg18 : memref<128x128xf32, #tpu.memory_space<vmem>>) dst(%dma_wait3A_133 : memref<10240x128xf32, #tpu.memory_space<vmem_shared>>)
        } else {
        }
        %add3A_114 = arith.constant 2 : i32
        %add3A_115 = arith.addi %add3A_96, %add3A_114 : i32
        %add3A_116 = arith.addi %add3A_4, %add3A_115 : i32
        %mul3A_117 = arith.constant 128 : i32
        %mul3A_118 = arith.muli %add3A_116, %mul3A_117 : i32
        %dma_start3A_119 = tpu.memref_slice %arg4[%mul3A_118] : memref<323584xi32, #tpu.memory_space<hbm>> -> memref<128xi32, #tpu.memory_space<hbm>>
        %dma_start3A_120 = tpu.memref_slice %arg4[%mul3A_118] : memref<323584xi32, #tpu.memory_space<hbm>> -> memref<128xi32, #tpu.memory_space<hbm>>
        tpu.enqueue_dma source(%dma_start3A_120 : memref<128xi32, #tpu.memory_space<hbm>>) target(%arg8 : memref<128xi32, #tpu.memory_space<vmem>>) target_semaphore(%arg14 : memref<!tpu.dma_semaphore, #tpu.memory_space<semaphore_mem>>)
        %dma_start3A_121 = tpu.memref_slice %arg3[%mul3A_118] : memref<323584xi32, #tpu.memory_space<hbm>> -> memref<128xi32, #tpu.memory_space<hbm>>
        %dma_start3A_122 = tpu.memref_slice %arg3[%mul3A_118] : memref<323584xi32, #tpu.memory_space<hbm>> -> memref<128xi32, #tpu.memory_space<hbm>>
        tpu.enqueue_dma source(%dma_start3A_122 : memref<128xi32, #tpu.memory_space<hbm>>) target(%arg20 : memref<128xi32, #tpu.memory_space<vmem>>) target_semaphore(%arg14 : memref<!tpu.dma_semaphore, #tpu.memory_space<semaphore_mem>>)
        %dma_start3A_123 = arith.constant 0 : i32
        %dma_start3A_124 = arith.constant 0 : i32
        %dma_start3A_125 = tpu.memref_slice %arg2[%dma_start3A_123, %dma_start3A_124] : memref<10000x128xf32, #tpu.memory_space<hbm>> -> memref<10000x128xf32, #tpu.memory_space<hbm>>
        tpu.enqueue_indirect_dma source(%dma_start3A_125 : memref<10000x128xf32, #tpu.memory_space<hbm>>) target(%arg18 : memref<128x128xf32, #tpu.memory_space<vmem>>) offsets(%arg22 : memref<128xi32, #tpu.memory_space<vmem>>) semaphore(%arg12 : memref<!tpu.dma_semaphore, #tpu.memory_space<semaphore_mem>>)
        %ge3A_126 = arith.constant 1 : i32
        %ge3A_127 = arith.cmpi sge, %add3A_96, %ge3A_126 : i32
        %convert_element_type3A_128 = arith.extui %ge3A_127 : i1 to i32
        %cond3A_129 = arith.constant 0 : i32
        %cond3A_130 = arith.cmpi ne, %convert_element_type3A_128, %cond3A_129 : i32
        scf.if %cond3A_130 {
          %dma_wait3A_131 = arith.constant 0 : i32
          %dma_wait3A_132 = arith.constant 0 : i32
          %dma_wait3A_133 = tpu.memref_slice %arg2[%dma_wait3A_131, %dma_wait3A_132] : memref<10000x128xf32, #tpu.memory_space<hbm>> -> memref<10000x128xf32, #tpu.memory_space<hbm>>
          tpu.wait_indirect_dma semaphore(%arg11 : memref<!tpu.dma_semaphore, #tpu.memory_space<semaphore_mem>>) src(%dma_wait3A_133 : memref<10000x128xf32, #tpu.memory_space<hbm>>) dst(%arg17 : memref<128x128xf32, #tpu.memory_space<vmem>>)
          %dma_start3A_134 = arith.constant 0 : i32
          %dma_start3A_135 = arith.constant 0 : i32
          %dma_start3A_136 = tpu.memref_slice %arg6[%dma_start3A_134, %dma_start3A_135] : memref<10240x128xf32, #tpu.memory_space<vmem_shared>> -> memref<10240x128xf32, #tpu.memory_space<vmem_shared>>
          tpu.enqueue_indirect_dma source(%arg17 : memref<128x128xf32, #tpu.memory_space<vmem>>) target(%dma_start3A_136 : memref<10240x128xf32, #tpu.memory_space<vmem_shared>>) offsets(%arg9 : memref<128xi32, #tpu.memory_space<vmem>>) semaphore(%arg23 : memref<!tpu.dma_semaphore, #tpu.memory_space<semaphore_mem>>) {add = true}
        } else {
        }
      } else {
      }
    }
    %scan3A_44 = arith.constant 20 : i32
    %lt3A_45 = arith.constant 4 : i32
    %lt3A_46 = arith.cmpi slt, %add3A, %lt3A_45 : i32
    %convert_element_type3A = arith.extui %lt3A_46 : i1 to i32
    %cond3A = arith.constant 0 : i32
    %cond3A_47 = arith.cmpi ne, %convert_element_type3A, %cond3A : i32
    scf.if %cond3A_47 {
      %dma_wait3A_68 = arith.constant 0 : i32
      %dma_wait3A_69 = arith.constant 0 : i32
      %dma_wait3A_70 = tpu.memref_slice %arg2[%dma_wait3A_68, %dma_wait3A_69] : memref<10000x128xf32, #tpu.memory_space<hbm>> -> memref<10000x128xf32, #tpu.memory_space<hbm>>
      tpu.wait_indirect_dma semaphore(%arg11 : memref<!tpu.dma_semaphore, #tpu.memory_space<semaphore_mem>>) src(%dma_wait3A_70 : memref<10000x128xf32, #tpu.memory_space<hbm>>) dst(%arg17 : memref<128x128xf32, #tpu.memory_space<vmem>>)
      %dma_start3A_71 = arith.constant 0 : i32
      %dma_start3A_72 = arith.constant 0 : i32
      %dma_start3A_73 = tpu.memref_slice %arg6[%dma_start3A_71, %dma_start3A_72] : memref<10240x128xf32, #tpu.memory_space<vmem_shared>> -> memref<10240x128xf32, #tpu.memory_space<vmem_shared>>
      tpu.enqueue_indirect_dma source(%arg17 : memref<128x128xf32, #tpu.memory_space<vmem>>) target(%dma_start3A_73 : memref<10240x128xf32, #tpu.memory_space<vmem_shared>>) offsets(%arg9 : memref<128xi32, #tpu.memory_space<vmem>>) semaphore(%arg23 : memref<!tpu.dma_semaphore, #tpu.memory_space<semaphore_mem>>) {add = true}
    } else {
    }
    %ge3A = arith.constant 4 : i32
    %ge3A_48 = arith.cmpi sge, %add3A, %ge3A : i32
    %convert_element_type3A_49 = arith.extui %ge3A_48 : i1 to i32
    %cond3A_50 = arith.constant 0 : i32
    %cond3A_51 = arith.cmpi ne, %convert_element_type3A_49, %cond3A_50 : i32
    scf.if %cond3A_51 {
      %dma_wait3A_68 = arith.constant 0 : i32
      %dma_wait3A_69 = arith.constant 0 : i32
      %dma_wait3A_70 = tpu.memref_slice %arg2[%dma_wait3A_68, %dma_wait3A_69] : memref<10000x128xf32, #tpu.memory_space<hbm>> -> memref<10000x128xf32, #tpu.memory_space<hbm>>
      tpu.wait_indirect_dma semaphore(%arg12 : memref<!tpu.dma_semaphore, #tpu.memory_space<semaphore_mem>>) src(%dma_wait3A_70 : memref<10000x128xf32, #tpu.memory_space<hbm>>) dst(%arg18 : memref<128x128xf32, #tpu.memory_space<vmem>>)
      %dma_start3A_71 = arith.constant 0 : i32
      %dma_start3A_72 = arith.constant 0 : i32
      %dma_start3A_73 = tpu.memref_slice %arg6[%dma_start3A_71, %dma_start3A_72] : memref<10240x128xf32, #tpu.memory_space<vmem_shared>> -> memref<10240x128xf32, #tpu.memory_space<vmem_shared>>
      tpu.enqueue_indirect_dma source(%arg18 : memref<128x128xf32, #tpu.memory_space<vmem>>) target(%dma_start3A_73 : memref<10240x128xf32, #tpu.memory_space<vmem_shared>>) offsets(%arg8 : memref<128xi32, #tpu.memory_space<vmem>>) semaphore(%arg24 : memref<!tpu.dma_semaphore, #tpu.memory_space<semaphore_mem>>) {add = true}
    } else {
    }
    %dma_wait3A = arith.constant 0 : i32
    %dma_wait3A_52 = arith.constant 0 : i32
    %dma_wait3A_53 = tpu.memref_slice %arg6[%dma_wait3A, %dma_wait3A_52] : memref<10240x128xf32, #tpu.memory_space<vmem_shared>> -> memref<10240x128xf32, #tpu.memory_space<vmem_shared>>
    tpu.wait_indirect_dma semaphore(%arg23 : memref<!tpu.dma_semaphore, #tpu.memory_space<semaphore_mem>>) src(%arg17 : memref<128x128xf32, #tpu.memory_space<vmem>>) dst(%dma_wait3A_53 : memref<10240x128xf32, #tpu.memory_space<vmem_shared>>)
    %dma_wait3A_54 = arith.constant 0 : i32
    %dma_wait3A_55 = arith.constant 0 : i32
    %dma_wait3A_56 = tpu.memref_slice %arg6[%dma_wait3A_54, %dma_wait3A_55] : memref<10240x128xf32, #tpu.memory_space<vmem_shared>> -> memref<10240x128xf32, #tpu.memory_space<vmem_shared>>
    tpu.wait_indirect_dma semaphore(%arg24 : memref<!tpu.dma_semaphore, #tpu.memory_space<semaphore_mem>>) src(%arg18 : memref<128x128xf32, #tpu.memory_space<vmem>>) dst(%dma_wait3A_56 : memref<10240x128xf32, #tpu.memory_space<vmem_shared>>)
    %lt3A_57 = arith.constant 4 : i32
    %lt3A_58 = arith.cmpi slt, %add3A, %lt3A_57 : i32
    %convert_element_type3A_59 = arith.extui %lt3A_58 : i1 to i32
    %cond3A_60 = arith.constant 0 : i32
    %cond3A_61 = arith.cmpi ne, %convert_element_type3A_59, %cond3A_60 : i32
    scf.if %cond3A_61 {
      %dma_wait3A_68 = arith.constant 0 : i32
      %dma_wait3A_69 = tpu.memref_slice %arg3[%dma_wait3A_68] : memref<323584xi32, #tpu.memory_space<hbm>> -> memref<128xi32, #tpu.memory_space<hbm>>
      %dma_wait3A_70 = arith.constant 0 : i32
      %dma_wait3A_71 = tpu.memref_slice %arg3[%dma_wait3A_70] : memref<323584xi32, #tpu.memory_space<hbm>> -> memref<128xi32, #tpu.memory_space<hbm>>
      tpu.wait_dma2 semaphore(%arg16 : memref<!tpu.dma_semaphore, #tpu.memory_space<semaphore_mem>>) src(%dma_wait3A_71 : memref<128xi32, #tpu.memory_space<hbm>>) dst(%arg10 : memref<128xi32, #tpu.memory_space<vmem>>)
      %dma_wait3A_72 = arith.constant 0 : i32
      %dma_wait3A_73 = tpu.memref_slice %arg3[%dma_wait3A_72] : memref<323584xi32, #tpu.memory_space<hbm>> -> memref<128xi32, #tpu.memory_space<hbm>>
      %dma_wait3A_74 = arith.constant 0 : i32
      %dma_wait3A_75 = tpu.memref_slice %arg3[%dma_wait3A_74] : memref<323584xi32, #tpu.memory_space<hbm>> -> memref<128xi32, #tpu.memory_space<hbm>>
      tpu.wait_dma2 semaphore(%arg16 : memref<!tpu.dma_semaphore, #tpu.memory_space<semaphore_mem>>) src(%dma_wait3A_75 : memref<128xi32, #tpu.memory_space<hbm>>) dst(%arg22 : memref<128xi32, #tpu.memory_space<vmem>>)
      %dma_wait3A_76 = arith.constant 0 : i32
      %dma_wait3A_77 = tpu.memref_slice %arg3[%dma_wait3A_76] : memref<323584xi32, #tpu.memory_space<hbm>> -> memref<128xi32, #tpu.memory_space<hbm>>
      %dma_wait3A_78 = arith.constant 0 : i32
      %dma_wait3A_79 = tpu.memref_slice %arg3[%dma_wait3A_78] : memref<323584xi32, #tpu.memory_space<hbm>> -> memref<128xi32, #tpu.memory_space<hbm>>
      tpu.wait_dma2 semaphore(%arg13 : memref<!tpu.dma_semaphore, #tpu.memory_space<semaphore_mem>>) src(%dma_wait3A_79 : memref<128xi32, #tpu.memory_space<hbm>>) dst(%arg7 : memref<128xi32, #tpu.memory_space<vmem>>)
      %dma_wait3A_80 = arith.constant 0 : i32
      %dma_wait3A_81 = tpu.memref_slice %arg3[%dma_wait3A_80] : memref<323584xi32, #tpu.memory_space<hbm>> -> memref<128xi32, #tpu.memory_space<hbm>>
      %dma_wait3A_82 = arith.constant 0 : i32
      %dma_wait3A_83 = tpu.memref_slice %arg3[%dma_wait3A_82] : memref<323584xi32, #tpu.memory_space<hbm>> -> memref<128xi32, #tpu.memory_space<hbm>>
      tpu.wait_dma2 semaphore(%arg13 : memref<!tpu.dma_semaphore, #tpu.memory_space<semaphore_mem>>) src(%dma_wait3A_83 : memref<128xi32, #tpu.memory_space<hbm>>) dst(%arg19 : memref<128xi32, #tpu.memory_space<vmem>>)
    } else {
    }
    %ge3A_62 = arith.constant 4 : i32
    %ge3A_63 = arith.cmpi sge, %add3A, %ge3A_62 : i32
    %convert_element_type3A_64 = arith.extui %ge3A_63 : i1 to i32
    %cond3A_65 = arith.constant 0 : i32
    %cond3A_66 = arith.cmpi ne, %convert_element_type3A_64, %cond3A_65 : i32
    scf.if %cond3A_66 {
      %dma_wait3A_68 = arith.constant 0 : i32
      %dma_wait3A_69 = tpu.memref_slice %arg3[%dma_wait3A_68] : memref<323584xi32, #tpu.memory_space<hbm>> -> memref<128xi32, #tpu.memory_space<hbm>>
      %dma_wait3A_70 = arith.constant 0 : i32
      %dma_wait3A_71 = tpu.memref_slice %arg3[%dma_wait3A_70] : memref<323584xi32, #tpu.memory_space<hbm>> -> memref<128xi32, #tpu.memory_space<hbm>>
      tpu.wait_dma2 semaphore(%arg15 : memref<!tpu.dma_semaphore, #tpu.memory_space<semaphore_mem>>) src(%dma_wait3A_71 : memref<128xi32, #tpu.memory_space<hbm>>) dst(%arg9 : memref<128xi32, #tpu.memory_space<vmem>>)
      %dma_wait3A_72 = arith.constant 0 : i32
      %dma_wait3A_73 = tpu.memref_slice %arg3[%dma_wait3A_72] : memref<323584xi32, #tpu.memory_space<hbm>> -> memref<128xi32, #tpu.memory_space<hbm>>
      %dma_wait3A_74 = arith.constant 0 : i32
      %dma_wait3A_75 = tpu.memref_slice %arg3[%dma_wait3A_74] : memref<323584xi32, #tpu.memory_space<hbm>> -> memref<128xi32, #tpu.memory_space<hbm>>
      tpu.wait_dma2 semaphore(%arg15 : memref<!tpu.dma_semaphore, #tpu.memory_space<semaphore_mem>>) src(%dma_wait3A_75 : memref<128xi32, #tpu.memory_space<hbm>>) dst(%arg21 : memref<128xi32, #tpu.memory_space<vmem>>)
      %dma_wait3A_76 = arith.constant 0 : i32
      %dma_wait3A_77 = tpu.memref_slice %arg3[%dma_wait3A_76] : memref<323584xi32, #tpu.memory_space<hbm>> -> memref<128xi32, #tpu.memory_space<hbm>>
      %dma_wait3A_78 = arith.constant 0 : i32
      %dma_wait3A_79 = tpu.memref_slice %arg3[%dma_wait3A_78] : memref<323584xi32, #tpu.memory_space<hbm>> -> memref<128xi32, #tpu.memory_space<hbm>>
      tpu.wait_dma2 semaphore(%arg16 : memref<!tpu.dma_semaphore, #tpu.memory_space<semaphore_mem>>) src(%dma_wait3A_79 : memref<128xi32, #tpu.memory_space<hbm>>) dst(%arg10 : memref<128xi32, #tpu.memory_space<vmem>>)
      %dma_wait3A_80 = arith.constant 0 : i32
      %dma_wait3A_81 = tpu.memref_slice %arg3[%dma_wait3A_80] : memref<323584xi32, #tpu.memory_space<hbm>> -> memref<128xi32, #tpu.memory_space<hbm>>
      %dma_wait3A_82 = arith.constant 0 : i32
      %dma_wait3A_83 = tpu.memref_slice %arg3[%dma_wait3A_82] : memref<323584xi32, #tpu.memory_space<hbm>> -> memref<128xi32, #tpu.memory_space<hbm>>
      tpu.wait_dma2 semaphore(%arg16 : memref<!tpu.dma_semaphore, #tpu.memory_space<semaphore_mem>>) src(%dma_wait3A_83 : memref<128xi32, #tpu.memory_space<hbm>>) dst(%arg22 : memref<128xi32, #tpu.memory_space<vmem>>)
    } else {
    }
    %barrier3A_67 = arith.constant 0 : index
    tpu.barrier barrier_id(%barrier3A_67)
    "tpu.region"() ({
      %run_scoped3A = tpu.sem_alloc : memref<!tpu.dma_semaphore, #tpu.memory_space<semaphore_mem>>
      %dma_start3A_68 = arith.constant 0 : i32
      %dma_start3A_69 = tpu.memref_slice %arg5[%arg0, %mul3A_13, %dma_start3A_68] : memref<2x10240x128xf32, #tpu.memory_space<hbm>> -> memref<1x640x128xf32, #tpu.memory_space<hbm>>
      %dma_start3A_70 = tpu.memref_squeeze %dma_start3A_69 : memref<1x640x128xf32, #tpu.memory_space<hbm>> -> memref<640x128xf32, #tpu.memory_space<hbm>>
      %dma_start3A_71 = arith.constant 0 : i32
      %dma_start3A_72 = tpu.memref_slice %arg6[%mul3A_13, %dma_start3A_71] : memref<10240x128xf32, #tpu.memory_space<vmem_shared>> -> memref<640x128xf32, #tpu.memory_space<vmem_shared>>
      tpu.enqueue_dma source(%dma_start3A_72 : memref<640x128xf32, #tpu.memory_space<vmem_shared>>) target(%dma_start3A_70 : memref<640x128xf32, #tpu.memory_space<hbm>>) target_semaphore(%run_scoped3A : memref<!tpu.dma_semaphore, #tpu.memory_space<semaphore_mem>>)
      %dma_wait3A_73 = arith.constant 0 : i32
      %dma_wait3A_74 = tpu.memref_slice %arg5[%arg0, %mul3A_13, %dma_wait3A_73] : memref<2x10240x128xf32, #tpu.memory_space<hbm>> -> memref<1x640x128xf32, #tpu.memory_space<hbm>>
      %dma_wait3A_75 = tpu.memref_squeeze %dma_wait3A_74 : memref<1x640x128xf32, #tpu.memory_space<hbm>> -> memref<640x128xf32, #tpu.memory_space<hbm>>
      %dma_wait3A_76 = arith.constant 0 : i32
      %dma_wait3A_77 = tpu.memref_slice %arg6[%mul3A_13, %dma_wait3A_76] : memref<10240x128xf32, #tpu.memory_space<vmem_shared>> -> memref<640x128xf32, #tpu.memory_space<vmem_shared>>
      tpu.wait_dma2 semaphore(%run_scoped3A : memref<!tpu.dma_semaphore, #tpu.memory_space<semaphore_mem>>) src(%dma_wait3A_77 : memref<640x128xf32, #tpu.memory_space<vmem_shared>>) dst(%dma_wait3A_75 : memref<640x128xf32, #tpu.memory_space<hbm>>)
      tpu.yield
    }) : () -> ()
    return
  }
}

#map = affine_map<(d0, d1) -> (0, 0)>
#map1 = affine_map<(d0, d1) -> (0, 0, 0)>
module attributes {stable_mosaic.version = 14 : i64} {
  func.func @sc_deg(%arg0: i32, %arg1: i32, %arg2: memref<2528x128xi32, #tpu.memory_space<hbm>>, %arg3: memref<2x10240x16xf32, #tpu.memory_space<hbm>>, %arg4: memref<10240x16xf32, #tpu.memory_space<vmem_shared>>, %arg5: memref<79x128xi32, #tpu.memory_space<vmem>>, %arg6: memref<128x16xf32, #tpu.memory_space<vmem>>, %arg7: memref<!tpu.dma_semaphore, #tpu.memory_space<semaphore_mem>>, %arg8: memref<128x16xf32, #tpu.memory_space<vmem>>) attributes {dimension_semantics = [#tpu.dimension_semantics<core_parallel>, #tpu.dimension_semantics<subcore_parallel>], iteration_bounds = array<i64: 2, 16>, scalar_prefetch = 0 : i64, scratch_operands = 5 : i64, tpu.core_type = #tpu.core_type<sc_vector_subcore>, window_params = [{transform_indices = #map}, {transform_indices = #map1}]} {
    %mul3A = arith.constant 16 : i32
    %mul3A_0 = arith.muli %arg0, %mul3A : i32
    %add3A = arith.addi %mul3A_0, %arg1 : i32
    %mul3A_1 = arith.constant 79 : i32
    %mul3A_2 = arith.muli %add3A, %mul3A_1 : i32
    %scan3A = arith.constant 0 : i32
    %scan3A_3 = arith.constant 0 : i32
    %scan3A_4 = arith.constant 128 : i32
    %scan3A_5 = arith.addi %scan3A_3, %scan3A_4 : i32
    %scan3A_6 = arith.constant 1 : i32
    scf.for %scan3A_39 = %scan3A_3 to %scan3A_5 step %scan3A_6  : i32 {
      %scan3A_40 = arith.constant 0 : i32
      %broadcast_in_dim3A = arith.constant 1.000000e+00 : f32
      %broadcast_in_dim3A_41 = vector.broadcast %broadcast_in_dim3A : f32 to vector<16xf32>
      %mul3A_42 = arith.constant 16 : i32
      %mul3A_43 = arith.muli %scan3A_40, %mul3A_42 : i32
      %swap3A = arith.index_cast %scan3A_39 : i32 to index
      %swap3A_44 = arith.index_cast %mul3A_43 : i32 to index
      %swap3A_45 = tpu.vector_load %arg6[%swap3A, %swap3A_44] {strides = array<i32>} : memref<128x16xf32, #tpu.memory_space<vmem>>, vector<1x16xf32>,
      %swap3A_46 = vector.shape_cast %swap3A_45 : vector<1x16xf32> to vector<16xf32>
      %swap3A_47 = vector.shape_cast %broadcast_in_dim3A_41 : vector<16xf32> to vector<1x16xf32>
      tpu.vector_store %arg6[%swap3A, %swap3A_44], %swap3A_47 {strides = array<i32>} : memref<128x16xf32, #tpu.memory_space<vmem>>, vector<1x16xf32>,
      %scan3A_48 = arith.constant 1 : i32
    }
    %scan3A_7 = arith.constant 128 : i32
    %scan3A_8 = arith.constant 0 : i32
    %scan3A_9 = arith.constant 0 : i32
    %scan3A_10 = arith.constant 128 : i32
    %scan3A_11 = arith.addi %scan3A_9, %scan3A_10 : i32
    %scan3A_12 = arith.constant 1 : i32
    scf.for %scan3A_39 = %scan3A_9 to %scan3A_11 step %scan3A_12  : i32 {
      %scan3A_40 = arith.constant 0 : i32
      %broadcast_in_dim3A = arith.constant 0.000000e+00 : f32
      %broadcast_in_dim3A_41 = vector.broadcast %broadcast_in_dim3A : f32 to vector<16xf32>
      %mul3A_42 = arith.constant 16 : i32
      %mul3A_43 = arith.muli %scan3A_40, %mul3A_42 : i32
      %swap3A = arith.index_cast %scan3A_39 : i32 to index
      %swap3A_44 = arith.index_cast %mul3A_43 : i32 to index
      %swap3A_45 = tpu.vector_load %arg8[%swap3A, %swap3A_44] {strides = array<i32>} : memref<128x16xf32, #tpu.memory_space<vmem>>, vector<1x16xf32>,
      %swap3A_46 = vector.shape_cast %swap3A_45 : vector<1x16xf32> to vector<16xf32>
      %swap3A_47 = vector.shape_cast %broadcast_in_dim3A_41 : vector<16xf32> to vector<1x16xf32>
      tpu.vector_store %arg8[%swap3A, %swap3A_44], %swap3A_47 {strides = array<i32>} : memref<128x16xf32, #tpu.memory_space<vmem>>, vector<1x16xf32>,
      %scan3A_48 = arith.constant 1 : i32
    }
    %scan3A_13 = arith.constant 128 : i32
    "tpu.region"() ({
      %run_scoped3A = tpu.sem_alloc : memref<!tpu.dma_semaphore, #tpu.memory_space<semaphore_mem>>
      %dma_start3A = arith.constant 0 : i32
      %dma_start3A_39 = tpu.memref_slice %arg2[%mul3A_2, %dma_start3A] : memref<2528x128xi32, #tpu.memory_space<hbm>> -> memref<79x128xi32, #tpu.memory_space<hbm>>
      %dma_start3A_40 = arith.constant 0 : i32
      %dma_start3A_41 = tpu.memref_slice %arg2[%mul3A_2, %dma_start3A_40] : memref<2528x128xi32, #tpu.memory_space<hbm>> -> memref<79x128xi32, #tpu.memory_space<hbm>>
      tpu.enqueue_dma source(%dma_start3A_41 : memref<79x128xi32, #tpu.memory_space<hbm>>) target(%arg5 : memref<79x128xi32, #tpu.memory_space<vmem>>) target_semaphore(%run_scoped3A : memref<!tpu.dma_semaphore, #tpu.memory_space<semaphore_mem>>)
      %dma_wait3A = arith.constant 0 : i32
      %dma_wait3A_42 = tpu.memref_slice %arg2[%mul3A_2, %dma_wait3A] : memref<2528x128xi32, #tpu.memory_space<hbm>> -> memref<79x128xi32, #tpu.memory_space<hbm>>
      %dma_wait3A_43 = arith.constant 0 : i32
      %dma_wait3A_44 = tpu.memref_slice %arg2[%mul3A_2, %dma_wait3A_43] : memref<2528x128xi32, #tpu.memory_space<hbm>> -> memref<79x128xi32, #tpu.memory_space<hbm>>
      tpu.wait_dma2 semaphore(%run_scoped3A : memref<!tpu.dma_semaphore, #tpu.memory_space<semaphore_mem>>) src(%dma_wait3A_44 : memref<79x128xi32, #tpu.memory_space<hbm>>) dst(%arg5 : memref<79x128xi32, #tpu.memory_space<vmem>>)
      tpu.yield
    }) : () -> ()
    %mul3A_14 = arith.constant 640 : i32
    %mul3A_15 = arith.muli %arg1, %mul3A_14 : i32
    %add3A_16 = arith.constant 0 : i32
    %add3A_17 = arith.addi %mul3A_15, %add3A_16 : i32
    "tpu.region"() ({
      %run_scoped3A = tpu.sem_alloc : memref<!tpu.dma_semaphore, #tpu.memory_space<semaphore_mem>>
      %dma_start3A = arith.constant 0 : i32
      %dma_start3A_39 = tpu.memref_slice %arg4[%add3A_17, %dma_start3A] : memref<10240x16xf32, #tpu.memory_space<vmem_shared>> -> memref<128x16xf32, #tpu.memory_space<vmem_shared>>
      %dma_start3A_40 = arith.constant 0 : i32
      %dma_start3A_41 = tpu.memref_slice %arg4[%add3A_17, %dma_start3A_40] : memref<10240x16xf32, #tpu.memory_space<vmem_shared>> -> memref<128x16xf32, #tpu.memory_space<vmem_shared>>
      tpu.enqueue_dma source(%arg8 : memref<128x16xf32, #tpu.memory_space<vmem>>) target(%dma_start3A_41 : memref<128x16xf32, #tpu.memory_space<vmem_shared>>) target_semaphore(%run_scoped3A : memref<!tpu.dma_semaphore, #tpu.memory_space<semaphore_mem>>)
      %dma_wait3A = arith.constant 0 : i32
      %dma_wait3A_42 = tpu.memref_slice %arg4[%add3A_17, %dma_wait3A] : memref<10240x16xf32, #tpu.memory_space<vmem_shared>> -> memref<128x16xf32, #tpu.memory_space<vmem_shared>>
      %dma_wait3A_43 = arith.constant 0 : i32
      %dma_wait3A_44 = tpu.memref_slice %arg4[%add3A_17, %dma_wait3A_43] : memref<10240x16xf32, #tpu.memory_space<vmem_shared>> -> memref<128x16xf32, #tpu.memory_space<vmem_shared>>
      tpu.wait_dma2 semaphore(%run_scoped3A : memref<!tpu.dma_semaphore, #tpu.memory_space<semaphore_mem>>) src(%arg8 : memref<128x16xf32, #tpu.memory_space<vmem>>) dst(%dma_wait3A_44 : memref<128x16xf32, #tpu.memory_space<vmem_shared>>)
      tpu.yield
    }) : () -> ()
    %add3A_18 = arith.constant 128 : i32
    %add3A_19 = arith.addi %mul3A_15, %add3A_18 : i32
    "tpu.region"() ({
      %run_scoped3A = tpu.sem_alloc : memref<!tpu.dma_semaphore, #tpu.memory_space<semaphore_mem>>
      %dma_start3A = arith.constant 0 : i32
      %dma_start3A_39 = tpu.memref_slice %arg4[%add3A_19, %dma_start3A] : memref<10240x16xf32, #tpu.memory_space<vmem_shared>> -> memref<128x16xf32, #tpu.memory_space<vmem_shared>>
      %dma_start3A_40 = arith.constant 0 : i32
      %dma_start3A_41 = tpu.memref_slice %arg4[%add3A_19, %dma_start3A_40] : memref<10240x16xf32, #tpu.memory_space<vmem_shared>> -> memref<128x16xf32, #tpu.memory_space<vmem_shared>>
      tpu.enqueue_dma source(%arg8 : memref<128x16xf32, #tpu.memory_space<vmem>>) target(%dma_start3A_41 : memref<128x16xf32, #tpu.memory_space<vmem_shared>>) target_semaphore(%run_scoped3A : memref<!tpu.dma_semaphore, #tpu.memory_space<semaphore_mem>>)
      %dma_wait3A = arith.constant 0 : i32
      %dma_wait3A_42 = tpu.memref_slice %arg4[%add3A_19, %dma_wait3A] : memref<10240x16xf32, #tpu.memory_space<vmem_shared>> -> memref<128x16xf32, #tpu.memory_space<vmem_shared>>
      %dma_wait3A_43 = arith.constant 0 : i32
      %dma_wait3A_44 = tpu.memref_slice %arg4[%add3A_19, %dma_wait3A_43] : memref<10240x16xf32, #tpu.memory_space<vmem_shared>> -> memref<128x16xf32, #tpu.memory_space<vmem_shared>>
      tpu.wait_dma2 semaphore(%run_scoped3A : memref<!tpu.dma_semaphore, #tpu.memory_space<semaphore_mem>>) src(%arg8 : memref<128x16xf32, #tpu.memory_space<vmem>>) dst(%dma_wait3A_44 : memref<128x16xf32, #tpu.memory_space<vmem_shared>>)
      tpu.yield
    }) : () -> ()
    %add3A_20 = arith.constant 256 : i32
    %add3A_21 = arith.addi %mul3A_15, %add3A_20 : i32
    "tpu.region"() ({
      %run_scoped3A = tpu.sem_alloc : memref<!tpu.dma_semaphore, #tpu.memory_space<semaphore_mem>>
      %dma_start3A = arith.constant 0 : i32
      %dma_start3A_39 = tpu.memref_slice %arg4[%add3A_21, %dma_start3A] : memref<10240x16xf32, #tpu.memory_space<vmem_shared>> -> memref<128x16xf32, #tpu.memory_space<vmem_shared>>
      %dma_start3A_40 = arith.constant 0 : i32
      %dma_start3A_41 = tpu.memref_slice %arg4[%add3A_21, %dma_start3A_40] : memref<10240x16xf32, #tpu.memory_space<vmem_shared>> -> memref<128x16xf32, #tpu.memory_space<vmem_shared>>
      tpu.enqueue_dma source(%arg8 : memref<128x16xf32, #tpu.memory_space<vmem>>) target(%dma_start3A_41 : memref<128x16xf32, #tpu.memory_space<vmem_shared>>) target_semaphore(%run_scoped3A : memref<!tpu.dma_semaphore, #tpu.memory_space<semaphore_mem>>)
      %dma_wait3A = arith.constant 0 : i32
      %dma_wait3A_42 = tpu.memref_slice %arg4[%add3A_21, %dma_wait3A] : memref<10240x16xf32, #tpu.memory_space<vmem_shared>> -> memref<128x16xf32, #tpu.memory_space<vmem_shared>>
      %dma_wait3A_43 = arith.constant 0 : i32
      %dma_wait3A_44 = tpu.memref_slice %arg4[%add3A_21, %dma_wait3A_43] : memref<10240x16xf32, #tpu.memory_space<vmem_shared>> -> memref<128x16xf32, #tpu.memory_space<vmem_shared>>
      tpu.wait_dma2 semaphore(%run_scoped3A : memref<!tpu.dma_semaphore, #tpu.memory_space<semaphore_mem>>) src(%arg8 : memref<128x16xf32, #tpu.memory_space<vmem>>) dst(%dma_wait3A_44 : memref<128x16xf32, #tpu.memory_space<vmem_shared>>)
      tpu.yield
    }) : () -> ()
    %add3A_22 = arith.constant 384 : i32
    %add3A_23 = arith.addi %mul3A_15, %add3A_22 : i32
    "tpu.region"() ({
      %run_scoped3A = tpu.sem_alloc : memref<!tpu.dma_semaphore, #tpu.memory_space<semaphore_mem>>
      %dma_start3A = arith.constant 0 : i32
      %dma_start3A_39 = tpu.memref_slice %arg4[%add3A_23, %dma_start3A] : memref<10240x16xf32, #tpu.memory_space<vmem_shared>> -> memref<128x16xf32, #tpu.memory_space<vmem_shared>>
      %dma_start3A_40 = arith.constant 0 : i32
      %dma_start3A_41 = tpu.memref_slice %arg4[%add3A_23, %dma_start3A_40] : memref<10240x16xf32, #tpu.memory_space<vmem_shared>> -> memref<128x16xf32, #tpu.memory_space<vmem_shared>>
      tpu.enqueue_dma source(%arg8 : memref<128x16xf32, #tpu.memory_space<vmem>>) target(%dma_start3A_41 : memref<128x16xf32, #tpu.memory_space<vmem_shared>>) target_semaphore(%run_scoped3A : memref<!tpu.dma_semaphore, #tpu.memory_space<semaphore_mem>>)
      %dma_wait3A = arith.constant 0 : i32
      %dma_wait3A_42 = tpu.memref_slice %arg4[%add3A_23, %dma_wait3A] : memref<10240x16xf32, #tpu.memory_space<vmem_shared>> -> memref<128x16xf32, #tpu.memory_space<vmem_shared>>
      %dma_wait3A_43 = arith.constant 0 : i32
      %dma_wait3A_44 = tpu.memref_slice %arg4[%add3A_23, %dma_wait3A_43] : memref<10240x16xf32, #tpu.memory_space<vmem_shared>> -> memref<128x16xf32, #tpu.memory_space<vmem_shared>>
      tpu.wait_dma2 semaphore(%run_scoped3A : memref<!tpu.dma_semaphore, #tpu.memory_space<semaphore_mem>>) src(%arg8 : memref<128x16xf32, #tpu.memory_space<vmem>>) dst(%dma_wait3A_44 : memref<128x16xf32, #tpu.memory_space<vmem_shared>>)
      tpu.yield
    }) : () -> ()
    %add3A_24 = arith.constant 512 : i32
    %add3A_25 = arith.addi %mul3A_15, %add3A_24 : i32
    "tpu.region"() ({
      %run_scoped3A = tpu.sem_alloc : memref<!tpu.dma_semaphore, #tpu.memory_space<semaphore_mem>>
      %dma_start3A = arith.constant 0 : i32
      %dma_start3A_39 = tpu.memref_slice %arg4[%add3A_25, %dma_start3A] : memref<10240x16xf32, #tpu.memory_space<vmem_shared>> -> memref<128x16xf32, #tpu.memory_space<vmem_shared>>
      %dma_start3A_40 = arith.constant 0 : i32
      %dma_start3A_41 = tpu.memref_slice %arg4[%add3A_25, %dma_start3A_40] : memref<10240x16xf32, #tpu.memory_space<vmem_shared>> -> memref<128x16xf32, #tpu.memory_space<vmem_shared>>
      tpu.enqueue_dma source(%arg8 : memref<128x16xf32, #tpu.memory_space<vmem>>) target(%dma_start3A_41 : memref<128x16xf32, #tpu.memory_space<vmem_shared>>) target_semaphore(%run_scoped3A : memref<!tpu.dma_semaphore, #tpu.memory_space<semaphore_mem>>)
      %dma_wait3A = arith.constant 0 : i32
      %dma_wait3A_42 = tpu.memref_slice %arg4[%add3A_25, %dma_wait3A] : memref<10240x16xf32, #tpu.memory_space<vmem_shared>> -> memref<128x16xf32, #tpu.memory_space<vmem_shared>>
      %dma_wait3A_43 = arith.constant 0 : i32
      %dma_wait3A_44 = tpu.memref_slice %arg4[%add3A_25, %dma_wait3A_43] : memref<10240x16xf32, #tpu.memory_space<vmem_shared>> -> memref<128x16xf32, #tpu.memory_space<vmem_shared>>
      tpu.wait_dma2 semaphore(%run_scoped3A : memref<!tpu.dma_semaphore, #tpu.memory_space<semaphore_mem>>) src(%arg8 : memref<128x16xf32, #tpu.memory_space<vmem>>) dst(%dma_wait3A_44 : memref<128x16xf32, #tpu.memory_space<vmem_shared>>)
      tpu.yield
    }) : () -> ()
    %barrier3A = arith.constant 0 : index
    tpu.barrier barrier_id(%barrier3A)
    %scan3A_26 = arith.constant 0 : i32
    %scan3A_27 = arith.constant 0 : i32
    %scan3A_28 = arith.constant 79 : i32
    %scan3A_29 = arith.addi %scan3A_27, %scan3A_28 : i32
    %scan3A_30 = arith.constant 1 : i32
    scf.for %scan3A_39 = %scan3A_27 to %scan3A_29 step %scan3A_30  : i32 {
      %dma_start3A = arith.constant 0 : i32
      %dma_start3A_40 = tpu.memref_slice %arg5[%scan3A_39, %dma_start3A] : memref<79x128xi32, #tpu.memory_space<vmem>> -> memref<1x128xi32, #tpu.memory_space<vmem>>
      %dma_start3A_41 = tpu.memref_squeeze %dma_start3A_40 : memref<1x128xi32, #tpu.memory_space<vmem>> -> memref<128xi32, #tpu.memory_space<vmem>>
      %dma_start3A_42 = arith.constant 0 : i32
      %dma_start3A_43 = arith.constant 0 : i32
      %dma_start3A_44 = tpu.memref_slice %arg4[%dma_start3A_42, %dma_start3A_43] : memref<10240x16xf32, #tpu.memory_space<vmem_shared>> -> memref<10240x16xf32, #tpu.memory_space<vmem_shared>>
      tpu.enqueue_indirect_dma source(%arg6 : memref<128x16xf32, #tpu.memory_space<vmem>>) target(%dma_start3A_44 : memref<10240x16xf32, #tpu.memory_space<vmem_shared>>) offsets(%dma_start3A_41 : memref<128xi32, #tpu.memory_space<vmem>>) semaphore(%arg7 : memref<!tpu.dma_semaphore, #tpu.memory_space<semaphore_mem>>) {add = true}
    }
    %scan3A_31 = arith.constant 79 : i32
    %scan3A_32 = arith.constant 0 : i32
    %scan3A_33 = arith.constant 0 : i32
    %scan3A_34 = arith.constant 79 : i32
    %scan3A_35 = arith.addi %scan3A_33, %scan3A_34 : i32
    %scan3A_36 = arith.constant 1 : i32
    scf.for %scan3A_39 = %scan3A_33 to %scan3A_35 step %scan3A_36  : i32 {
      %dma_wait3A = arith.constant 0 : i32
      %dma_wait3A_40 = tpu.memref_slice %arg5[%scan3A_39, %dma_wait3A] : memref<79x128xi32, #tpu.memory_space<vmem>> -> memref<1x128xi32, #tpu.memory_space<vmem>>
      %dma_wait3A_41 = tpu.memref_squeeze %dma_wait3A_40 : memref<1x128xi32, #tpu.memory_space<vmem>> -> memref<128xi32, #tpu.memory_space<vmem>>
      %dma_wait3A_42 = arith.constant 0 : i32
      %dma_wait3A_43 = arith.constant 0 : i32
      %dma_wait3A_44 = tpu.memref_slice %arg4[%dma_wait3A_42, %dma_wait3A_43] : memref<10240x16xf32, #tpu.memory_space<vmem_shared>> -> memref<10240x16xf32, #tpu.memory_space<vmem_shared>>
      tpu.wait_indirect_dma semaphore(%arg7 : memref<!tpu.dma_semaphore, #tpu.memory_space<semaphore_mem>>) src(%arg6 : memref<128x16xf32, #tpu.memory_space<vmem>>) dst(%dma_wait3A_44 : memref<10240x16xf32, #tpu.memory_space<vmem_shared>>)
    }
    %scan3A_37 = arith.constant 79 : i32
    %barrier3A_38 = arith.constant 0 : index
    tpu.barrier barrier_id(%barrier3A_38)
    "tpu.region"() ({
      %run_scoped3A = tpu.sem_alloc : memref<!tpu.dma_semaphore, #tpu.memory_space<semaphore_mem>>
      %dma_start3A = arith.constant 0 : i32
      %dma_start3A_39 = tpu.memref_slice %arg3[%arg0, %mul3A_15, %dma_start3A] : memref<2x10240x16xf32, #tpu.memory_space<hbm>> -> memref<1x640x16xf32, #tpu.memory_space<hbm>>
      %dma_start3A_40 = tpu.memref_squeeze %dma_start3A_39 : memref<1x640x16xf32, #tpu.memory_space<hbm>> -> memref<640x16xf32, #tpu.memory_space<hbm>>
      %dma_start3A_41 = arith.constant 0 : i32
      %dma_start3A_42 = tpu.memref_slice %arg4[%mul3A_15, %dma_start3A_41] : memref<10240x16xf32, #tpu.memory_space<vmem_shared>> -> memref<640x16xf32, #tpu.memory_space<vmem_shared>>
      tpu.enqueue_dma source(%dma_start3A_42 : memref<640x16xf32, #tpu.memory_space<vmem_shared>>) target(%dma_start3A_40 : memref<640x16xf32, #tpu.memory_space<hbm>>) target_semaphore(%run_scoped3A : memref<!tpu.dma_semaphore, #tpu.memory_space<semaphore_mem>>)
      %dma_wait3A = arith.constant 0 : i32
      %dma_wait3A_43 = tpu.memref_slice %arg3[%arg0, %mul3A_15, %dma_wait3A] : memref<2x10240x16xf32, #tpu.memory_space<hbm>> -> memref<1x640x16xf32, #tpu.memory_space<hbm>>
      %dma_wait3A_44 = tpu.memref_squeeze %dma_wait3A_43 : memref<1x640x16xf32, #tpu.memory_space<hbm>> -> memref<640x16xf32, #tpu.memory_space<hbm>>
      %dma_wait3A_45 = arith.constant 0 : i32
      %dma_wait3A_46 = tpu.memref_slice %arg4[%mul3A_15, %dma_wait3A_45] : memref<10240x16xf32, #tpu.memory_space<vmem_shared>> -> memref<640x16xf32, #tpu.memory_space<vmem_shared>>
      tpu.wait_dma2 semaphore(%run_scoped3A : memref<!tpu.dma_semaphore, #tpu.memory_space<semaphore_mem>>) src(%dma_wait3A_46 : memref<640x16xf32, #tpu.memory_space<vmem_shared>>) dst(%dma_wait3A_44 : memref<640x16xf32, #tpu.memory_space<hbm>>)
      tpu.yield
    }) : () -> ()
    return
  }
}

#map = affine_map<(d0, d1) -> (0, 0)>
#map1 = affine_map<(d0, d1) -> (0)>
#map2 = affine_map<(d0, d1) -> (0, 0, 0)>
module attributes {stable_mosaic.version = 14 : i64} {
  func.func @sc_spmm_64(%arg0: i32, %arg1: i32, %arg2: memref<10000x64xf32, #tpu.memory_space<hbm>>, %arg3: memref<323584xi32, #tpu.memory_space<hbm>>, %arg4: memref<323584xi32, #tpu.memory_space<hbm>>, %arg5: memref<2x10240x64xf32, #tpu.memory_space<hbm>>, %arg6: memref<10240x64xf32, #tpu.memory_space<vmem_shared>>, %arg7: memref<128xi32, #tpu.memory_space<vmem>>, %arg8: memref<128xi32, #tpu.memory_space<vmem>>, %arg9: memref<128xi32, #tpu.memory_space<vmem>>, %arg10: memref<128xi32, #tpu.memory_space<vmem>>, %arg11: memref<!tpu.dma_semaphore, #tpu.memory_space<semaphore_mem>>, %arg12: memref<!tpu.dma_semaphore, #tpu.memory_space<semaphore_mem>>, %arg13: memref<!tpu.dma_semaphore, #tpu.memory_space<semaphore_mem>>, %arg14: memref<!tpu.dma_semaphore, #tpu.memory_space<semaphore_mem>>, %arg15: memref<!tpu.dma_semaphore, #tpu.memory_space<semaphore_mem>>, %arg16: memref<!tpu.dma_semaphore, #tpu.memory_space<semaphore_mem>>, %arg17: memref<128x64xf32, #tpu.memory_space<vmem>>, %arg18: memref<128x64xf32, #tpu.memory_space<vmem>>, %arg19: memref<128xi32, #tpu.memory_space<vmem>>, %arg20: memref<128xi32, #tpu.memory_space<vmem>>, %arg21: memref<128xi32, #tpu.memory_space<vmem>>, %arg22: memref<128xi32, #tpu.memory_space<vmem>>, %arg23: memref<!tpu.dma_semaphore, #tpu.memory_space<semaphore_mem>>, %arg24: memref<!tpu.dma_semaphore, #tpu.memory_space<semaphore_mem>>) attributes {dimension_semantics = [#tpu.dimension_semantics<core_parallel>, #tpu.dimension_semantics<subcore_parallel>], iteration_bounds = array<i64: 2, 16>, scalar_prefetch = 0 : i64, scratch_operands = 19 : i64, tpu.core_type = #tpu.core_type<sc_vector_subcore>, window_params = [{transform_indices = #map}, {transform_indices = #map1}, {transform_indices = #map1}, {transform_indices = #map2}]} {
    %mul3A = arith.constant 16 : i32
    %mul3A_0 = arith.muli %arg0, %mul3A : i32
    %add3A = arith.addi %mul3A_0, %arg1 : i32
    %mul3A_1 = arith.constant 78 : i32
    %mul3A_2 = arith.muli %add3A, %mul3A_1 : i32
    %min3A = arith.constant 4 : i32
    %min3A_3 = arith.minsi %add3A, %min3A : i32
    %add3A_4 = arith.addi %mul3A_2, %min3A_3 : i32
    %lt3A = arith.constant 4 : i32
    %lt3A_5 = arith.cmpi slt, %add3A, %lt3A : i32
    %jit3A = arith.constant 79 : i32
    %jit3A_6 = arith.constant 78 : i32
    %select_n3A = arith.select %lt3A_5, %jit3A, %jit3A_6 : i32
    %scan3A = arith.constant 0 : i32
    %scan3A_7 = arith.constant 0 : i32
    %scan3A_8 = arith.constant 128 : i32
    %scan3A_9 = arith.addi %scan3A_7, %scan3A_8 : i32
    %scan3A_10 = arith.constant 1 : i32
    scf.for %scan3A_68 = %scan3A_7 to %scan3A_9 step %scan3A_10  : i32 {
      %scan3A_69 = arith.constant 0 : i32
      %scan3A_70 = arith.constant 4 : i32
      %scan3A_71 = arith.addi %scan3A_69, %scan3A_70 : i32
      %scan3A_72 = arith.constant 1 : i32
      scf.for %scan3A_74 = %scan3A_69 to %scan3A_71 step %scan3A_72  : i32 {
        %broadcast_in_dim3A = arith.constant 0.000000e+00 : f32
        %broadcast_in_dim3A_75 = vector.broadcast %broadcast_in_dim3A : f32 to vector<16xf32>
        %mul3A_76 = arith.constant 16 : i32
        %mul3A_77 = arith.muli %scan3A_74, %mul3A_76 : i32
        %swap3A = arith.index_cast %scan3A_68 : i32 to index
        %swap3A_78 = arith.index_cast %mul3A_77 : i32 to index
        %swap3A_79 = tpu.vector_load %arg17[%swap3A, %swap3A_78] {strides = array<i32>} : memref<128x64xf32, #tpu.memory_space<vmem>>, vector<1x16xf32>,
        %swap3A_80 = vector.shape_cast %swap3A_79 : vector<1x16xf32> to vector<16xf32>
        %swap3A_81 = vector.shape_cast %broadcast_in_dim3A_75 : vector<16xf32> to vector<1x16xf32>
        tpu.vector_store %arg17[%swap3A, %swap3A_78], %swap3A_81 {strides = array<i32>} : memref<128x64xf32, #tpu.memory_space<vmem>>, vector<1x16xf32>,
      }
      %scan3A_73 = arith.constant 4 : i32
    }
    %scan3A_11 = arith.constant 128 : i32
    %mul3A_12 = arith.constant 640 : i32
    %mul3A_13 = arith.muli %arg1, %mul3A_12 : i32
    %add3A_14 = arith.constant 0 : i32
    %add3A_15 = arith.addi %mul3A_13, %add3A_14 : i32
    "tpu.region"() ({
      %run_scoped3A = tpu.sem_alloc : memref<!tpu.dma_semaphore, #tpu.memory_space<semaphore_mem>>
      %dma_start3A_68 = arith.constant 0 : i32
      %dma_start3A_69 = tpu.memref_slice %arg6[%add3A_15, %dma_start3A_68] : memref<10240x64xf32, #tpu.memory_space<vmem_shared>> -> memref<128x64xf32, #tpu.memory_space<vmem_shared>>
      %dma_start3A_70 = arith.constant 0 : i32
      %dma_start3A_71 = tpu.memref_slice %arg6[%add3A_15, %dma_start3A_70] : memref<10240x64xf32, #tpu.memory_space<vmem_shared>> -> memref<128x64xf32, #tpu.memory_space<vmem_shared>>
      tpu.enqueue_dma source(%arg17 : memref<128x64xf32, #tpu.memory_space<vmem>>) target(%dma_start3A_71 : memref<128x64xf32, #tpu.memory_space<vmem_shared>>) target_semaphore(%run_scoped3A : memref<!tpu.dma_semaphore, #tpu.memory_space<semaphore_mem>>)
      %dma_wait3A_72 = arith.constant 0 : i32
      %dma_wait3A_73 = tpu.memref_slice %arg6[%add3A_15, %dma_wait3A_72] : memref<10240x64xf32, #tpu.memory_space<vmem_shared>> -> memref<128x64xf32, #tpu.memory_space<vmem_shared>>
      %dma_wait3A_74 = arith.constant 0 : i32
      %dma_wait3A_75 = tpu.memref_slice %arg6[%add3A_15, %dma_wait3A_74] : memref<10240x64xf32, #tpu.memory_space<vmem_shared>> -> memref<128x64xf32, #tpu.memory_space<vmem_shared>>
      tpu.wait_dma2 semaphore(%run_scoped3A : memref<!tpu.dma_semaphore, #tpu.memory_space<semaphore_mem>>) src(%arg17 : memref<128x64xf32, #tpu.memory_space<vmem>>) dst(%dma_wait3A_75 : memref<128x64xf32, #tpu.memory_space<vmem_shared>>)
      tpu.yield
    }) : () -> ()
    %add3A_16 = arith.constant 128 : i32
    %add3A_17 = arith.addi %mul3A_13, %add3A_16 : i32
    "tpu.region"() ({
      %run_scoped3A = tpu.sem_alloc : memref<!tpu.dma_semaphore, #tpu.memory_space<semaphore_mem>>
      %dma_start3A_68 = arith.constant 0 : i32
      %dma_start3A_69 = tpu.memref_slice %arg6[%add3A_17, %dma_start3A_68] : memref<10240x64xf32, #tpu.memory_space<vmem_shared>> -> memref<128x64xf32, #tpu.memory_space<vmem_shared>>
      %dma_start3A_70 = arith.constant 0 : i32
      %dma_start3A_71 = tpu.memref_slice %arg6[%add3A_17, %dma_start3A_70] : memref<10240x64xf32, #tpu.memory_space<vmem_shared>> -> memref<128x64xf32, #tpu.memory_space<vmem_shared>>
      tpu.enqueue_dma source(%arg17 : memref<128x64xf32, #tpu.memory_space<vmem>>) target(%dma_start3A_71 : memref<128x64xf32, #tpu.memory_space<vmem_shared>>) target_semaphore(%run_scoped3A : memref<!tpu.dma_semaphore, #tpu.memory_space<semaphore_mem>>)
      %dma_wait3A_72 = arith.constant 0 : i32
      %dma_wait3A_73 = tpu.memref_slice %arg6[%add3A_17, %dma_wait3A_72] : memref<10240x64xf32, #tpu.memory_space<vmem_shared>> -> memref<128x64xf32, #tpu.memory_space<vmem_shared>>
      %dma_wait3A_74 = arith.constant 0 : i32
      %dma_wait3A_75 = tpu.memref_slice %arg6[%add3A_17, %dma_wait3A_74] : memref<10240x64xf32, #tpu.memory_space<vmem_shared>> -> memref<128x64xf32, #tpu.memory_space<vmem_shared>>
      tpu.wait_dma2 semaphore(%run_scoped3A : memref<!tpu.dma_semaphore, #tpu.memory_space<semaphore_mem>>) src(%arg17 : memref<128x64xf32, #tpu.memory_space<vmem>>) dst(%dma_wait3A_75 : memref<128x64xf32, #tpu.memory_space<vmem_shared>>)
      tpu.yield
    }) : () -> ()
    %add3A_18 = arith.constant 256 : i32
    %add3A_19 = arith.addi %mul3A_13, %add3A_18 : i32
    "tpu.region"() ({
      %run_scoped3A = tpu.sem_alloc : memref<!tpu.dma_semaphore, #tpu.memory_space<semaphore_mem>>
      %dma_start3A_68 = arith.constant 0 : i32
      %dma_start3A_69 = tpu.memref_slice %arg6[%add3A_19, %dma_start3A_68] : memref<10240x64xf32, #tpu.memory_space<vmem_shared>> -> memref<128x64xf32, #tpu.memory_space<vmem_shared>>
      %dma_start3A_70 = arith.constant 0 : i32
      %dma_start3A_71 = tpu.memref_slice %arg6[%add3A_19, %dma_start3A_70] : memref<10240x64xf32, #tpu.memory_space<vmem_shared>> -> memref<128x64xf32, #tpu.memory_space<vmem_shared>>
      tpu.enqueue_dma source(%arg17 : memref<128x64xf32, #tpu.memory_space<vmem>>) target(%dma_start3A_71 : memref<128x64xf32, #tpu.memory_space<vmem_shared>>) target_semaphore(%run_scoped3A : memref<!tpu.dma_semaphore, #tpu.memory_space<semaphore_mem>>)
      %dma_wait3A_72 = arith.constant 0 : i32
      %dma_wait3A_73 = tpu.memref_slice %arg6[%add3A_19, %dma_wait3A_72] : memref<10240x64xf32, #tpu.memory_space<vmem_shared>> -> memref<128x64xf32, #tpu.memory_space<vmem_shared>>
      %dma_wait3A_74 = arith.constant 0 : i32
      %dma_wait3A_75 = tpu.memref_slice %arg6[%add3A_19, %dma_wait3A_74] : memref<10240x64xf32, #tpu.memory_space<vmem_shared>> -> memref<128x64xf32, #tpu.memory_space<vmem_shared>>
      tpu.wait_dma2 semaphore(%run_scoped3A : memref<!tpu.dma_semaphore, #tpu.memory_space<semaphore_mem>>) src(%arg17 : memref<128x64xf32, #tpu.memory_space<vmem>>) dst(%dma_wait3A_75 : memref<128x64xf32, #tpu.memory_space<vmem_shared>>)
      tpu.yield
    }) : () -> ()
    %add3A_20 = arith.constant 384 : i32
    %add3A_21 = arith.addi %mul3A_13, %add3A_20 : i32
    "tpu.region"() ({
      %run_scoped3A = tpu.sem_alloc : memref<!tpu.dma_semaphore, #tpu.memory_space<semaphore_mem>>
      %dma_start3A_68 = arith.constant 0 : i32
      %dma_start3A_69 = tpu.memref_slice %arg6[%add3A_21, %dma_start3A_68] : memref<10240x64xf32, #tpu.memory_space<vmem_shared>> -> memref<128x64xf32, #tpu.memory_space<vmem_shared>>
      %dma_start3A_70 = arith.constant 0 : i32
      %dma_start3A_71 = tpu.memref_slice %arg6[%add3A_21, %dma_start3A_70] : memref<10240x64xf32, #tpu.memory_space<vmem_shared>> -> memref<128x64xf32, #tpu.memory_space<vmem_shared>>
      tpu.enqueue_dma source(%arg17 : memref<128x64xf32, #tpu.memory_space<vmem>>) target(%dma_start3A_71 : memref<128x64xf32, #tpu.memory_space<vmem_shared>>) target_semaphore(%run_scoped3A : memref<!tpu.dma_semaphore, #tpu.memory_space<semaphore_mem>>)
      %dma_wait3A_72 = arith.constant 0 : i32
      %dma_wait3A_73 = tpu.memref_slice %arg6[%add3A_21, %dma_wait3A_72] : memref<10240x64xf32, #tpu.memory_space<vmem_shared>> -> memref<128x64xf32, #tpu.memory_space<vmem_shared>>
      %dma_wait3A_74 = arith.constant 0 : i32
      %dma_wait3A_75 = tpu.memref_slice %arg6[%add3A_21, %dma_wait3A_74] : memref<10240x64xf32, #tpu.memory_space<vmem_shared>> -> memref<128x64xf32, #tpu.memory_space<vmem_shared>>
      tpu.wait_dma2 semaphore(%run_scoped3A : memref<!tpu.dma_semaphore, #tpu.memory_space<semaphore_mem>>) src(%arg17 : memref<128x64xf32, #tpu.memory_space<vmem>>) dst(%dma_wait3A_75 : memref<128x64xf32, #tpu.memory_space<vmem_shared>>)
      tpu.yield
    }) : () -> ()
    %add3A_22 = arith.constant 512 : i32
    %add3A_23 = arith.addi %mul3A_13, %add3A_22 : i32
    "tpu.region"() ({
      %run_scoped3A = tpu.sem_alloc : memref<!tpu.dma_semaphore, #tpu.memory_space<semaphore_mem>>
      %dma_start3A_68 = arith.constant 0 : i32
      %dma_start3A_69 = tpu.memref_slice %arg6[%add3A_23, %dma_start3A_68] : memref<10240x64xf32, #tpu.memory_space<vmem_shared>> -> memref<128x64xf32, #tpu.memory_space<vmem_shared>>
      %dma_start3A_70 = arith.constant 0 : i32
      %dma_start3A_71 = tpu.memref_slice %arg6[%add3A_23, %dma_start3A_70] : memref<10240x64xf32, #tpu.memory_space<vmem_shared>> -> memref<128x64xf32, #tpu.memory_space<vmem_shared>>
      tpu.enqueue_dma source(%arg17 : memref<128x64xf32, #tpu.memory_space<vmem>>) target(%dma_start3A_71 : memref<128x64xf32, #tpu.memory_space<vmem_shared>>) target_semaphore(%run_scoped3A : memref<!tpu.dma_semaphore, #tpu.memory_space<semaphore_mem>>)
      %dma_wait3A_72 = arith.constant 0 : i32
      %dma_wait3A_73 = tpu.memref_slice %arg6[%add3A_23, %dma_wait3A_72] : memref<10240x64xf32, #tpu.memory_space<vmem_shared>> -> memref<128x64xf32, #tpu.memory_space<vmem_shared>>
      %dma_wait3A_74 = arith.constant 0 : i32
      %dma_wait3A_75 = tpu.memref_slice %arg6[%add3A_23, %dma_wait3A_74] : memref<10240x64xf32, #tpu.memory_space<vmem_shared>> -> memref<128x64xf32, #tpu.memory_space<vmem_shared>>
      tpu.wait_dma2 semaphore(%run_scoped3A : memref<!tpu.dma_semaphore, #tpu.memory_space<semaphore_mem>>) src(%arg17 : memref<128x64xf32, #tpu.memory_space<vmem>>) dst(%dma_wait3A_75 : memref<128x64xf32, #tpu.memory_space<vmem_shared>>)
      tpu.yield
    }) : () -> ()
    %barrier3A = arith.constant 0 : index
    tpu.barrier barrier_id(%barrier3A)
    %add3A_24 = arith.constant 0 : i32
    %add3A_25 = arith.addi %add3A_4, %add3A_24 : i32
    %mul3A_26 = arith.constant 128 : i32
    %mul3A_27 = arith.muli %add3A_25, %mul3A_26 : i32
    %dma_start3A = tpu.memref_slice %arg4[%mul3A_27] : memref<323584xi32, #tpu.memory_space<hbm>> -> memref<128xi32, #tpu.memory_space<hbm>>
    %dma_start3A_28 = tpu.memref_slice %arg4[%mul3A_27] : memref<323584xi32, #tpu.memory_space<hbm>> -> memref<128xi32, #tpu.memory_space<hbm>>
    tpu.enqueue_dma source(%dma_start3A_28 : memref<128xi32, #tpu.memory_space<hbm>>) target(%arg7 : memref<128xi32, #tpu.memory_space<vmem>>) target_semaphore(%arg13 : memref<!tpu.dma_semaphore, #tpu.memory_space<semaphore_mem>>)
    %dma_start3A_29 = tpu.memref_slice %arg3[%mul3A_27] : memref<323584xi32, #tpu.memory_space<hbm>> -> memref<128xi32, #tpu.memory_space<hbm>>
    %dma_start3A_30 = tpu.memref_slice %arg3[%mul3A_27] : memref<323584xi32, #tpu.memory_space<hbm>> -> memref<128xi32, #tpu.memory_space<hbm>>
    tpu.enqueue_dma source(%dma_start3A_30 : memref<128xi32, #tpu.memory_space<hbm>>) target(%arg19 : memref<128xi32, #tpu.memory_space<vmem>>) target_semaphore(%arg13 : memref<!tpu.dma_semaphore, #tpu.memory_space<semaphore_mem>>)
    %add3A_31 = arith.constant 1 : i32
    %add3A_32 = arith.addi %add3A_4, %add3A_31 : i32
    %mul3A_33 = arith.constant 128 : i32
    %mul3A_34 = arith.muli %add3A_32, %mul3A_33 : i32
    %dma_start3A_35 = tpu.memref_slice %arg4[%mul3A_34] : memref<323584xi32, #tpu.memory_space<hbm>> -> memref<128xi32, #tpu.memory_space<hbm>>
    %dma_start3A_36 = tpu.memref_slice %arg4[%mul3A_34] : memref<323584xi32, #tpu.memory_space<hbm>> -> memref<128xi32, #tpu.memory_space<hbm>>
    tpu.enqueue_dma source(%dma_start3A_36 : memref<128xi32, #tpu.memory_space<hbm>>) target(%arg8 : memref<128xi32, #tpu.memory_space<vmem>>) target_semaphore(%arg14 : memref<!tpu.dma_semaphore, #tpu.memory_space<semaphore_mem>>)
    %dma_start3A_37 = tpu.memref_slice %arg3[%mul3A_34] : memref<323584xi32, #tpu.memory_space<hbm>> -> memref<128xi32, #tpu.memory_space<hbm>>
    %dma_start3A_38 = tpu.memref_slice %arg3[%mul3A_34] : memref<323584xi32, #tpu.memory_space<hbm>> -> memref<128xi32, #tpu.memory_space<hbm>>
    tpu.enqueue_dma source(%dma_start3A_38 : memref<128xi32, #tpu.memory_space<hbm>>) target(%arg20 : memref<128xi32, #tpu.memory_space<vmem>>) target_semaphore(%arg14 : memref<!tpu.dma_semaphore, #tpu.memory_space<semaphore_mem>>)
    %scan3A_39 = arith.constant 0 : i32
    %scan3A_40 = arith.constant 0 : i32
    %scan3A_41 = arith.constant 20 : i32
    %scan3A_42 = arith.addi %scan3A_40, %scan3A_41 : i32
    %scan3A_43 = arith.constant 1 : i32
    scf.for %scan3A_68 = %scan3A_40 to %scan3A_42 step %scan3A_43  : i32 {
      %mul3A_69 = arith.constant 4 : i32
      %mul3A_70 = arith.muli %scan3A_68, %mul3A_69 : i32
      %add3A_71 = arith.constant 0 : i32
      %add3A_72 = arith.addi %mul3A_70, %add3A_71 : i32
      %lt3A_73 = arith.cmpi slt, %add3A_72, %select_n3A : i32
      %convert_element_type3A_74 = arith.extui %lt3A_73 : i1 to i32
      %cond3A_75 = arith.constant 0 : i32
      %cond3A_76 = arith.cmpi ne, %convert_element_type3A_74, %cond3A_75 : i32
      scf.if %cond3A_76 {
        %dma_wait3A_101 = arith.constant 0 : i32
        %dma_wait3A_102 = tpu.memref_slice %arg3[%dma_wait3A_101] : memref<323584xi32, #tpu.memory_space<hbm>> -> memref<128xi32, #tpu.memory_space<hbm>>
        %dma_wait3A_103 = arith.constant 0 : i32
        %dma_wait3A_104 = tpu.memref_slice %arg3[%dma_wait3A_103] : memref<323584xi32, #tpu.memory_space<hbm>> -> memref<128xi32, #tpu.memory_space<hbm>>
        tpu.wait_dma2 semaphore(%arg13 : memref<!tpu.dma_semaphore, #tpu.memory_space<semaphore_mem>>) src(%dma_wait3A_104 : memref<128xi32, #tpu.memory_space<hbm>>) dst(%arg7 : memref<128xi32, #tpu.memory_space<vmem>>)
        %dma_wait3A_105 = arith.constant 0 : i32
        %dma_wait3A_106 = tpu.memref_slice %arg3[%dma_wait3A_105] : memref<323584xi32, #tpu.memory_space<hbm>> -> memref<128xi32, #tpu.memory_space<hbm>>
        %dma_wait3A_107 = arith.constant 0 : i32
        %dma_wait3A_108 = tpu.memref_slice %arg3[%dma_wait3A_107] : memref<323584xi32, #tpu.memory_space<hbm>> -> memref<128xi32, #tpu.memory_space<hbm>>
        tpu.wait_dma2 semaphore(%arg13 : memref<!tpu.dma_semaphore, #tpu.memory_space<semaphore_mem>>) src(%dma_wait3A_108 : memref<128xi32, #tpu.memory_space<hbm>>) dst(%arg19 : memref<128xi32, #tpu.memory_space<vmem>>)
        %ge3A_109 = arith.constant 2 : i32
        %ge3A_110 = arith.cmpi sge, %add3A_72, %ge3A_109 : i32
        %convert_element_type3A_111 = arith.extui %ge3A_110 : i1 to i32
        %cond3A_112 = arith.constant 0 : i32
        %cond3A_113 = arith.cmpi ne, %convert_element_type3A_111, %cond3A_112 : i32
        scf.if %cond3A_113 {
          %dma_wait3A_131 = arith.constant 0 : i32
          %dma_wait3A_132 = arith.constant 0 : i32
          %dma_wait3A_133 = tpu.memref_slice %arg6[%dma_wait3A_131, %dma_wait3A_132] : memref<10240x64xf32, #tpu.memory_space<vmem_shared>> -> memref<10240x64xf32, #tpu.memory_space<vmem_shared>>
          tpu.wait_indirect_dma semaphore(%arg23 : memref<!tpu.dma_semaphore, #tpu.memory_space<semaphore_mem>>) src(%arg17 : memref<128x64xf32, #tpu.memory_space<vmem>>) dst(%dma_wait3A_133 : memref<10240x64xf32, #tpu.memory_space<vmem_shared>>)
        } else {
        }
        %add3A_114 = arith.constant 2 : i32
        %add3A_115 = arith.addi %add3A_72, %add3A_114 : i32
        %add3A_116 = arith.addi %add3A_4, %add3A_115 : i32
        %mul3A_117 = arith.constant 128 : i32
        %mul3A_118 = arith.muli %add3A_116, %mul3A_117 : i32
        %dma_start3A_119 = tpu.memref_slice %arg4[%mul3A_118] : memref<323584xi32, #tpu.memory_space<hbm>> -> memref<128xi32, #tpu.memory_space<hbm>>
        %dma_start3A_120 = tpu.memref_slice %arg4[%mul3A_118] : memref<323584xi32, #tpu.memory_space<hbm>> -> memref<128xi32, #tpu.memory_space<hbm>>
        tpu.enqueue_dma source(%dma_start3A_120 : memref<128xi32, #tpu.memory_space<hbm>>) target(%arg9 : memref<128xi32, #tpu.memory_space<vmem>>) target_semaphore(%arg15 : memref<!tpu.dma_semaphore, #tpu.memory_space<semaphore_mem>>)
        %dma_start3A_121 = tpu.memref_slice %arg3[%mul3A_118] : memref<323584xi32, #tpu.memory_space<hbm>> -> memref<128xi32, #tpu.memory_space<hbm>>
        %dma_start3A_122 = tpu.memref_slice %arg3[%mul3A_118] : memref<323584xi32, #tpu.memory_space<hbm>> -> memref<128xi32, #tpu.memory_space<hbm>>
        tpu.enqueue_dma source(%dma_start3A_122 : memref<128xi32, #tpu.memory_space<hbm>>) target(%arg21 : memref<128xi32, #tpu.memory_space<vmem>>) target_semaphore(%arg15 : memref<!tpu.dma_semaphore, #tpu.memory_space<semaphore_mem>>)
        %dma_start3A_123 = arith.constant 0 : i32
        %dma_start3A_124 = arith.constant 0 : i32
        %dma_start3A_125 = tpu.memref_slice %arg2[%dma_start3A_123, %dma_start3A_124] : memref<10000x64xf32, #tpu.memory_space<hbm>> -> memref<10000x64xf32, #tpu.memory_space<hbm>>
        tpu.enqueue_indirect_dma source(%dma_start3A_125 : memref<10000x64xf32, #tpu.memory_space<hbm>>) target(%arg17 : memref<128x64xf32, #tpu.memory_space<vmem>>) offsets(%arg19 : memref<128xi32, #tpu.memory_space<vmem>>) semaphore(%arg11 : memref<!tpu.dma_semaphore, #tpu.memory_space<semaphore_mem>>)
        %ge3A_126 = arith.constant 1 : i32
        %ge3A_127 = arith.cmpi sge, %add3A_72, %ge3A_126 : i32
        %convert_element_type3A_128 = arith.extui %ge3A_127 : i1 to i32
        %cond3A_129 = arith.constant 0 : i32
        %cond3A_130 = arith.cmpi ne, %convert_element_type3A_128, %cond3A_129 : i32
        scf.if %cond3A_130 {
          %dma_wait3A_131 = arith.constant 0 : i32
          %dma_wait3A_132 = arith.constant 0 : i32
          %dma_wait3A_133 = tpu.memref_slice %arg2[%dma_wait3A_131, %dma_wait3A_132] : memref<10000x64xf32, #tpu.memory_space<hbm>> -> memref<10000x64xf32, #tpu.memory_space<hbm>>
          tpu.wait_indirect_dma semaphore(%arg12 : memref<!tpu.dma_semaphore, #tpu.memory_space<semaphore_mem>>) src(%dma_wait3A_133 : memref<10000x64xf32, #tpu.memory_space<hbm>>) dst(%arg18 : memref<128x64xf32, #tpu.memory_space<vmem>>)
          %dma_start3A_134 = arith.constant 0 : i32
          %dma_start3A_135 = arith.constant 0 : i32
          %dma_start3A_136 = tpu.memref_slice %arg6[%dma_start3A_134, %dma_start3A_135] : memref<10240x64xf32, #tpu.memory_space<vmem_shared>> -> memref<10240x64xf32, #tpu.memory_space<vmem_shared>>
          tpu.enqueue_indirect_dma source(%arg18 : memref<128x64xf32, #tpu.memory_space<vmem>>) target(%dma_start3A_136 : memref<10240x64xf32, #tpu.memory_space<vmem_shared>>) offsets(%arg10 : memref<128xi32, #tpu.memory_space<vmem>>) semaphore(%arg24 : memref<!tpu.dma_semaphore, #tpu.memory_space<semaphore_mem>>) {add = true}
        } else {
        }
      } else {
      }
      %mul3A_77 = arith.constant 4 : i32
      %mul3A_78 = arith.muli %scan3A_68, %mul3A_77 : i32
      %add3A_79 = arith.constant 1 : i32
      %add3A_80 = arith.addi %mul3A_78, %add3A_79 : i32
      %lt3A_81 = arith.cmpi slt, %add3A_80, %select_n3A : i32
      %convert_element_type3A_82 = arith.extui %lt3A_81 : i1 to i32
      %cond3A_83 = arith.constant 0 : i32
      %cond3A_84 = arith.cmpi ne, %convert_element_type3A_82, %cond3A_83 : i32
      scf.if %cond3A_84 {
        %dma_wait3A_101 = arith.constant 0 : i32
        %dma_wait3A_102 = tpu.memref_slice %arg3[%dma_wait3A_101] : memref<323584xi32, #tpu.memory_space<hbm>> -> memref<128xi32, #tpu.memory_space<hbm>>
        %dma_wait3A_103 = arith.constant 0 : i32
        %dma_wait3A_104 = tpu.memref_slice %arg3[%dma_wait3A_103] : memref<323584xi32, #tpu.memory_space<hbm>> -> memref<128xi32, #tpu.memory_space<hbm>>
        tpu.wait_dma2 semaphore(%arg14 : memref<!tpu.dma_semaphore, #tpu.memory_space<semaphore_mem>>) src(%dma_wait3A_104 : memref<128xi32, #tpu.memory_space<hbm>>) dst(%arg8 : memref<128xi32, #tpu.memory_space<vmem>>)
        %dma_wait3A_105 = arith.constant 0 : i32
        %dma_wait3A_106 = tpu.memref_slice %arg3[%dma_wait3A_105] : memref<323584xi32, #tpu.memory_space<hbm>> -> memref<128xi32, #tpu.memory_space<hbm>>
        %dma_wait3A_107 = arith.constant 0 : i32
        %dma_wait3A_108 = tpu.memref_slice %arg3[%dma_wait3A_107] : memref<323584xi32, #tpu.memory_space<hbm>> -> memref<128xi32, #tpu.memory_space<hbm>>
        tpu.wait_dma2 semaphore(%arg14 : memref<!tpu.dma_semaphore, #tpu.memory_space<semaphore_mem>>) src(%dma_wait3A_108 : memref<128xi32, #tpu.memory_space<hbm>>) dst(%arg20 : memref<128xi32, #tpu.memory_space<vmem>>)
        %ge3A_109 = arith.constant 2 : i32
        %ge3A_110 = arith.cmpi sge, %add3A_80, %ge3A_109 : i32
        %convert_element_type3A_111 = arith.extui %ge3A_110 : i1 to i32
        %cond3A_112 = arith.constant 0 : i32
        %cond3A_113 = arith.cmpi ne, %convert_element_type3A_111, %cond3A_112 : i32
        scf.if %cond3A_113 {
          %dma_wait3A_131 = arith.constant 0 : i32
          %dma_wait3A_132 = arith.constant 0 : i32
          %dma_wait3A_133 = tpu.memref_slice %arg6[%dma_wait3A_131, %dma_wait3A_132] : memref<10240x64xf32, #tpu.memory_space<vmem_shared>> -> memref<10240x64xf32, #tpu.memory_space<vmem_shared>>
          tpu.wait_indirect_dma semaphore(%arg24 : memref<!tpu.dma_semaphore, #tpu.memory_space<semaphore_mem>>) src(%arg18 : memref<128x64xf32, #tpu.memory_space<vmem>>) dst(%dma_wait3A_133 : memref<10240x64xf32, #tpu.memory_space<vmem_shared>>)
        } else {
        }
        %add3A_114 = arith.constant 2 : i32
        %add3A_115 = arith.addi %add3A_80, %add3A_114 : i32
        %add3A_116 = arith.addi %add3A_4, %add3A_115 : i32
        %mul3A_117 = arith.constant 128 : i32
        %mul3A_118 = arith.muli %add3A_116, %mul3A_117 : i32
        %dma_start3A_119 = tpu.memref_slice %arg4[%mul3A_118] : memref<323584xi32, #tpu.memory_space<hbm>> -> memref<128xi32, #tpu.memory_space<hbm>>
        %dma_start3A_120 = tpu.memref_slice %arg4[%mul3A_118] : memref<323584xi32, #tpu.memory_space<hbm>> -> memref<128xi32, #tpu.memory_space<hbm>>
        tpu.enqueue_dma source(%dma_start3A_120 : memref<128xi32, #tpu.memory_space<hbm>>) target(%arg10 : memref<128xi32, #tpu.memory_space<vmem>>) target_semaphore(%arg16 : memref<!tpu.dma_semaphore, #tpu.memory_space<semaphore_mem>>)
        %dma_start3A_121 = tpu.memref_slice %arg3[%mul3A_118] : memref<323584xi32, #tpu.memory_space<hbm>> -> memref<128xi32, #tpu.memory_space<hbm>>
        %dma_start3A_122 = tpu.memref_slice %arg3[%mul3A_118] : memref<323584xi32, #tpu.memory_space<hbm>> -> memref<128xi32, #tpu.memory_space<hbm>>
        tpu.enqueue_dma source(%dma_start3A_122 : memref<128xi32, #tpu.memory_space<hbm>>) target(%arg22 : memref<128xi32, #tpu.memory_space<vmem>>) target_semaphore(%arg16 : memref<!tpu.dma_semaphore, #tpu.memory_space<semaphore_mem>>)
        %dma_start3A_123 = arith.constant 0 : i32
        %dma_start3A_124 = arith.constant 0 : i32
        %dma_start3A_125 = tpu.memref_slice %arg2[%dma_start3A_123, %dma_start3A_124] : memref<10000x64xf32, #tpu.memory_space<hbm>> -> memref<10000x64xf32, #tpu.memory_space<hbm>>
        tpu.enqueue_indirect_dma source(%dma_start3A_125 : memref<10000x64xf32, #tpu.memory_space<hbm>>) target(%arg18 : memref<128x64xf32, #tpu.memory_space<vmem>>) offsets(%arg20 : memref<128xi32, #tpu.memory_space<vmem>>) semaphore(%arg12 : memref<!tpu.dma_semaphore, #tpu.memory_space<semaphore_mem>>)
        %ge3A_126 = arith.constant 1 : i32
        %ge3A_127 = arith.cmpi sge, %add3A_80, %ge3A_126 : i32
        %convert_element_type3A_128 = arith.extui %ge3A_127 : i1 to i32
        %cond3A_129 = arith.constant 0 : i32
        %cond3A_130 = arith.cmpi ne, %convert_element_type3A_128, %cond3A_129 : i32
        scf.if %cond3A_130 {
          %dma_wait3A_131 = arith.constant 0 : i32
          %dma_wait3A_132 = arith.constant 0 : i32
          %dma_wait3A_133 = tpu.memref_slice %arg2[%dma_wait3A_131, %dma_wait3A_132] : memref<10000x64xf32, #tpu.memory_space<hbm>> -> memref<10000x64xf32, #tpu.memory_space<hbm>>
          tpu.wait_indirect_dma semaphore(%arg11 : memref<!tpu.dma_semaphore, #tpu.memory_space<semaphore_mem>>) src(%dma_wait3A_133 : memref<10000x64xf32, #tpu.memory_space<hbm>>) dst(%arg17 : memref<128x64xf32, #tpu.memory_space<vmem>>)
          %dma_start3A_134 = arith.constant 0 : i32
          %dma_start3A_135 = arith.constant 0 : i32
          %dma_start3A_136 = tpu.memref_slice %arg6[%dma_start3A_134, %dma_start3A_135] : memref<10240x64xf32, #tpu.memory_space<vmem_shared>> -> memref<10240x64xf32, #tpu.memory_space<vmem_shared>>
          tpu.enqueue_indirect_dma source(%arg17 : memref<128x64xf32, #tpu.memory_space<vmem>>) target(%dma_start3A_136 : memref<10240x64xf32, #tpu.memory_space<vmem_shared>>) offsets(%arg7 : memref<128xi32, #tpu.memory_space<vmem>>) semaphore(%arg23 : memref<!tpu.dma_semaphore, #tpu.memory_space<semaphore_mem>>) {add = true}
        } else {
        }
      } else {
      }
      %mul3A_85 = arith.constant 4 : i32
      %mul3A_86 = arith.muli %scan3A_68, %mul3A_85 : i32
      %add3A_87 = arith.constant 2 : i32
      %add3A_88 = arith.addi %mul3A_86, %add3A_87 : i32
      %lt3A_89 = arith.cmpi slt, %add3A_88, %select_n3A : i32
      %convert_element_type3A_90 = arith.extui %lt3A_89 : i1 to i32
      %cond3A_91 = arith.constant 0 : i32
      %cond3A_92 = arith.cmpi ne, %convert_element_type3A_90, %cond3A_91 : i32
      scf.if %cond3A_92 {
        %dma_wait3A_101 = arith.constant 0 : i32
        %dma_wait3A_102 = tpu.memref_slice %arg3[%dma_wait3A_101] : memref<323584xi32, #tpu.memory_space<hbm>> -> memref<128xi32, #tpu.memory_space<hbm>>
        %dma_wait3A_103 = arith.constant 0 : i32
        %dma_wait3A_104 = tpu.memref_slice %arg3[%dma_wait3A_103] : memref<323584xi32, #tpu.memory_space<hbm>> -> memref<128xi32, #tpu.memory_space<hbm>>
        tpu.wait_dma2 semaphore(%arg15 : memref<!tpu.dma_semaphore, #tpu.memory_space<semaphore_mem>>) src(%dma_wait3A_104 : memref<128xi32, #tpu.memory_space<hbm>>) dst(%arg9 : memref<128xi32, #tpu.memory_space<vmem>>)
        %dma_wait3A_105 = arith.constant 0 : i32
        %dma_wait3A_106 = tpu.memref_slice %arg3[%dma_wait3A_105] : memref<323584xi32, #tpu.memory_space<hbm>> -> memref<128xi32, #tpu.memory_space<hbm>>
        %dma_wait3A_107 = arith.constant 0 : i32
        %dma_wait3A_108 = tpu.memref_slice %arg3[%dma_wait3A_107] : memref<323584xi32, #tpu.memory_space<hbm>> -> memref<128xi32, #tpu.memory_space<hbm>>
        tpu.wait_dma2 semaphore(%arg15 : memref<!tpu.dma_semaphore, #tpu.memory_space<semaphore_mem>>) src(%dma_wait3A_108 : memref<128xi32, #tpu.memory_space<hbm>>) dst(%arg21 : memref<128xi32, #tpu.memory_space<vmem>>)
        %ge3A_109 = arith.constant 2 : i32
        %ge3A_110 = arith.cmpi sge, %add3A_88, %ge3A_109 : i32
        %convert_element_type3A_111 = arith.extui %ge3A_110 : i1 to i32
        %cond3A_112 = arith.constant 0 : i32
        %cond3A_113 = arith.cmpi ne, %convert_element_type3A_111, %cond3A_112 : i32
        scf.if %cond3A_113 {
          %dma_wait3A_131 = arith.constant 0 : i32
          %dma_wait3A_132 = arith.constant 0 : i32
          %dma_wait3A_133 = tpu.memref_slice %arg6[%dma_wait3A_131, %dma_wait3A_132] : memref<10240x64xf32, #tpu.memory_space<vmem_shared>> -> memref<10240x64xf32, #tpu.memory_space<vmem_shared>>
          tpu.wait_indirect_dma semaphore(%arg23 : memref<!tpu.dma_semaphore, #tpu.memory_space<semaphore_mem>>) src(%arg17 : memref<128x64xf32, #tpu.memory_space<vmem>>) dst(%dma_wait3A_133 : memref<10240x64xf32, #tpu.memory_space<vmem_shared>>)
        } else {
        }
        %add3A_114 = arith.constant 2 : i32
        %add3A_115 = arith.addi %add3A_88, %add3A_114 : i32
        %add3A_116 = arith.addi %add3A_4, %add3A_115 : i32
        %mul3A_117 = arith.constant 128 : i32
        %mul3A_118 = arith.muli %add3A_116, %mul3A_117 : i32
        %dma_start3A_119 = tpu.memref_slice %arg4[%mul3A_118] : memref<323584xi32, #tpu.memory_space<hbm>> -> memref<128xi32, #tpu.memory_space<hbm>>
        %dma_start3A_120 = tpu.memref_slice %arg4[%mul3A_118] : memref<323584xi32, #tpu.memory_space<hbm>> -> memref<128xi32, #tpu.memory_space<hbm>>
        tpu.enqueue_dma source(%dma_start3A_120 : memref<128xi32, #tpu.memory_space<hbm>>) target(%arg7 : memref<128xi32, #tpu.memory_space<vmem>>) target_semaphore(%arg13 : memref<!tpu.dma_semaphore, #tpu.memory_space<semaphore_mem>>)
        %dma_start3A_121 = tpu.memref_slice %arg3[%mul3A_118] : memref<323584xi32, #tpu.memory_space<hbm>> -> memref<128xi32, #tpu.memory_space<hbm>>
        %dma_start3A_122 = tpu.memref_slice %arg3[%mul3A_118] : memref<323584xi32, #tpu.memory_space<hbm>> -> memref<128xi32, #tpu.memory_space<hbm>>
        tpu.enqueue_dma source(%dma_start3A_122 : memref<128xi32, #tpu.memory_space<hbm>>) target(%arg19 : memref<128xi32, #tpu.memory_space<vmem>>) target_semaphore(%arg13 : memref<!tpu.dma_semaphore, #tpu.memory_space<semaphore_mem>>)
        %dma_start3A_123 = arith.constant 0 : i32
        %dma_start3A_124 = arith.constant 0 : i32
        %dma_start3A_125 = tpu.memref_slice %arg2[%dma_start3A_123, %dma_start3A_124] : memref<10000x64xf32, #tpu.memory_space<hbm>> -> memref<10000x64xf32, #tpu.memory_space<hbm>>
        tpu.enqueue_indirect_dma source(%dma_start3A_125 : memref<10000x64xf32, #tpu.memory_space<hbm>>) target(%arg17 : memref<128x64xf32, #tpu.memory_space<vmem>>) offsets(%arg21 : memref<128xi32, #tpu.memory_space<vmem>>) semaphore(%arg11 : memref<!tpu.dma_semaphore, #tpu.memory_space<semaphore_mem>>)
        %ge3A_126 = arith.constant 1 : i32
        %ge3A_127 = arith.cmpi sge, %add3A_88, %ge3A_126 : i32
        %convert_element_type3A_128 = arith.extui %ge3A_127 : i1 to i32
        %cond3A_129 = arith.constant 0 : i32
        %cond3A_130 = arith.cmpi ne, %convert_element_type3A_128, %cond3A_129 : i32
        scf.if %cond3A_130 {
          %dma_wait3A_131 = arith.constant 0 : i32
          %dma_wait3A_132 = arith.constant 0 : i32
          %dma_wait3A_133 = tpu.memref_slice %arg2[%dma_wait3A_131, %dma_wait3A_132] : memref<10000x64xf32, #tpu.memory_space<hbm>> -> memref<10000x64xf32, #tpu.memory_space<hbm>>
          tpu.wait_indirect_dma semaphore(%arg12 : memref<!tpu.dma_semaphore, #tpu.memory_space<semaphore_mem>>) src(%dma_wait3A_133 : memref<10000x64xf32, #tpu.memory_space<hbm>>) dst(%arg18 : memref<128x64xf32, #tpu.memory_space<vmem>>)
          %dma_start3A_134 = arith.constant 0 : i32
          %dma_start3A_135 = arith.constant 0 : i32
          %dma_start3A_136 = tpu.memref_slice %arg6[%dma_start3A_134, %dma_start3A_135] : memref<10240x64xf32, #tpu.memory_space<vmem_shared>> -> memref<10240x64xf32, #tpu.memory_space<vmem_shared>>
          tpu.enqueue_indirect_dma source(%arg18 : memref<128x64xf32, #tpu.memory_space<vmem>>) target(%dma_start3A_136 : memref<10240x64xf32, #tpu.memory_space<vmem_shared>>) offsets(%arg8 : memref<128xi32, #tpu.memory_space<vmem>>) semaphore(%arg24 : memref<!tpu.dma_semaphore, #tpu.memory_space<semaphore_mem>>) {add = true}
        } else {
        }
      } else {
      }
      %mul3A_93 = arith.constant 4 : i32
      %mul3A_94 = arith.muli %scan3A_68, %mul3A_93 : i32
      %add3A_95 = arith.constant 3 : i32
      %add3A_96 = arith.addi %mul3A_94, %add3A_95 : i32
      %lt3A_97 = arith.cmpi slt, %add3A_96, %select_n3A : i32
      %convert_element_type3A_98 = arith.extui %lt3A_97 : i1 to i32
      %cond3A_99 = arith.constant 0 : i32
      %cond3A_100 = arith.cmpi ne, %convert_element_type3A_98, %cond3A_99 : i32
      scf.if %cond3A_100 {
        %dma_wait3A_101 = arith.constant 0 : i32
        %dma_wait3A_102 = tpu.memref_slice %arg3[%dma_wait3A_101] : memref<323584xi32, #tpu.memory_space<hbm>> -> memref<128xi32, #tpu.memory_space<hbm>>
        %dma_wait3A_103 = arith.constant 0 : i32
        %dma_wait3A_104 = tpu.memref_slice %arg3[%dma_wait3A_103] : memref<323584xi32, #tpu.memory_space<hbm>> -> memref<128xi32, #tpu.memory_space<hbm>>
        tpu.wait_dma2 semaphore(%arg16 : memref<!tpu.dma_semaphore, #tpu.memory_space<semaphore_mem>>) src(%dma_wait3A_104 : memref<128xi32, #tpu.memory_space<hbm>>) dst(%arg10 : memref<128xi32, #tpu.memory_space<vmem>>)
        %dma_wait3A_105 = arith.constant 0 : i32
        %dma_wait3A_106 = tpu.memref_slice %arg3[%dma_wait3A_105] : memref<323584xi32, #tpu.memory_space<hbm>> -> memref<128xi32, #tpu.memory_space<hbm>>
        %dma_wait3A_107 = arith.constant 0 : i32
        %dma_wait3A_108 = tpu.memref_slice %arg3[%dma_wait3A_107] : memref<323584xi32, #tpu.memory_space<hbm>> -> memref<128xi32, #tpu.memory_space<hbm>>
        tpu.wait_dma2 semaphore(%arg16 : memref<!tpu.dma_semaphore, #tpu.memory_space<semaphore_mem>>) src(%dma_wait3A_108 : memref<128xi32, #tpu.memory_space<hbm>>) dst(%arg22 : memref<128xi32, #tpu.memory_space<vmem>>)
        %ge3A_109 = arith.constant 2 : i32
        %ge3A_110 = arith.cmpi sge, %add3A_96, %ge3A_109 : i32
        %convert_element_type3A_111 = arith.extui %ge3A_110 : i1 to i32
        %cond3A_112 = arith.constant 0 : i32
        %cond3A_113 = arith.cmpi ne, %convert_element_type3A_111, %cond3A_112 : i32
        scf.if %cond3A_113 {
          %dma_wait3A_131 = arith.constant 0 : i32
          %dma_wait3A_132 = arith.constant 0 : i32
          %dma_wait3A_133 = tpu.memref_slice %arg6[%dma_wait3A_131, %dma_wait3A_132] : memref<10240x64xf32, #tpu.memory_space<vmem_shared>> -> memref<10240x64xf32, #tpu.memory_space<vmem_shared>>
          tpu.wait_indirect_dma semaphore(%arg24 : memref<!tpu.dma_semaphore, #tpu.memory_space<semaphore_mem>>) src(%arg18 : memref<128x64xf32, #tpu.memory_space<vmem>>) dst(%dma_wait3A_133 : memref<10240x64xf32, #tpu.memory_space<vmem_shared>>)
        } else {
        }
        %add3A_114 = arith.constant 2 : i32
        %add3A_115 = arith.addi %add3A_96, %add3A_114 : i32
        %add3A_116 = arith.addi %add3A_4, %add3A_115 : i32
        %mul3A_117 = arith.constant 128 : i32
        %mul3A_118 = arith.muli %add3A_116, %mul3A_117 : i32
        %dma_start3A_119 = tpu.memref_slice %arg4[%mul3A_118] : memref<323584xi32, #tpu.memory_space<hbm>> -> memref<128xi32, #tpu.memory_space<hbm>>
        %dma_start3A_120 = tpu.memref_slice %arg4[%mul3A_118] : memref<323584xi32, #tpu.memory_space<hbm>> -> memref<128xi32, #tpu.memory_space<hbm>>
        tpu.enqueue_dma source(%dma_start3A_120 : memref<128xi32, #tpu.memory_space<hbm>>) target(%arg8 : memref<128xi32, #tpu.memory_space<vmem>>) target_semaphore(%arg14 : memref<!tpu.dma_semaphore, #tpu.memory_space<semaphore_mem>>)
        %dma_start3A_121 = tpu.memref_slice %arg3[%mul3A_118] : memref<323584xi32, #tpu.memory_space<hbm>> -> memref<128xi32, #tpu.memory_space<hbm>>
        %dma_start3A_122 = tpu.memref_slice %arg3[%mul3A_118] : memref<323584xi32, #tpu.memory_space<hbm>> -> memref<128xi32, #tpu.memory_space<hbm>>
        tpu.enqueue_dma source(%dma_start3A_122 : memref<128xi32, #tpu.memory_space<hbm>>) target(%arg20 : memref<128xi32, #tpu.memory_space<vmem>>) target_semaphore(%arg14 : memref<!tpu.dma_semaphore, #tpu.memory_space<semaphore_mem>>)
        %dma_start3A_123 = arith.constant 0 : i32
        %dma_start3A_124 = arith.constant 0 : i32
        %dma_start3A_125 = tpu.memref_slice %arg2[%dma_start3A_123, %dma_start3A_124] : memref<10000x64xf32, #tpu.memory_space<hbm>> -> memref<10000x64xf32, #tpu.memory_space<hbm>>
        tpu.enqueue_indirect_dma source(%dma_start3A_125 : memref<10000x64xf32, #tpu.memory_space<hbm>>) target(%arg18 : memref<128x64xf32, #tpu.memory_space<vmem>>) offsets(%arg22 : memref<128xi32, #tpu.memory_space<vmem>>) semaphore(%arg12 : memref<!tpu.dma_semaphore, #tpu.memory_space<semaphore_mem>>)
        %ge3A_126 = arith.constant 1 : i32
        %ge3A_127 = arith.cmpi sge, %add3A_96, %ge3A_126 : i32
        %convert_element_type3A_128 = arith.extui %ge3A_127 : i1 to i32
        %cond3A_129 = arith.constant 0 : i32
        %cond3A_130 = arith.cmpi ne, %convert_element_type3A_128, %cond3A_129 : i32
        scf.if %cond3A_130 {
          %dma_wait3A_131 = arith.constant 0 : i32
          %dma_wait3A_132 = arith.constant 0 : i32
          %dma_wait3A_133 = tpu.memref_slice %arg2[%dma_wait3A_131, %dma_wait3A_132] : memref<10000x64xf32, #tpu.memory_space<hbm>> -> memref<10000x64xf32, #tpu.memory_space<hbm>>
          tpu.wait_indirect_dma semaphore(%arg11 : memref<!tpu.dma_semaphore, #tpu.memory_space<semaphore_mem>>) src(%dma_wait3A_133 : memref<10000x64xf32, #tpu.memory_space<hbm>>) dst(%arg17 : memref<128x64xf32, #tpu.memory_space<vmem>>)
          %dma_start3A_134 = arith.constant 0 : i32
          %dma_start3A_135 = arith.constant 0 : i32
          %dma_start3A_136 = tpu.memref_slice %arg6[%dma_start3A_134, %dma_start3A_135] : memref<10240x64xf32, #tpu.memory_space<vmem_shared>> -> memref<10240x64xf32, #tpu.memory_space<vmem_shared>>
          tpu.enqueue_indirect_dma source(%arg17 : memref<128x64xf32, #tpu.memory_space<vmem>>) target(%dma_start3A_136 : memref<10240x64xf32, #tpu.memory_space<vmem_shared>>) offsets(%arg9 : memref<128xi32, #tpu.memory_space<vmem>>) semaphore(%arg23 : memref<!tpu.dma_semaphore, #tpu.memory_space<semaphore_mem>>) {add = true}
        } else {
        }
      } else {
      }
    }
    %scan3A_44 = arith.constant 20 : i32
    %lt3A_45 = arith.constant 4 : i32
    %lt3A_46 = arith.cmpi slt, %add3A, %lt3A_45 : i32
    %convert_element_type3A = arith.extui %lt3A_46 : i1 to i32
    %cond3A = arith.constant 0 : i32
    %cond3A_47 = arith.cmpi ne, %convert_element_type3A, %cond3A : i32
    scf.if %cond3A_47 {
      %dma_wait3A_68 = arith.constant 0 : i32
      %dma_wait3A_69 = arith.constant 0 : i32
      %dma_wait3A_70 = tpu.memref_slice %arg2[%dma_wait3A_68, %dma_wait3A_69] : memref<10000x64xf32, #tpu.memory_space<hbm>> -> memref<10000x64xf32, #tpu.memory_space<hbm>>
      tpu.wait_indirect_dma semaphore(%arg11 : memref<!tpu.dma_semaphore, #tpu.memory_space<semaphore_mem>>) src(%dma_wait3A_70 : memref<10000x64xf32, #tpu.memory_space<hbm>>) dst(%arg17 : memref<128x64xf32, #tpu.memory_space<vmem>>)
      %dma_start3A_71 = arith.constant 0 : i32
      %dma_start3A_72 = arith.constant 0 : i32
      %dma_start3A_73 = tpu.memref_slice %arg6[%dma_start3A_71, %dma_start3A_72] : memref<10240x64xf32, #tpu.memory_space<vmem_shared>> -> memref<10240x64xf32, #tpu.memory_space<vmem_shared>>
      tpu.enqueue_indirect_dma source(%arg17 : memref<128x64xf32, #tpu.memory_space<vmem>>) target(%dma_start3A_73 : memref<10240x64xf32, #tpu.memory_space<vmem_shared>>) offsets(%arg9 : memref<128xi32, #tpu.memory_space<vmem>>) semaphore(%arg23 : memref<!tpu.dma_semaphore, #tpu.memory_space<semaphore_mem>>) {add = true}
    } else {
    }
    %ge3A = arith.constant 4 : i32
    %ge3A_48 = arith.cmpi sge, %add3A, %ge3A : i32
    %convert_element_type3A_49 = arith.extui %ge3A_48 : i1 to i32
    %cond3A_50 = arith.constant 0 : i32
    %cond3A_51 = arith.cmpi ne, %convert_element_type3A_49, %cond3A_50 : i32
    scf.if %cond3A_51 {
      %dma_wait3A_68 = arith.constant 0 : i32
      %dma_wait3A_69 = arith.constant 0 : i32
      %dma_wait3A_70 = tpu.memref_slice %arg2[%dma_wait3A_68, %dma_wait3A_69] : memref<10000x64xf32, #tpu.memory_space<hbm>> -> memref<10000x64xf32, #tpu.memory_space<hbm>>
      tpu.wait_indirect_dma semaphore(%arg12 : memref<!tpu.dma_semaphore, #tpu.memory_space<semaphore_mem>>) src(%dma_wait3A_70 : memref<10000x64xf32, #tpu.memory_space<hbm>>) dst(%arg18 : memref<128x64xf32, #tpu.memory_space<vmem>>)
      %dma_start3A_71 = arith.constant 0 : i32
      %dma_start3A_72 = arith.constant 0 : i32
      %dma_start3A_73 = tpu.memref_slice %arg6[%dma_start3A_71, %dma_start3A_72] : memref<10240x64xf32, #tpu.memory_space<vmem_shared>> -> memref<10240x64xf32, #tpu.memory_space<vmem_shared>>
      tpu.enqueue_indirect_dma source(%arg18 : memref<128x64xf32, #tpu.memory_space<vmem>>) target(%dma_start3A_73 : memref<10240x64xf32, #tpu.memory_space<vmem_shared>>) offsets(%arg8 : memref<128xi32, #tpu.memory_space<vmem>>) semaphore(%arg24 : memref<!tpu.dma_semaphore, #tpu.memory_space<semaphore_mem>>) {add = true}
    } else {
    }
    %dma_wait3A = arith.constant 0 : i32
    %dma_wait3A_52 = arith.constant 0 : i32
    %dma_wait3A_53 = tpu.memref_slice %arg6[%dma_wait3A, %dma_wait3A_52] : memref<10240x64xf32, #tpu.memory_space<vmem_shared>> -> memref<10240x64xf32, #tpu.memory_space<vmem_shared>>
    tpu.wait_indirect_dma semaphore(%arg23 : memref<!tpu.dma_semaphore, #tpu.memory_space<semaphore_mem>>) src(%arg17 : memref<128x64xf32, #tpu.memory_space<vmem>>) dst(%dma_wait3A_53 : memref<10240x64xf32, #tpu.memory_space<vmem_shared>>)
    %dma_wait3A_54 = arith.constant 0 : i32
    %dma_wait3A_55 = arith.constant 0 : i32
    %dma_wait3A_56 = tpu.memref_slice %arg6[%dma_wait3A_54, %dma_wait3A_55] : memref<10240x64xf32, #tpu.memory_space<vmem_shared>> -> memref<10240x64xf32, #tpu.memory_space<vmem_shared>>
    tpu.wait_indirect_dma semaphore(%arg24 : memref<!tpu.dma_semaphore, #tpu.memory_space<semaphore_mem>>) src(%arg18 : memref<128x64xf32, #tpu.memory_space<vmem>>) dst(%dma_wait3A_56 : memref<10240x64xf32, #tpu.memory_space<vmem_shared>>)
    %lt3A_57 = arith.constant 4 : i32
    %lt3A_58 = arith.cmpi slt, %add3A, %lt3A_57 : i32
    %convert_element_type3A_59 = arith.extui %lt3A_58 : i1 to i32
    %cond3A_60 = arith.constant 0 : i32
    %cond3A_61 = arith.cmpi ne, %convert_element_type3A_59, %cond3A_60 : i32
    scf.if %cond3A_61 {
      %dma_wait3A_68 = arith.constant 0 : i32
      %dma_wait3A_69 = tpu.memref_slice %arg3[%dma_wait3A_68] : memref<323584xi32, #tpu.memory_space<hbm>> -> memref<128xi32, #tpu.memory_space<hbm>>
      %dma_wait3A_70 = arith.constant 0 : i32
      %dma_wait3A_71 = tpu.memref_slice %arg3[%dma_wait3A_70] : memref<323584xi32, #tpu.memory_space<hbm>> -> memref<128xi32, #tpu.memory_space<hbm>>
      tpu.wait_dma2 semaphore(%arg16 : memref<!tpu.dma_semaphore, #tpu.memory_space<semaphore_mem>>) src(%dma_wait3A_71 : memref<128xi32, #tpu.memory_space<hbm>>) dst(%arg10 : memref<128xi32, #tpu.memory_space<vmem>>)
      %dma_wait3A_72 = arith.constant 0 : i32
      %dma_wait3A_73 = tpu.memref_slice %arg3[%dma_wait3A_72] : memref<323584xi32, #tpu.memory_space<hbm>> -> memref<128xi32, #tpu.memory_space<hbm>>
      %dma_wait3A_74 = arith.constant 0 : i32
      %dma_wait3A_75 = tpu.memref_slice %arg3[%dma_wait3A_74] : memref<323584xi32, #tpu.memory_space<hbm>> -> memref<128xi32, #tpu.memory_space<hbm>>
      tpu.wait_dma2 semaphore(%arg16 : memref<!tpu.dma_semaphore, #tpu.memory_space<semaphore_mem>>) src(%dma_wait3A_75 : memref<128xi32, #tpu.memory_space<hbm>>) dst(%arg22 : memref<128xi32, #tpu.memory_space<vmem>>)
      %dma_wait3A_76 = arith.constant 0 : i32
      %dma_wait3A_77 = tpu.memref_slice %arg3[%dma_wait3A_76] : memref<323584xi32, #tpu.memory_space<hbm>> -> memref<128xi32, #tpu.memory_space<hbm>>
      %dma_wait3A_78 = arith.constant 0 : i32
      %dma_wait3A_79 = tpu.memref_slice %arg3[%dma_wait3A_78] : memref<323584xi32, #tpu.memory_space<hbm>> -> memref<128xi32, #tpu.memory_space<hbm>>
      tpu.wait_dma2 semaphore(%arg13 : memref<!tpu.dma_semaphore, #tpu.memory_space<semaphore_mem>>) src(%dma_wait3A_79 : memref<128xi32, #tpu.memory_space<hbm>>) dst(%arg7 : memref<128xi32, #tpu.memory_space<vmem>>)
      %dma_wait3A_80 = arith.constant 0 : i32
      %dma_wait3A_81 = tpu.memref_slice %arg3[%dma_wait3A_80] : memref<323584xi32, #tpu.memory_space<hbm>> -> memref<128xi32, #tpu.memory_space<hbm>>
      %dma_wait3A_82 = arith.constant 0 : i32
      %dma_wait3A_83 = tpu.memref_slice %arg3[%dma_wait3A_82] : memref<323584xi32, #tpu.memory_space<hbm>> -> memref<128xi32, #tpu.memory_space<hbm>>
      tpu.wait_dma2 semaphore(%arg13 : memref<!tpu.dma_semaphore, #tpu.memory_space<semaphore_mem>>) src(%dma_wait3A_83 : memref<128xi32, #tpu.memory_space<hbm>>) dst(%arg19 : memref<128xi32, #tpu.memory_space<vmem>>)
    } else {
    }
    %ge3A_62 = arith.constant 4 : i32
    %ge3A_63 = arith.cmpi sge, %add3A, %ge3A_62 : i32
    %convert_element_type3A_64 = arith.extui %ge3A_63 : i1 to i32
    %cond3A_65 = arith.constant 0 : i32
    %cond3A_66 = arith.cmpi ne, %convert_element_type3A_64, %cond3A_65 : i32
    scf.if %cond3A_66 {
      %dma_wait3A_68 = arith.constant 0 : i32
      %dma_wait3A_69 = tpu.memref_slice %arg3[%dma_wait3A_68] : memref<323584xi32, #tpu.memory_space<hbm>> -> memref<128xi32, #tpu.memory_space<hbm>>
      %dma_wait3A_70 = arith.constant 0 : i32
      %dma_wait3A_71 = tpu.memref_slice %arg3[%dma_wait3A_70] : memref<323584xi32, #tpu.memory_space<hbm>> -> memref<128xi32, #tpu.memory_space<hbm>>
      tpu.wait_dma2 semaphore(%arg15 : memref<!tpu.dma_semaphore, #tpu.memory_space<semaphore_mem>>) src(%dma_wait3A_71 : memref<128xi32, #tpu.memory_space<hbm>>) dst(%arg9 : memref<128xi32, #tpu.memory_space<vmem>>)
      %dma_wait3A_72 = arith.constant 0 : i32
      %dma_wait3A_73 = tpu.memref_slice %arg3[%dma_wait3A_72] : memref<323584xi32, #tpu.memory_space<hbm>> -> memref<128xi32, #tpu.memory_space<hbm>>
      %dma_wait3A_74 = arith.constant 0 : i32
      %dma_wait3A_75 = tpu.memref_slice %arg3[%dma_wait3A_74] : memref<323584xi32, #tpu.memory_space<hbm>> -> memref<128xi32, #tpu.memory_space<hbm>>
      tpu.wait_dma2 semaphore(%arg15 : memref<!tpu.dma_semaphore, #tpu.memory_space<semaphore_mem>>) src(%dma_wait3A_75 : memref<128xi32, #tpu.memory_space<hbm>>) dst(%arg21 : memref<128xi32, #tpu.memory_space<vmem>>)
      %dma_wait3A_76 = arith.constant 0 : i32
      %dma_wait3A_77 = tpu.memref_slice %arg3[%dma_wait3A_76] : memref<323584xi32, #tpu.memory_space<hbm>> -> memref<128xi32, #tpu.memory_space<hbm>>
      %dma_wait3A_78 = arith.constant 0 : i32
      %dma_wait3A_79 = tpu.memref_slice %arg3[%dma_wait3A_78] : memref<323584xi32, #tpu.memory_space<hbm>> -> memref<128xi32, #tpu.memory_space<hbm>>
      tpu.wait_dma2 semaphore(%arg16 : memref<!tpu.dma_semaphore, #tpu.memory_space<semaphore_mem>>) src(%dma_wait3A_79 : memref<128xi32, #tpu.memory_space<hbm>>) dst(%arg10 : memref<128xi32, #tpu.memory_space<vmem>>)
      %dma_wait3A_80 = arith.constant 0 : i32
      %dma_wait3A_81 = tpu.memref_slice %arg3[%dma_wait3A_80] : memref<323584xi32, #tpu.memory_space<hbm>> -> memref<128xi32, #tpu.memory_space<hbm>>
      %dma_wait3A_82 = arith.constant 0 : i32
      %dma_wait3A_83 = tpu.memref_slice %arg3[%dma_wait3A_82] : memref<323584xi32, #tpu.memory_space<hbm>> -> memref<128xi32, #tpu.memory_space<hbm>>
      tpu.wait_dma2 semaphore(%arg16 : memref<!tpu.dma_semaphore, #tpu.memory_space<semaphore_mem>>) src(%dma_wait3A_83 : memref<128xi32, #tpu.memory_space<hbm>>) dst(%arg22 : memref<128xi32, #tpu.memory_space<vmem>>)
    } else {
    }
    %barrier3A_67 = arith.constant 0 : index
    tpu.barrier barrier_id(%barrier3A_67)
    "tpu.region"() ({
      %run_scoped3A = tpu.sem_alloc : memref<!tpu.dma_semaphore, #tpu.memory_space<semaphore_mem>>
      %dma_start3A_68 = arith.constant 0 : i32
      %dma_start3A_69 = tpu.memref_slice %arg5[%arg0, %mul3A_13, %dma_start3A_68] : memref<2x10240x64xf32, #tpu.memory_space<hbm>> -> memref<1x640x64xf32, #tpu.memory_space<hbm>>
      %dma_start3A_70 = tpu.memref_squeeze %dma_start3A_69 : memref<1x640x64xf32, #tpu.memory_space<hbm>> -> memref<640x64xf32, #tpu.memory_space<hbm>>
      %dma_start3A_71 = arith.constant 0 : i32
      %dma_start3A_72 = tpu.memref_slice %arg6[%mul3A_13, %dma_start3A_71] : memref<10240x64xf32, #tpu.memory_space<vmem_shared>> -> memref<640x64xf32, #tpu.memory_space<vmem_shared>>
      tpu.enqueue_dma source(%dma_start3A_72 : memref<640x64xf32, #tpu.memory_space<vmem_shared>>) target(%dma_start3A_70 : memref<640x64xf32, #tpu.memory_space<hbm>>) target_semaphore(%run_scoped3A : memref<!tpu.dma_semaphore, #tpu.memory_space<semaphore_mem>>)
      %dma_wait3A_73 = arith.constant 0 : i32
      %dma_wait3A_74 = tpu.memref_slice %arg5[%arg0, %mul3A_13, %dma_wait3A_73] : memref<2x10240x64xf32, #tpu.memory_space<hbm>> -> memref<1x640x64xf32, #tpu.memory_space<hbm>>
      %dma_wait3A_75 = tpu.memref_squeeze %dma_wait3A_74 : memref<1x640x64xf32, #tpu.memory_space<hbm>> -> memref<640x64xf32, #tpu.memory_space<hbm>>
      %dma_wait3A_76 = arith.constant 0 : i32
      %dma_wait3A_77 = tpu.memref_slice %arg6[%mul3A_13, %dma_wait3A_76] : memref<10240x64xf32, #tpu.memory_space<vmem_shared>> -> memref<640x64xf32, #tpu.memory_space<vmem_shared>>
      tpu.wait_dma2 semaphore(%run_scoped3A : memref<!tpu.dma_semaphore, #tpu.memory_space<semaphore_mem>>) src(%dma_wait3A_77 : memref<640x64xf32, #tpu.memory_space<vmem_shared>>) dst(%dma_wait3A_75 : memref<640x64xf32, #tpu.memory_space<hbm>>)
      tpu.yield
    }) : () -> ()
    return
  }
}

module attributes {stable_mosaic.version = 14 : i64} {
  func.func @_prescale_body(%arg0: i32, %arg1: memref<2x2000x1xf32, #tpu.memory_space<vmem>>, %arg2: memref<2000x128xf32, #tpu.memory_space<vmem>>, %arg3: memref<2000x1xf32, #tpu.memory_space<vmem>>, %arg4: memref<2000x128xf32, #tpu.memory_space<vmem>>) attributes {dimension_semantics = [#tpu.dimension_semantics<arbitrary>], iteration_bounds = array<i64: 5>, scalar_prefetch = 0 : i64, scratch_operands = 0 : i64, tpu.core_type = #tpu.core_type<tc>, window_params = [{transform_indices = @transform_0, window_bounds = array<i64: 2, 2000, 1>}, {transform_indices = @transform_1, window_bounds = array<i64: 2000, 128>}, {transform_indices = @transform_2, window_bounds = array<i64: 2000, 1>}, {transform_indices = @transform_3, window_bounds = array<i64: 2000, 128>}]} {
    %get3A = arith.constant 0 : index
    %get3A_0 = arith.constant 0 : index
    %get3A_1 = arith.constant 0 : index
    %get3A_2 = vector.load %arg1[%get3A, %get3A_0, %get3A_1] : memref<2x2000x1xf32, #tpu.memory_space<vmem>>, vector<1x2000x1xf32>
    %get3A_3 = vector.shape_cast %get3A_2 : vector<1x2000x1xf32> to vector<2000x1xf32>
    %get3A_4 = arith.constant 1 : index
    %get3A_5 = arith.constant 0 : index
    %get3A_6 = arith.constant 0 : index
    %get3A_7 = vector.load %arg1[%get3A_4, %get3A_5, %get3A_6] : memref<2x2000x1xf32, #tpu.memory_space<vmem>>, vector<1x2000x1xf32>
    %get3A_8 = vector.shape_cast %get3A_7 : vector<1x2000x1xf32> to vector<2000x1xf32>
    %add3A = arith.addf %get3A_3, %get3A_8 : vector<2000x1xf32>
    %add3A_9 = arith.constant 1.000000e+00 : f32
    %add3A_10 = vector.broadcast %add3A_9 : f32 to vector<2000x1xf32>
    %add3A_11 = arith.addf %add3A, %add3A_10 : vector<2000x1xf32>
    %rsqrt3A = math.rsqrt %add3A_11 : vector<2000x1xf32>
    %swap3A = arith.constant 0 : index
    %swap3A_12 = arith.constant 0 : index
    %swap3A_13 = vector.load %arg3[%swap3A, %swap3A_12] : memref<2000x1xf32, #tpu.memory_space<vmem>>, vector<2000x1xf32>
    tpu.vector_store %arg3[%swap3A, %swap3A_12], %rsqrt3A {strides = array<i32>} : memref<2000x1xf32, #tpu.memory_space<vmem>>, vector<2000x1xf32>,
    %get3A_14 = arith.constant 0 : index
    %get3A_15 = arith.constant 0 : index
    %get3A_16 = vector.load %arg2[%get3A_14, %get3A_15] : memref<2000x128xf32, #tpu.memory_space<vmem>>, vector<2000x128xf32>
    %mul3A = vector.broadcast %rsqrt3A : vector<2000x1xf32> to vector<2000x128xf32>
    %mul3A_17 = arith.mulf %mul3A, %get3A_16 : vector<2000x128xf32>
    %swap3A_18 = arith.constant 0 : index
    %swap3A_19 = arith.constant 0 : index
    %swap3A_20 = vector.load %arg4[%swap3A_18, %swap3A_19] : memref<2000x128xf32, #tpu.memory_space<vmem>>, vector<2000x128xf32>
    tpu.vector_store %arg4[%swap3A_18, %swap3A_19], %mul3A_17 {strides = array<i32>} : memref<2000x128xf32, #tpu.memory_space<vmem>>, vector<2000x128xf32>,
    return
  }
  func.func @transform_0(%arg0: i32) -> (i32, i32, i32) {
    %c0_i32 = arith.constant 0 : i32
    %c0_i32_0 = arith.constant 0 : i32
    %c0_i32_1 = arith.constant 0 : i32
    return %c0_i32, %arg0, %c0_i32_0 : i32, i32, i32
  }
  func.func @transform_1(%arg0: i32) -> (i32, i32) {
    %c0_i32 = arith.constant 0 : i32
    %c0_i32_0 = arith.constant 0 : i32
    return %arg0, %c0_i32 : i32, i32
  }
  func.func @transform_2(%arg0: i32) -> (i32, i32) {
    %c0_i32 = arith.constant 0 : i32
    %c0_i32_0 = arith.constant 0 : i32
    return %arg0, %c0_i32 : i32, i32
  }
  func.func @transform_3(%arg0: i32) -> (i32, i32) {
    %c0_i32 = arith.constant 0 : i32
    %c0_i32_0 = arith.constant 0 : i32
    return %arg0, %c0_i32 : i32, i32
  }
}

module attributes {stable_mosaic.version = 14 : i64} {
  func.func @_mid_body(%arg0: i32, %arg1: memref<2x2000x128xf32, #tpu.memory_space<vmem>>, %arg2: memref<2000x128xf32, #tpu.memory_space<vmem>>, %arg3: memref<2000x1xf32, #tpu.memory_space<vmem>>, %arg4: memref<128x256xf32, #tpu.memory_space<vmem>>, %arg5: memref<1x256xf32, #tpu.memory_space<vmem>>, %arg6: memref<256x64xf32, #tpu.memory_space<vmem>>, %arg7: memref<2000x64xf32, #tpu.memory_space<vmem>>) attributes {dimension_semantics = [#tpu.dimension_semantics<arbitrary>], iteration_bounds = array<i64: 5>, scalar_prefetch = 0 : i64, scratch_operands = 0 : i64, tpu.core_type = #tpu.core_type<tc>, window_params = [{transform_indices = @transform_0, window_bounds = array<i64: 2, 2000, 128>}, {transform_indices = @transform_1, window_bounds = array<i64: 2000, 128>}, {transform_indices = @transform_2, window_bounds = array<i64: 2000, 1>}, {pipeline_mode = #tpu.pipeline_mode<synchronous>, transform_indices = @transform_3, window_bounds = array<i64: 128, 256>}, {pipeline_mode = #tpu.pipeline_mode<synchronous>, transform_indices = @transform_4, window_bounds = array<i64: 1, 256>}, {pipeline_mode = #tpu.pipeline_mode<synchronous>, transform_indices = @transform_5, window_bounds = array<i64: 256, 64>}, {transform_indices = @transform_6, window_bounds = array<i64: 2000, 64>}]} {
    %get3A = arith.constant 0 : index
    %get3A_0 = arith.constant 0 : index
    %get3A_1 = vector.load %arg3[%get3A, %get3A_0] : memref<2000x1xf32, #tpu.memory_space<vmem>>, vector<2000x1xf32>
    %get3A_2 = arith.constant 0 : index
    %get3A_3 = arith.constant 0 : index
    %get3A_4 = arith.constant 0 : index
    %get3A_5 = vector.load %arg1[%get3A_2, %get3A_3, %get3A_4] : memref<2x2000x128xf32, #tpu.memory_space<vmem>>, vector<1x2000x128xf32>
    %get3A_6 = vector.shape_cast %get3A_5 : vector<1x2000x128xf32> to vector<2000x128xf32>
    %get3A_7 = arith.constant 1 : index
    %get3A_8 = arith.constant 0 : index
    %get3A_9 = arith.constant 0 : index
    %get3A_10 = vector.load %arg1[%get3A_7, %get3A_8, %get3A_9] : memref<2x2000x128xf32, #tpu.memory_space<vmem>>, vector<1x2000x128xf32>
    %get3A_11 = vector.shape_cast %get3A_10 : vector<1x2000x128xf32> to vector<2000x128xf32>
    %add3A = arith.addf %get3A_6, %get3A_11 : vector<2000x128xf32>
    %get3A_12 = arith.constant 0 : index
    %get3A_13 = arith.constant 0 : index
    %get3A_14 = vector.load %arg2[%get3A_12, %get3A_13] : memref<2000x128xf32, #tpu.memory_space<vmem>>, vector<2000x128xf32>
    %add3A_15 = arith.addf %add3A, %get3A_14 : vector<2000x128xf32>
    %mul3A = vector.broadcast %get3A_1 : vector<2000x1xf32> to vector<2000x128xf32>
    %mul3A_16 = arith.mulf %mul3A, %add3A_15 : vector<2000x128xf32>
    %get3A_17 = arith.constant 0 : index
    %get3A_18 = arith.constant 0 : index
    %get3A_19 = vector.load %arg4[%get3A_17, %get3A_18] : memref<128x256xf32, #tpu.memory_space<vmem>>, vector<128x256xf32>
    %dot_general3A = arith.constant dense<0.000000e+00> : vector<2000x256xf32>
    %dot_general3A_20 = tpu.matmul %mul3A_16, %get3A_19, %dot_general3A {dimension_numbers = #tpu.dot_dimension_numbers<[1], [0], [0], [1], [0, 0, 1, 1], [], []>, transpose_lhs_hint = false} : vector<2000x128xf32>, vector<128x256xf32>, vector<2000x256xf32> -> vector<2000x256xf32>
    %get3A_21 = arith.constant 0 : index
    %get3A_22 = arith.constant 0 : index
    %get3A_23 = vector.load %arg5[%get3A_21, %get3A_22] : memref<1x256xf32, #tpu.memory_space<vmem>>, vector<1x256xf32>
    %add3A_24 = vector.broadcast %get3A_23 : vector<1x256xf32> to vector<2000x256xf32>
    %add3A_25 = arith.addf %dot_general3A_20, %add3A_24 : vector<2000x256xf32>
    %max3A = arith.constant 0.000000e+00 : f32
    %max3A_26 = vector.broadcast %max3A : f32 to vector<2000x256xf32>
    %max3A_27 = arith.maximumf %add3A_25, %max3A_26 : vector<2000x256xf32>
    %get3A_28 = arith.constant 0 : index
    %get3A_29 = arith.constant 0 : index
    %get3A_30 = vector.load %arg6[%get3A_28, %get3A_29] : memref<256x64xf32, #tpu.memory_space<vmem>>, vector<256x64xf32>
    %dot_general3A_31 = arith.constant dense<0.000000e+00> : vector<2000x64xf32>
    %dot_general3A_32 = tpu.matmul %max3A_27, %get3A_30, %dot_general3A_31 {dimension_numbers = #tpu.dot_dimension_numbers<[1], [0], [0], [1], [0, 0, 1, 1], [], []>, transpose_lhs_hint = false} : vector<2000x256xf32>, vector<256x64xf32>, vector<2000x64xf32> -> vector<2000x64xf32>
    %get3A_33 = arith.constant 0 : index
    %get3A_34 = arith.constant 0 : index
    %get3A_35 = vector.load %arg3[%get3A_33, %get3A_34] : memref<2000x1xf32, #tpu.memory_space<vmem>>, vector<2000x1xf32>
    %mul3A_36 = vector.broadcast %get3A_35 : vector<2000x1xf32> to vector<2000x64xf32>
    %mul3A_37 = arith.mulf %mul3A_36, %dot_general3A_32 : vector<2000x64xf32>
    %swap3A = arith.constant 0 : index
    %swap3A_38 = arith.constant 0 : index
    %swap3A_39 = vector.load %arg7[%swap3A, %swap3A_38] : memref<2000x64xf32, #tpu.memory_space<vmem>>, vector<2000x64xf32>
    tpu.vector_store %arg7[%swap3A, %swap3A_38], %mul3A_37 {strides = array<i32>} : memref<2000x64xf32, #tpu.memory_space<vmem>>, vector<2000x64xf32>,
    return
  }
  func.func @transform_0(%arg0: i32) -> (i32, i32, i32) {
    %c0_i32 = arith.constant 0 : i32
    %c0_i32_0 = arith.constant 0 : i32
    %c0_i32_1 = arith.constant 0 : i32
    return %c0_i32, %arg0, %c0_i32_0 : i32, i32, i32
  }
  func.func @transform_1(%arg0: i32) -> (i32, i32) {
    %c0_i32 = arith.constant 0 : i32
    %c0_i32_0 = arith.constant 0 : i32
    return %arg0, %c0_i32 : i32, i32
  }
  func.func @transform_2(%arg0: i32) -> (i32, i32) {
    %c0_i32 = arith.constant 0 : i32
    %c0_i32_0 = arith.constant 0 : i32
    return %arg0, %c0_i32 : i32, i32
  }
  func.func @transform_3(%arg0: i32) -> (i32, i32) {
    %c0_i32 = arith.constant 0 : i32
    %c0_i32_0 = arith.constant 0 : i32
    %c0_i32_1 = arith.constant 0 : i32
    return %c0_i32, %c0_i32_0 : i32, i32
  }
  func.func @transform_4(%arg0: i32) -> (i32, i32) {
    %c0_i32 = arith.constant 0 : i32
    %c0_i32_0 = arith.constant 0 : i32
    %c0_i32_1 = arith.constant 0 : i32
    return %c0_i32, %c0_i32_0 : i32, i32
  }
  func.func @transform_5(%arg0: i32) -> (i32, i32) {
    %c0_i32 = arith.constant 0 : i32
    %c0_i32_0 = arith.constant 0 : i32
    %c0_i32_1 = arith.constant 0 : i32
    return %c0_i32, %c0_i32_0 : i32, i32
  }
  func.func @transform_6(%arg0: i32) -> (i32, i32) {
    %c0_i32 = arith.constant 0 : i32
    %c0_i32_0 = arith.constant 0 : i32
    return %arg0, %c0_i32 : i32, i32
  }
}

module attributes {stable_mosaic.version = 14 : i64} {
  func.func @_final_body(%arg0: i32, %arg1: memref<2x2000x64xf32, #tpu.memory_space<vmem>>, %arg2: memref<2000x64xf32, #tpu.memory_space<vmem>>, %arg3: memref<2000x1xf32, #tpu.memory_space<vmem>>, %arg4: memref<1x64xf32, #tpu.memory_space<vmem>>, %arg5: memref<2000x64xf32, #tpu.memory_space<vmem>>) attributes {dimension_semantics = [#tpu.dimension_semantics<arbitrary>], iteration_bounds = array<i64: 5>, scalar_prefetch = 0 : i64, scratch_operands = 0 : i64, tpu.core_type = #tpu.core_type<tc>, window_params = [{transform_indices = @transform_0, window_bounds = array<i64: 2, 2000, 64>}, {transform_indices = @transform_1, window_bounds = array<i64: 2000, 64>}, {transform_indices = @transform_2, window_bounds = array<i64: 2000, 1>}, {pipeline_mode = #tpu.pipeline_mode<synchronous>, transform_indices = @transform_3, window_bounds = array<i64: 1, 64>}, {transform_indices = @transform_4, window_bounds = array<i64: 2000, 64>}]} {
    %get3A = arith.constant 0 : index
    %get3A_0 = arith.constant 0 : index
    %get3A_1 = vector.load %arg3[%get3A, %get3A_0] : memref<2000x1xf32, #tpu.memory_space<vmem>>, vector<2000x1xf32>
    %get3A_2 = arith.constant 0 : index
    %get3A_3 = arith.constant 0 : index
    %get3A_4 = arith.constant 0 : index
    %get3A_5 = vector.load %arg1[%get3A_2, %get3A_3, %get3A_4] : memref<2x2000x64xf32, #tpu.memory_space<vmem>>, vector<1x2000x64xf32>
    %get3A_6 = vector.shape_cast %get3A_5 : vector<1x2000x64xf32> to vector<2000x64xf32>
    %get3A_7 = arith.constant 1 : index
    %get3A_8 = arith.constant 0 : index
    %get3A_9 = arith.constant 0 : index
    %get3A_10 = vector.load %arg1[%get3A_7, %get3A_8, %get3A_9] : memref<2x2000x64xf32, #tpu.memory_space<vmem>>, vector<1x2000x64xf32>
    %get3A_11 = vector.shape_cast %get3A_10 : vector<1x2000x64xf32> to vector<2000x64xf32>
    %add3A = arith.addf %get3A_6, %get3A_11 : vector<2000x64xf32>
    %get3A_12 = arith.constant 0 : index
    %get3A_13 = arith.constant 0 : index
    %get3A_14 = vector.load %arg2[%get3A_12, %get3A_13] : memref<2000x64xf32, #tpu.memory_space<vmem>>, vector<2000x64xf32>
    %add3A_15 = arith.addf %add3A, %get3A_14 : vector<2000x64xf32>
    %mul3A = vector.broadcast %get3A_1 : vector<2000x1xf32> to vector<2000x64xf32>
    %mul3A_16 = arith.mulf %mul3A, %add3A_15 : vector<2000x64xf32>
    %get3A_17 = arith.constant 0 : index
    %get3A_18 = arith.constant 0 : index
    %get3A_19 = vector.load %arg4[%get3A_17, %get3A_18] : memref<1x64xf32, #tpu.memory_space<vmem>>, vector<1x64xf32>
    %add3A_20 = vector.broadcast %get3A_19 : vector<1x64xf32> to vector<2000x64xf32>
    %add3A_21 = arith.addf %mul3A_16, %add3A_20 : vector<2000x64xf32>
    %reduce_max3A = arith.constant dense<0xFF800000> : vector<2000xf32>
    %reduce_max3A_22 = vector.multi_reduction <maximumf>, %add3A_21, %reduce_max3A [1] : vector<2000x64xf32> to vector<2000xf32>
    %broadcast_in_dim3A = vector.shape_cast %reduce_max3A_22 : vector<2000xf32> to vector<2000x1xf32>
    %sub3A = vector.broadcast %broadcast_in_dim3A : vector<2000x1xf32> to vector<2000x64xf32>
    %sub3A_23 = arith.subf %add3A_21, %sub3A : vector<2000x64xf32>
    %exp3A = math.exp %sub3A_23 : vector<2000x64xf32>
    %reduce_sum3A = arith.constant dense<0.000000e+00> : vector<2000xf32>
    %reduce_sum3A_24 = vector.multi_reduction <add>, %exp3A, %reduce_sum3A [1] : vector<2000x64xf32> to vector<2000xf32>
    %broadcast_in_dim3A_25 = vector.shape_cast %reduce_sum3A_24 : vector<2000xf32> to vector<2000x1xf32>
    %sub3A_26 = vector.broadcast %broadcast_in_dim3A : vector<2000x1xf32> to vector<2000x64xf32>
    %sub3A_27 = arith.subf %add3A_21, %sub3A_26 : vector<2000x64xf32>
    %log3A = math.log %broadcast_in_dim3A_25 : vector<2000x1xf32>
    %sub3A_28 = vector.broadcast %log3A : vector<2000x1xf32> to vector<2000x64xf32>
    %sub3A_29 = arith.subf %sub3A_27, %sub3A_28 : vector<2000x64xf32>
    %swap3A = arith.constant 0 : index
    %swap3A_30 = arith.constant 0 : index
    %swap3A_31 = vector.load %arg5[%swap3A, %swap3A_30] : memref<2000x64xf32, #tpu.memory_space<vmem>>, vector<2000x64xf32>
    tpu.vector_store %arg5[%swap3A, %swap3A_30], %sub3A_29 {strides = array<i32>} : memref<2000x64xf32, #tpu.memory_space<vmem>>, vector<2000x64xf32>,
    return
  }
  func.func @transform_0(%arg0: i32) -> (i32, i32, i32) {
    %c0_i32 = arith.constant 0 : i32
    %c0_i32_0 = arith.constant 0 : i32
    %c0_i32_1 = arith.constant 0 : i32
    return %c0_i32, %arg0, %c0_i32_0 : i32, i32, i32
  }
  func.func @transform_1(%arg0: i32) -> (i32, i32) {
    %c0_i32 = arith.constant 0 : i32
    %c0_i32_0 = arith.constant 0 : i32
    return %arg0, %c0_i32 : i32, i32
  }
  func.func @transform_2(%arg0: i32) -> (i32, i32) {
    %c0_i32 = arith.constant 0 : i32
    %c0_i32_0 = arith.constant 0 : i32
    return %arg0, %c0_i32 : i32, i32
  }
  func.func @transform_3(%arg0: i32) -> (i32, i32) {
    %c0_i32 = arith.constant 0 : i32
    %c0_i32_0 = arith.constant 0 : i32
    %c0_i32_1 = arith.constant 0 : i32
    return %c0_i32, %c0_i32_0 : i32, i32
  }
  func.func @transform_4(%arg0: i32) -> (i32, i32) {
    %c0_i32 = arith.constant 0 : i32
    %c0_i32_0 = arith.constant 0 : i32
    return %arg0, %c0_i32 : i32, i32
  }
}

</mosaic_0001>

<sc_bundles>
// kernel: sc_deg.3.cloned.1.call-start
scs
__scs_entry_jumppad:
0x0: {  	(pc) =	sbr.rel $0x88, $3  }
0x1: {  	(tag) =	ssettag $0x0;
	lr =	simm.s32 $0x1  }
0x2: {  	[smem:$0x3F9B] =	sst lr;
	_ =	strace $0xD0000000  }
0x3: {  	_ = 	snop  }
0x4: {  	_ = 	snop  }
0x5: {  	_ = 	snop  }
0x6: {  	_ = 	snop  }
0x7: {  	_ = 	snop  }
__scs_overlays_trampoline_lowered:
0x8: {  	[smem:$0x3FAA] =	sst s0  }
0x9: {  	[smem:$0x3FAB] =	sst s1  }
0xa: {  	[smem:$0x3FAC] =	sst s2  }
0xb: {  	[smem:$0x3FAD] =	sst s3  }
0xc: {  	[smem:$0x3FAE] =	sst s4  }
0xd: {  	[smem:$0x3FAF] =	sst s5  }
0xe: {  	[smem:$0x3FB0] =	sst s6  }
0xf: {  	[smem:$0x3FB1] =	sst s7  }
0x10: {  	[smem:$0x3FB2] =	sst s8  }
0x11: {  	[smem:$0x3FB3] =	sst s9;
	s0 =	simm.s32 @!p0 $0x0  }
0x12: {  	s1 =	sld [smem:$0x3F99];
	s0 =	simm.s32 @p0 $0x1  }
0x13: {  	[smem:$0x3FB4] =	sst s0;
	s0 =	simm.s32 @!p1 $0x0  }
0x14: {  	s2 =	sld [smem:$0x3F98];
	s0 =	simm.s32 @p1 $0x1  }
0x15: {  	[smem:$0x3FB5] =	sst s0;
	s0 =	simm.s32 @!p2 $0x0  }
0x16: {  	s3 =	sld [smem:$0x3FDB];
	s0 =	simm.s32 @p2 $0x1  }
0x17: {  	s4 =	simm.s32 $0x1BF5;
	[smem:$0x3FB7] =	sst s0  }
0x18: {  	s0 =	sld [smem:$0x3F9A];
	_ =	swait.ge [sflag:s4], $0x0  }
0x19: {  	s7 =	sld [smem:$0x3F9B]  }
0x1a: {  	s8 =	sadd.s32 $0xFFFFE003, lr  }
0x1b: {  	s9 =	sadd.s32 $0xFFFFFEF7, lr;
	s5 =	simm.s32 $0xFFFFFFFF;
	p2 =	slt.u32 s8, $0xFFFFF086  }
0x1c: {  	p1 =	slt.u32 s9, $0xF7A;
	s5 =	simm.s32 @!p2 $0x0  }
0x1d: {  	s5 =	simm.s32 @p1 $0x1;
	p0 =	seq.s32 s7, s2  }
0x1e: {  	s7 =	smul.u32 @!p0 $0xF7A, s2;
	p2 =	seq.s32 @!p0 s5, $0x0  }
0x1f: {  	s9 =	smul.u32 $0xF7A, s1;
	s8 =	simm.s32 @!p0 $0x1BF5;
	p2 =	por !p2, p0  }
0x20: {  	[sflag:s8] =	ssyncset.s32 @!p0 $0xFFFFF086;
	s6 =	sadd.s32 @!p0 s3, s7;
	s7 =	simm.s32 @!p0 $0x108  }
0x21: {  	s3 =	sadd.s32 s3, s9;
	s6 =	sadd.s32 @!p0 $0x88, s6;
	s7 =	simm.s32 @p2 $0x1082  }
0x22: {  	[simem:s7], [sflag:s8] =	dma.local @!p0 [hbm:s6], $0xF7A  }
0x23: {  	s9 =	sor.u32 $0xD0000000, s2;
	s6 =	simm.s32 $0x108;
	_ =	swait.ge @!p0 [sflag:s8], $0x0  }
0x24: {  	s3 =	sadd.s32 $0x88, s3;
	s6 =	simm.s32 @!p1 $0x1082;
	[sflag:s4] =	ssyncset.s32 $0xFFFFF086  }
0x25: {  	[simem:s6], [sflag:s4] =	dma.local [hbm:s3], $0xF7A  }
0x26: {  	[smem:$0x3F9B] =	sst s1;
	(tag) =	ssettag s2;
	_ =	strace s9  }
0x27: {  	s1 =	sld [smem:$0x3FAB]  }
0x28: {  	s2 =	sld [smem:$0x3FAC]  }
0x29: {  	s4 =	sld [smem:$0x3FAE]  }
0x2a: {  	p0 =	seq.s32 s5, $0x0;
	s5 =	sld [smem:$0x3FAF]  }
0x2b: {  	s6 =	sld [smem:$0x3FB0]  }
0x2c: {  	s7 =	sld [smem:$0x3FB1]  }
0x2d: {  	s3 =	simm.s32 $0x108;
	s8 =	sld [smem:$0x3FB2]  }
0x2e: {  	s3 =	simm.s32 @!p0 $0x1082;
	s9 =	sld [smem:$0x3FB3]  }
0x2f: {  	lr =	sadd.s32 s0, s3;
	s0 =	sld [smem:$0x3FAA]  }
0x30: {  	s3 =	sld [smem:$0x3FAD]  }
0x31: {  	[smem:$0x3FB6] =	sst s10  }
0x32: {  	s10 =	sld [smem:$0x3FB4];
	_ =	sdelay $0x3  }
0x33: {  	p0 =	seq.s32 s10, $0x1;
	s10 =	sld [smem:$0x3FB6];
	_ =	sdelay $0x3  }
0x34: {  	[smem:$0x3FB6] =	sst s10  }
0x35: {  	s10 =	sld [smem:$0x3FB5];
	_ =	sdelay $0x3  }
0x36: {  	p1 =	seq.s32 s10, $0x1;
	s10 =	sld [smem:$0x3FB6];
	_ =	sdelay $0x3  }
0x37: {  	[smem:$0x3FB6] =	sst s10  }
0x38: {  	s10 =	sld [smem:$0x3FB7]  }
0x39: {  	_ = 	snop;
	(pc) =	sbr.ind lr, $3  }
0x3a: {  	_ = 	snop  }
0x3b: {  	_ = 	snop  }
0x3c: {  	p2 =	seq.s32 s10, $0x1;
	s10 =	sld [smem:$0x3FB6]  }
0x3d: {  	_ =	shalt  }
0x3e: {  	_ =	shalt  }
0x3f: {  	_ =	shalt  }
0x40: {  	_ =	shalt  }
0x41: {  	_ =	shalt  }
0x42: {  	_ =	shalt  }
0x43: {  	_ =	shalt  }
0x44: {  	_ =	shalt  }
0x45: {  	_ =	shalt  }
0x46: {  	_ =	shalt  }
0x47: {  	_ =	shalt  }
0x48: {  	_ =	shalt  }
0x49: {  	_ =	shalt  }
0x4a: {  	_ =	shalt  }
0x4b: {  	_ =	shalt  }
0x4c: {  	_ =	shalt  }
0x4d: {  	_ =	shalt  }
0x4e: {  	_ =	shalt  }
0x4f: {  	_ =	shalt  }
0x50: {  	_ =	shalt  }
0x51: {  	_ =	shalt  }
0x52: {  	_ =	shalt  }
0x53: {  	_ =	shalt  }
0x54: {  	_ =	shalt  }
0x55: {  	_ =	shalt  }
0x56: {  	_ =	shalt  }
0x57: {  	_ =	shalt  }
0x58: {  	_ =	shalt  }
0x59: {  	_ =	shalt  }
0x5a: {  	_ =	shalt  }
0x5b: {  	_ =	shalt  }
0x5c: {  	_ =	shalt  }
0x5d: {  	_ =	shalt  }
0x5e: {  	_ =	shalt  }
0x5f: {  	_ =	shalt  }
0x60: {  	_ =	shalt  }
0x61: {  	_ =	shalt  }
0x62: {  	_ =	shalt  }
0x63: {  	_ =	shalt  }
0x64: {  	_ =	shalt  }
0x65: {  	_ =	shalt  }
0x66: {  	_ =	shalt  }
0x67: {  	_ =	shalt  }
0x68: {  	_ =	shalt  }
0x69: {  	_ =	shalt  }
0x6a: {  	_ =	shalt  }
0x6b: {  	_ =	shalt  }
0x6c: {  	_ =	shalt  }
0x6d: {  	_ =	shalt  }
0x6e: {  	_ =	shalt  }
0x6f: {  	_ =	shalt  }
0x70: {  	_ =	shalt  }
0x71: {  	_ =	shalt  }
0x72: {  	_ =	shalt  }
0x73: {  	_ =	shalt  }
0x74: {  	_ =	shalt  }
0x75: {  	_ =	shalt  }
0x76: {  	_ =	shalt  }
0x77: {  	_ =	shalt  }
0x78: {  	_ =	shalt  }
0x79: {  	_ =	shalt  }
0x7a: {  	_ =	shalt  }
0x7b: {  	_ =	shalt  }
0x7c: {  	_ =	shalt  }
0x7d: {  	_ =	shalt  }
0x7e: {  	_ =	shalt  }
0x7f: {  	_ =	shalt  }
0x80: {  	_ =	shalt  }
0x81: {  	_ =	shalt  }
0x82: {  	_ =	shalt  }
0x83: {  	_ =	shalt  }
0x84: {  	_ =	shalt  }
0x85: {  	_ =	shalt  }
0x86: {  	_ =	shalt  }
0x87: {  	_ =	shalt  }
.Lfunc_end0:
.L_simem_size_0:
called_computation_lowered:
.L_overlay_start_0:
0x88: {  	s2 =	sld [smem:$0x3FD9]  }
0x89: {  	s3 =	sld [smem:$0x3FFE];
	_ =	sdelay $0x1  }
0x8a: {  	s1 =	srdreg.scid  }
0x8b: {  	s0 =	sand.u32 $0x1, s1  }
0x8c: {  	s17 =	sshll.u32 s0, $0xA;
	s2 =	sadd.s32 s3, s2  }
0x8d: {  	s2 =	sadd.s32 s2, s17  }
0x8e: {  	[smem:$0x3FC2] =	sst s2  }
0x8f: {  	_ = 	snop  }
0x90: {  	s2 =	sld [smem:$0x3FD0];
	(tm) =	ssettm $0x1  }
0x91: {  	s18 =	sld [smem:$0x3FFB];
	_ =	sdelay $0x3  }
0x92: {  	_ =	strace s18  }
0x93: {  	s3 =	sld [smem:$0x3FFC];
	_ =	sdelay $0x3  }
0x94: {  	_ =	strace s3  }
0x95: {  	s3 =	sld [smem:$0x3FFD];
	_ =	sdelay $0x3  }
0x96: {  	_ =	strace s3  }
0x97: {  	_ =	strace $0x8FFFFFFF  }
0x98: {  	s19 =	sld [smem:$0x3FDB];
	_ =	sdelay $0x1  }
0x99: {  	s4 =	simm.s32 $_scs_section_size  }
0x9a: {  	s5 =	simm.s32 $_size__tile_overlayer_lowered;
	s6 =	simm.s32 $_tile_overlayer_lowered  }
0x9b: {  	s22 =	simm.s32 $0x1BFF;
	s21 =	sshll.u32 s6, $0x1;
	s3 =	sadd.s32 s4, s19  }
0x9c: {  	s7 =	simm.s32 $0x0;
	s20 =	sshll.u32 s5, $0x1;
	s5 =	sadd.s32 s21, s3  }
0x9d: {  	[timem:s7], [sflag:s22] =	dma.local [hbm:s5], s20  }
0x9e: {  	_ =	swait.ge [sflag:s22], s20  }
0x9f: {  	s4 =	ssub.s32 $0x0, s20;
	[sflag:s22] =	ssyncset.done $0x0  }
0xa0: {  	[sflag:s22] =	ssyncadd.s32 s4;
	_ =	sdelay $0x1  }
0xa1: {  	s23 =	simm.s32 $0x1B8B  }
0xa2: {  	_ =	swait.ge [sflag:s23], $0x1  }
0xa3: {  	[sflag:s23] =	ssyncset.done $0x0  }
0xa4: {  	s25 =	simm.s32 $0x1B8E;
	s24 =	sld [smem:$0x3FFE];
	[sflag:s23] =	ssyncadd.s32 $0xFFFFFFFF  }
0xa5: {  	s26 =	simm.s32 $execute0_lowered;
	[smem:$0x3FD2] =	sst s25  }
0xa6: {  	s5 =	sshll.u32 s26, $0x1;
	_ =	strace $0x80000046;
	[dreg:$0x1] =	wrdreg $0xFFFFFFFF  }
0xa7: {  	s28 =	simm.s32 $_size_execute0_lowered;
	s3 =	sadd.s32 s3, s5;
	[dreg:$0x0] =	wrdreg $0x0  }
0xa8: {  	s5 =	sshll.u32 s28, $0x1;
	[dreg:$0x2] =	wrdreg s3  }
0xa9: {  	[dreg:$0x3] =	wrdreg s5  }
0xaa: {  	[dreg:$0x4] =	wrdreg $0xC0  }
0xab: {  	_ =	task [dreg:s7], $0x5FFFF  }
0xac: {  	[dreg:$0x1] =	wrdreg $0xFFFFFFFF  }
0xad: {  	[dreg:$0x0] =	wrdreg $0x60  }
0xae: {  	[dreg:$0x2] =	wrdreg s24  }
0xaf: {  	[dreg:$0x3] =	wrdreg s2  }
0xb0: {  	[dreg:$0x4] =	wrdreg $0x0  }
0xb1: {  	[dreg:$0x5] =	wrdreg $0x9  }
0xb2: {  	_ =	task.clear_ibuf [dreg:s7], $0x6FFFF;
	_ =	strace $0x90000046  }
0xb3: {  	s29 =	simm.s32 $0x9;
	_ =	strace $0x80000048  }
0xb4: {  	_ =	swait.ge [sflag:s29], $0x1  }
0xb5: {  	[sflag:s29] =	ssyncadd.s32 $0xFFFFFFFF  }
0xb6: {  	_ =	strace $0x90000048  }
0xb7: {  	_ =	sfence  }
0xb8: {  	s30 =	sld [smem:$0x0];
	_ =	sdelay $0x2  }
0xb9: {  	s31 =	sshll.u32 s1, $0xD;
	s1 =	sshrl.u32 s1, $0x2  }
0xba: {  	s3 =	sand.u32 $0x4000, s31;
	s1 =	sadd.s32 s1, s30  }
0xbb: {  	s0 =	sor.u32 s3, s0;
	s1 =	sshll.u32 s1, $0x11  }
0xbc: {  	s0 =	sor.u32 s1, s0  }
0xbd: {  	s0 =	sadd.s32 $0x8F2B, s0  }
0xbe: {  	[sflag:s0] =	ssyncadd.remote.s32 $0x1  }
0xbf: {  	_ =	sfence.sel $0xFFFF  }
0xc0: {  	[dreg:$0x0] =	wrdreg $0xFFFFFFFF;
	(pc) =	sbr.abs _section_cstart, $3  }
0xc1: {  	[dreg:$0x1] =	wrdreg $0xFFFFFFFF  }
0xc2: {  	_ =	task.clear_ibuf [dreg:s7], $0x2FFFF;
	_ =	strace $0x9FFFFFFF  }
0xc3: {  	(tm) =	ssettm $0x7FFFFFFF  }
tec
execute0_lowered:
.L_overlay_start_1:
0x0: {  	(tag) =	ssettag $0x1  }
0x1: {  	s4 =	rddreg [dreg:$0x0]  }
0x2: {  	s0 =	srdreg.scid;
	s10 =	rddreg [dreg:$0x1]  }
0x3: {  	s2 =	rddreg [dreg:$0x2];
	s1 =	stileid.u32  }
0x4: {  	s3 =	simm.s32 $0x0;
	s13 =	simm.s32 $0x2;
	s14 =	simm.s32 $0x5780  }
0x5: {  	s15 =	simm.s32 $0x80;
	s16 =	simm.s32 $0x4F80;
	s17 =	simm.s32 $0x1  }
0x6: {  	s5 =	sand.u32 $0x1, s0;
	s0 =	rddreg [dreg:$0x3];
	s7 =	smul.u32 $0xA000, s1  }
0x7: {  	[smem:$0x7FF] =	sst s3;
	s8 =	smul.u32 $0x2800, s1;
	s18 =	sshll.u32 s1, $0x6  }
0x8: {  	s6 =	sshll.u32 s5, $0x4;
	_ =	strace $0x80000047;
	s30 =	ssub.s32 $0x2, s5  }
0x9: {  	s11 =	smul.u32 $0x28000, s5;
	s18 =	sor.u32 $0x1C02, s18;
	s6 =	sor.u32 s1, s6  }
0xa: {  	s9 =	sshrl.u32 s30, $0x1;
	s7 =	sshrl.u32 s7, $0x2;
	s5 =	sadd.s32 s8, s2  }
0xb: {  	s6 =	smul.u32 $0x4F0, s6;
	s12 =	ssub.s32 s30, s9;
	s31 =	sadd.s32 s7, s2  }
0xc: {  	s11 =	sadd.s32 s8, s11;
	s19 =	sshrl.u32 s5, $0x3;
	s7 =	sadd.s32 $0x1000, s31  }
0xd: {  	s8 =	sadd.s32 $0x1800, s31;
	s11 =	sshrl.u32 s11, $0x3;
	s9 =	sadd.s32 $0x2000, s31  }
0xe: {  	s4 =	sadd.s32 s6, s4;
	s6 =	sadd.s32 $0x800, s31;
	s10 =	sadd.s32 s10, s11  }
0xf: {  	v0 =	vimm.f32 $1.000000000e+00;
	v1 =	vimm.f32 $0.0e+00;
	s11 =	smax.u32 s12, $0x1;
	s12 =	simm.s32 $0x2800;
	s4 =	sadd.s32 $0x2600, s4  }
.LBB2_1:
0x10: {  	s20 =	simm.s32 $0x0  }
.LBB2_2:
0x11: {  	p0 =	sne.s32 s20, $0x1FC0  }
.Ltmp0:
0x12: {  	_ = 	snop;
	(pc) =	sbr.rel @p0 .LBB2_2-.Ltmp0, $3  }
0x13: {  	_ =	sdelay $0x1  }
0x14: {  	s21 =	sshra.s32 s20, $0x2  }
0x15: {  	s20 =	sadd.s32 $0x40, s20;
	[tilespmem:s21+$0x4F80] =	vst v0  }
0x16: {  	s20 =	simm.s32 $0x40;
	s21 =	simm.s32 $0x0  }
.LBB2_4:
0x17: {  	p0 =	sne.s32 s20, $0x1FC0;
	[tilespmem:s21+$0x5780] =	vst v1;
	s21 =	smov.u32 s20;
	s20 =	sadd.s32 $0x40, s20  }
.Ltmp1:
0x18: {  	(pc) =	sbr.rel @p0 .LBB2_4-.Ltmp1, $2  }
0x19: {  	_ =	sdelay $0x2  }
0x1a: {  	s21 =	sshra.s32 s21, $0x2  }
0x1b: {  	[tilespmem:s21+$0x5780] =	vst v1;
	s20 =	simm.s32 $0x0  }
0x1c: {  	[tilespmem:s12], [sflag:$0x2] =	stream.linear.gather [hbm4b:s4+s20], $0x2780, $0x38;
	[tilespmem:$0x5F80] =	vst v63  }
0x1d: {  	_ =	swait.ge [sflag:s13], $0x2780  }
0x1e: {  	[sflag:s13] =	ssyncset.done $0x0  }
0x1f: {  	[sflag:s13] =	ssyncadd.s32 $0xFFFFD880  }
0x20: {  	[spmem:s5] =	stream.linear.scatter [tilespmem:s14], [sflag:$0x2], $0x800, $0x38;
	[tilespmem:$0x5F80] =	vst v63  }
0x21: {  	_ =	swait.ge [sflag:s13], $0x800  }
0x22: {  	[sflag:s13] =	ssyncset.done $0x0  }
0x23: {  	[sflag:s13] =	ssyncadd.s32 $0xFFFFF800  }
0x24: {  	[spmem:s6] =	stream.linear.scatter [tilespmem:s14], [sflag:$0x2], $0x800, $0x38;
	[tilespmem:$0x5F80] =	vst v63  }
0x25: {  	_ =	swait.ge [sflag:s13], $0x800  }
0x26: {  	[sflag:s13] =	ssyncset.done $0x0  }
0x27: {  	[sflag:s13] =	ssyncadd.s32 $0xFFFFF800  }
0x28: {  	[spmem:s7] =	stream.linear.scatter [tilespmem:s14], [sflag:$0x2], $0x800, $0x38;
	[tilespmem:$0x5F80] =	vst v63  }
0x29: {  	_ =	swait.ge [sflag:s13], $0x800  }
0x2a: {  	[sflag:s13] =	ssyncset.done $0x0  }
0x2b: {  	[sflag:s13] =	ssyncadd.s32 $0xFFFFF800  }
0x2c: {  	[spmem:s8] =	stream.linear.scatter [tilespmem:s14], [sflag:$0x2], $0x800, $0x38;
	[tilespmem:$0x5F80] =	vst v63  }
0x2d: {  	_ =	swait.ge [sflag:s13], $0x800  }
0x2e: {  	[sflag:s13] =	ssyncset.done $0x0  }
0x2f: {  	[sflag:s13] =	ssyncadd.s32 $0xFFFFF800  }
0x30: {  	[spmem:s9] =	stream.linear.scatter [tilespmem:s14], [sflag:$0x2], $0x800, $0x38;
	[tilespmem:$0x5F80] =	vst v63  }
0x31: {  	_ =	swait.ge [sflag:s13], $0x800  }
0x32: {  	[sflag:s13] =	ssyncset.done $0x0  }
0x33: {  	[sflag:s13] =	ssyncadd.s32 $0xFFFFF800  }
0x34: {  	[bflag:$0x0] =	sbarrier.arrive $0xFFFF  }
.LBB2_6:
0x35: {  	p0 =	sne.s32 s20, $0x9C00  }
.Ltmp2:
0x36: {  	_ = 	snop;
	(pc) =	sbr.rel @p0 .LBB2_6-.Ltmp2, $4  }
0x37: {  	_ = 	snop  }
0x38: {  	s21 =	sshra.s32 s20, $0x2  }
0x39: {  	s20 =	sadd.s32 $0x200, s20;
	s21 =	sadd.s32 $0x2800, s21  }
0x3a: {  	[spmem:s2] =	stream.indirect.scatter.add.f32 [tilespmem:s16], [sflag:$0x1], $0x10, s21, s15, $0xb8;
	[tilespmem:$0x5F80] =	vst v63  }
0x3b: {  	_ =	swait.ge [sflag:s17], $0x800  }
0x3c: {  	s20 =	simm.s32 $0x4E;
	[sflag:s17] =	ssyncset.done $0x0  }
.LBB2_8:
0x3d: {  	p0 =	sne.s32 s20, $0x1;
	s20 =	sadd.s32 $0xFFFFFFFF, s20;
	[sflag:s17] =	ssyncadd.s32 $0xFFFFF800  }
.Ltmp3:
0x3e: {  	(pc) =	sbr.rel @p0 .LBB2_8-.Ltmp3, $3  }
0x3f: {  	_ =	sdelay $0x1  }
0x40: {  	_ =	swait.ge [sflag:s17], $0x800  }
0x41: {  	[sflag:s17] =	ssyncset.done $0x0  }
0x42: {  	s3 =	sadd.s32 $0x1, s3  }
0x43: {  	[sflag:s17] =	ssyncadd.s32 $0xFFFFF800;
	p0 =	sne.s32 s3, s11  }
.Ltmp4:
0x44: {  	[bflag:$0x0] =	sbarrier.arrive $0xFFFF;
	(pc) =	sbr.rel @p0 .LBB2_1-.Ltmp4, $4  }
0x45: {  	[hbm:s10], [sflag:s18] =	dma.local [spmem:s19], $0x500  }
0x46: {  	_ =	swait.ge [sflag:s13], $0x500  }
0x47: {  	[sflag:s13] =	ssyncset.done $0x0  }
0x48: {  	[sflag:s13] =	ssyncadd.s32 $0xFFFFFB00  }
0x49: {  	_ =	sfence.sel $0x180000  }
0x4a: {  	[bflag:$0x0] =	sbarrier.arrive $0xFFFF  }
0x4b: {  	p0 =	sne.s32 s1, $0x0;
	_ =	strace $0x90000047  }
0x4c: {  	s0 =	sadd.s32 @!p0 $0x100000, s0;
	[bflag:$0x2] =	sbarrier.arrive $0xFFFF  }
0x4d: {  	[sflag:s0] =	ssyncadd.tile.s32 @!p0 $0x1;
	_ =	shalt  }
.Lfunc_end2:
_tile_overlayer_lowered:
.L_overlay_start_2:
0x4e: {  	(tag) =	ssettag $0x2  }
0x4f: {  	s0 =	rddreg [dreg:$0x0];
	s2 =	stileid.u32  }
0x50: {  	s1 =	rddreg [dreg:$0x1];
	p0 =	sne.s32 s2, $0x0  }
0x51: {  	s3 =	rddreg [dreg:$0x2];
	[bflag:$0x3] =	sbarrier.arrive $0xFFFF;
	s2 =	simm.s32 @!p0 $0x1C02  }
0x52: {  	[timem:s3], [sflag:s2] =	dma.local @!p0 [hbm:s0], s1  }
0x53: {  	s0 =	simm.s32 @!p0 $0x2  }
0x54: {  	_ =	swait.ge @!p0 [sflag:s0], s1  }
0x55: {  	s1 =	ssub.s32 @!p0 $0x0, s1;
	[sflag:s0] =	ssyncset.done @!p0 $0x0  }
0x56: {  	[sflag:s0] =	ssyncadd.s32 @!p0 s1  }
0x57: {  	[bflag:$0x3] =	sbarrier.arrive $0xFFFF  }
0x58: {  	_ =	shalt  }

// kernel: sc_spmm_128.3.cloned.1.call-start
scs
__scs_entry_jumppad:
0x0: {  	(pc) =	sbr.rel $0x88, $3  }
0x1: {  	(tag) =	ssettag $0x0;
	lr =	simm.s32 $0x1  }
0x2: {  	[smem:$0x3F9B] =	sst lr;
	_ =	strace $0xD0000000  }
0x3: {  	_ = 	snop  }
0x4: {  	_ = 	snop  }
0x5: {  	_ = 	snop  }
0x6: {  	_ = 	snop  }
0x7: {  	_ = 	snop  }
__scs_overlays_trampoline_lowered:
0x8: {  	[smem:$0x3FAA] =	sst s0  }
0x9: {  	[smem:$0x3FAB] =	sst s1  }
0xa: {  	[smem:$0x3FAC] =	sst s2  }
0xb: {  	[smem:$0x3FAD] =	sst s3  }
0xc: {  	[smem:$0x3FAE] =	sst s4  }
0xd: {  	[smem:$0x3FAF] =	sst s5  }
0xe: {  	[smem:$0x3FB0] =	sst s6  }
0xf: {  	[smem:$0x3FB1] =	sst s7  }
0x10: {  	[smem:$0x3FB2] =	sst s8  }
0x11: {  	[smem:$0x3FB3] =	sst s9;
	s0 =	simm.s32 @!p0 $0x0  }
0x12: {  	s1 =	sld [smem:$0x3F99];
	s0 =	simm.s32 @p0 $0x1  }
0x13: {  	[smem:$0x3FB4] =	sst s0;
	s0 =	simm.s32 @!p1 $0x0  }
0x14: {  	s2 =	sld [smem:$0x3F98];
	s0 =	simm.s32 @p1 $0x1  }
0x15: {  	[smem:$0x3FB5] =	sst s0;
	s0 =	simm.s32 @!p2 $0x0  }
0x16: {  	s3 =	sld [smem:$0x3FDB];
	s0 =	simm.s32 @p2 $0x1  }
0x17: {  	s4 =	simm.s32 $0x1BF5;
	[smem:$0x3FB7] =	sst s0  }
0x18: {  	s0 =	sld [smem:$0x3F9A];
	_ =	swait.ge [sflag:s4], $0x0  }
0x19: {  	s7 =	sld [smem:$0x3F9B]  }
0x1a: {  	s8 =	sadd.s32 $0xFFFFE003, lr  }
0x1b: {  	s9 =	sadd.s32 $0xFFFFFEF7, lr;
	s5 =	simm.s32 $0xFFFFFFFF;
	p2 =	slt.u32 s8, $0xFFFFF086  }
0x1c: {  	p1 =	slt.u32 s9, $0xF7A;
	s5 =	simm.s32 @!p2 $0x0  }
0x1d: {  	s5 =	simm.s32 @p1 $0x1;
	p0 =	seq.s32 s7, s2  }
0x1e: {  	s7 =	smul.u32 @!p0 $0xF7A, s2;
	p2 =	seq.s32 @!p0 s5, $0x0  }
0x1f: {  	s9 =	smul.u32 $0xF7A, s1;
	s8 =	simm.s32 @!p0 $0x1BF5;
	p2 =	por !p2, p0  }
0x20: {  	[sflag:s8] =	ssyncset.s32 @!p0 $0xFFFFF086;
	s6 =	sadd.s32 @!p0 s3, s7;
	s7 =	simm.s32 @!p0 $0x108  }
0x21: {  	s3 =	sadd.s32 s3, s9;
	s6 =	sadd.s32 @!p0 $0x88, s6;
	s7 =	simm.s32 @p2 $0x1082  }
0x22: {  	[simem:s7], [sflag:s8] =	dma.local @!p0 [hbm:s6], $0xF7A  }
0x23: {  	s9 =	sor.u32 $0xD0000000, s2;
	s6 =	simm.s32 $0x108;
	_ =	swait.ge @!p0 [sflag:s8], $0x0  }
0x24: {  	s3 =	sadd.s32 $0x88, s3;
	s6 =	simm.s32 @!p1 $0x1082;
	[sflag:s4] =	ssyncset.s32 $0xFFFFF086  }
0x25: {  	[simem:s6], [sflag:s4] =	dma.local [hbm:s3], $0xF7A  }
0x26: {  	[smem:$0x3F9B] =	sst s1;
	(tag) =	ssettag s2;
	_ =	strace s9  }
0x27: {  	s1 =	sld [smem:$0x3FAB]  }
0x28: {  	s2 =	sld [smem:$0x3FAC]  }
0x29: {  	s4 =	sld [smem:$0x3FAE]  }
0x2a: {  	p0 =	seq.s32 s5, $0x0;
	s5 =	sld [smem:$0x3FAF]  }
0x2b: {  	s6 =	sld [smem:$0x3FB0]  }
0x2c: {  	s7 =	sld [smem:$0x3FB1]  }
0x2d: {  	s3 =	simm.s32 $0x108;
	s8 =	sld [smem:$0x3FB2]  }
0x2e: {  	s3 =	simm.s32 @!p0 $0x1082;
	s9 =	sld [smem:$0x3FB3]  }
0x2f: {  	lr =	sadd.s32 s0, s3;
	s0 =	sld [smem:$0x3FAA]  }
0x30: {  	s3 =	sld [smem:$0x3FAD]  }
0x31: {  	[smem:$0x3FB6] =	sst s10  }
0x32: {  	s10 =	sld [smem:$0x3FB4];
	_ =	sdelay $0x3  }
0x33: {  	p0 =	seq.s32 s10, $0x1;
	s10 =	sld [smem:$0x3FB6];
	_ =	sdelay $0x3  }
0x34: {  	[smem:$0x3FB6] =	sst s10  }
0x35: {  	s10 =	sld [smem:$0x3FB5];
	_ =	sdelay $0x3  }
0x36: {  	p1 =	seq.s32 s10, $0x1;
	s10 =	sld [smem:$0x3FB6];
	_ =	sdelay $0x3  }
0x37: {  	[smem:$0x3FB6] =	sst s10  }
0x38: {  	s10 =	sld [smem:$0x3FB7]  }
0x39: {  	_ = 	snop;
	(pc) =	sbr.ind lr, $3  }
0x3a: {  	_ = 	snop  }
0x3b: {  	_ = 	snop  }
0x3c: {  	p2 =	seq.s32 s10, $0x1;
	s10 =	sld [smem:$0x3FB6]  }
0x3d: {  	_ =	shalt  }
0x3e: {  	_ =	shalt  }
0x3f: {  	_ =	shalt  }
0x40: {  	_ =	shalt  }
0x41: {  	_ =	shalt  }
0x42: {  	_ =	shalt  }
0x43: {  	_ =	shalt  }
0x44: {  	_ =	shalt  }
0x45: {  	_ =	shalt  }
0x46: {  	_ =	shalt  }
0x47: {  	_ =	shalt  }
0x48: {  	_ =	shalt  }
0x49: {  	_ =	shalt  }
0x4a: {  	_ =	shalt  }
0x4b: {  	_ =	shalt  }
0x4c: {  	_ =	shalt  }
0x4d: {  	_ =	shalt  }
0x4e: {  	_ =	shalt  }
0x4f: {  	_ =	shalt  }
0x50: {  	_ =	shalt  }
0x51: {  	_ =	shalt  }
0x52: {  	_ =	shalt  }
0x53: {  	_ =	shalt  }
0x54: {  	_ =	shalt  }
0x55: {  	_ =	shalt  }
0x56: {  	_ =	shalt  }
0x57: {  	_ =	shalt  }
0x58: {  	_ =	shalt  }
0x59: {  	_ =	shalt  }
0x5a: {  	_ =	shalt  }
0x5b: {  	_ =	shalt  }
0x5c: {  	_ =	shalt  }
0x5d: {  	_ =	shalt  }
0x5e: {  	_ =	shalt  }
0x5f: {  	_ =	shalt  }
0x60: {  	_ =	shalt  }
0x61: {  	_ =	shalt  }
0x62: {  	_ =	shalt  }
0x63: {  	_ =	shalt  }
0x64: {  	_ =	shalt  }
0x65: {  	_ =	shalt  }
0x66: {  	_ =	shalt  }
0x67: {  	_ =	shalt  }
0x68: {  	_ =	shalt  }
0x69: {  	_ =	shalt  }
0x6a: {  	_ =	shalt  }
0x6b: {  	_ =	shalt  }
0x6c: {  	_ =	shalt  }
0x6d: {  	_ =	shalt  }
0x6e: {  	_ =	shalt  }
0x6f: {  	_ =	shalt  }
0x70: {  	_ =	shalt  }
0x71: {  	_ =	shalt  }
0x72: {  	_ =	shalt  }
0x73: {  	_ =	shalt  }
0x74: {  	_ =	shalt  }
0x75: {  	_ =	shalt  }
0x76: {  	_ =	shalt  }
0x77: {  	_ =	shalt  }
0x78: {  	_ =	shalt  }
0x79: {  	_ =	shalt  }
0x7a: {  	_ =	shalt  }
0x7b: {  	_ =	shalt  }
0x7c: {  	_ =	shalt  }
0x7d: {  	_ =	shalt  }
0x7e: {  	_ =	shalt  }
0x7f: {  	_ =	shalt  }
0x80: {  	_ =	shalt  }
0x81: {  	_ =	shalt  }
0x82: {  	_ =	shalt  }
0x83: {  	_ =	shalt  }
0x84: {  	_ =	shalt  }
0x85: {  	_ =	shalt  }
0x86: {  	_ =	shalt  }
0x87: {  	_ =	shalt  }
.Lfunc_end0:
.L_simem_size_0:
called_computation.1_lowered:
.L_overlay_start_0:
0x88: {  	s2 =	sld [smem:$0x3FD9]  }
0x89: {  	s3 =	sld [smem:$0x3FFE];
	_ =	sdelay $0x1  }
0x8a: {  	s1 =	srdreg.scid  }
0x8b: {  	s0 =	sand.u32 $0x1, s1  }
0x8c: {  	s16 =	sshll.u32 s0, $0xA;
	s2 =	sadd.s32 s3, s2  }
0x8d: {  	s2 =	sadd.s32 s2, s16  }
0x8e: {  	[smem:$0x3FC2] =	sst s2  }
0x8f: {  	_ = 	snop  }
0x90: {  	(tm) =	ssettm $0x1  }
0x91: {  	s17 =	sld [smem:$0x3FFB];
	_ =	sdelay $0x3  }
0x92: {  	_ =	strace s17  }
0x93: {  	s2 =	sld [smem:$0x3FFC];
	_ =	sdelay $0x3  }
0x94: {  	_ =	strace s2  }
0x95: {  	s2 =	sld [smem:$0x3FFD];
	_ =	sdelay $0x3  }
0x96: {  	_ =	strace s2  }
0x97: {  	_ =	strace $0x8FFFFFFF  }
0x98: {  	s18 =	sld [smem:$0x3FDB];
	_ =	sdelay $0x1  }
0x99: {  	s19 =	simm.s32 $_scs_section_size  }
0x9a: {  	s4 =	simm.s32 $_size__tile_overlayer_lowered;
	s5 =	simm.s32 $_tile_overlayer_lowered  }
0x9b: {  	s22 =	simm.s32 $0x1BFF;
	s21 =	sshll.u32 s5, $0x1;
	s2 =	sadd.s32 s19, s18  }
0x9c: {  	s6 =	simm.s32 $0x0;
	s20 =	sshll.u32 s4, $0x1;
	s4 =	sadd.s32 s21, s2  }
0x9d: {  	[timem:s6], [sflag:s22] =	dma.local [hbm:s4], s20  }
0x9e: {  	_ =	swait.ge [sflag:s22], s20  }
0x9f: {  	s3 =	ssub.s32 $0x0, s20;
	[sflag:s22] =	ssyncset.done $0x0  }
0xa0: {  	[sflag:s22] =	ssyncadd.s32 s3;
	_ =	sdelay $0x1  }
0xa1: {  	s23 =	simm.s32 $0x1B8B  }
0xa2: {  	_ =	swait.ge [sflag:s23], $0x1  }
0xa3: {  	[sflag:s23] =	ssyncset.done $0x0  }
0xa4: {  	s25 =	simm.s32 $0x1B8E;
	s24 =	sld [smem:$0x3FFE];
	[sflag:s23] =	ssyncadd.s32 $0xFFFFFFFF  }
0xa5: {  	s26 =	simm.s32 $execute0_lowered;
	[smem:$0x3FD2] =	sst s25  }
0xa6: {  	s4 =	sshll.u32 s26, $0x1;
	_ =	strace $0x80000049;
	[dreg:$0x1] =	wrdreg $0xFFFFFFFF  }
0xa7: {  	s28 =	simm.s32 $_size_execute0_lowered;
	s2 =	sadd.s32 s2, s4;
	[dreg:$0x0] =	wrdreg $0x0  }
0xa8: {  	s4 =	sshll.u32 s28, $0x1;
	[dreg:$0x2] =	wrdreg s2  }
0xa9: {  	[dreg:$0x3] =	wrdreg s4  }
0xaa: {  	[dreg:$0x4] =	wrdreg $0xC0  }
0xab: {  	_ =	task [dreg:s6], $0x5FFFF  }
0xac: {  	[dreg:$0x1] =	wrdreg $0xFFFFFFFF  }
0xad: {  	[dreg:$0x0] =	wrdreg $0x60  }
0xae: {  	[dreg:$0x2] =	wrdreg s24  }
0xaf: {  	[dreg:$0x3] =	wrdreg $0x0  }
0xb0: {  	[dreg:$0x4] =	wrdreg $0x9  }
0xb1: {  	_ =	task.clear_ibuf [dreg:s6], $0x5FFFF;
	_ =	strace $0x90000049  }
0xb2: {  	s29 =	simm.s32 $0x9;
	_ =	strace $0x8000004B  }
0xb3: {  	_ =	swait.ge [sflag:s29], $0x1  }
0xb4: {  	[sflag:s29] =	ssyncadd.s32 $0xFFFFFFFF  }
0xb5: {  	_ =	strace $0x9000004B  }
0xb6: {  	_ =	sfence  }
0xb7: {  	s30 =	sld [smem:$0x0];
	_ =	sdelay $0x2  }
0xb8: {  	s31 =	sshll.u32 s1, $0xD;
	s1 =	sshrl.u32 s1, $0x2  }
0xb9: {  	s3 =	sand.u32 $0x4000, s31;
	s1 =	sadd.s32 s1, s30  }
0xba: {  	s0 =	sor.u32 s3, s0;
	s1 =	sshll.u32 s1, $0x11  }
0xbb: {  	s0 =	sor.u32 s1, s0  }
0xbc: {  	s0 =	sadd.s32 $0x8F2B, s0  }
0xbd: {  	[sflag:s0] =	ssyncadd.remote.s32 $0x1  }
0xbe: {  	_ =	sfence.sel $0xFFFF  }
0xbf: {  	[dreg:$0x0] =	wrdreg $0xFFFFFFFF;
	(pc) =	sbr.abs _section_cstart, $3  }
0xc0: {  	[dreg:$0x1] =	wrdreg $0xFFFFFFFF  }
0xc1: {  	_ =	task.clear_ibuf [dreg:s6], $0x2FFFF;
	_ =	strace $0x9FFFFFFF  }
0xc2: {  	(tm) =	ssettm $0x7FFFFFFF  }
0xc3: {  	_ =	shalt  }
tec
execute0_lowered:
.L_overlay_start_1:
0x0: {  	(tag) =	ssettag $0x1  }
0x1: {  	s0 =	rddreg [dreg:$0x0]  }
0x2: {  	s1 =	rddreg [dreg:$0x1];
	s2 =	srdreg.scid;
	s3 =	simm.s32 $0x0  }
0x3: {  	s11 =	stileid.u32;
	s13 =	simm.s32 $0x4E;
	s28 =	simm.s32 $0x8  }
0x4: {  	s29 =	simm.s32 $0x0;
	s2 =	sand.u32 $0x1, s2;
	s6 =	smul.u32 $0x14000, s11  }
0x5: {  	[smem:$0x7FF] =	sst s3;
	s4 =	sadd.s32 $0x16200, s0;
	s9 =	smul.u32 $0x50000, s11  }
0x6: {  	s16 =	sadd.s32 $0xC400, s0;
	s15 =	sadd.s32 $0x2600, s0;
	s5 =	smul.u32 $0x140000, s2  }
0x7: {  	_ =	strace $0x8000004A;
	s22 =	sshll.u32 s2, $0x4;
	s23 =	ssub.s32 $0x2, s2  }
0x8: {  	s2 =	smul.u32 $0x4E0, s2;
	s8 =	sshrl.u32 s23, $0x1;
	s24 =	sshrl.u32 s9, $0x2  }
0x9: {  	s5 =	sadd.s32 s6, s5;
	s6 =	sor.u32 s11, s22;
	s11 =	smul.u32 $0x4E, s11  }
0xa: {  	s17 =	ssub.s32 s23, s8;
	s5 =	sshrl.u32 s5, $0x3;
	s7 =	smul.u32 $0x4E, s6  }
0xb: {  	s12 =	smin.u32 s6, $0x4;
	p0 =	sgt.u32 s6, $0x3;
	s0 =	sadd.s32 s5, s0  }
0xc: {  	s13 =	simm.s32 @!p0 $0x4F;
	s5 =	sadd.s32 s24, s1;
	s24 =	simm.s32 $0x14100  }
0xd: {  	s2 =	sadd.s32 s11, s2;
	s25 =	sadd.s32 $0x4000, s5;
	[dreg:$0xd] =	wrdreg s24  }
0xe: {  	s10 =	sadd.s32 s12, s7;
	s26 =	sadd.s32 $0x8000, s5;
	[dreg:$0x12] =	wrdreg s25  }
0xf: {  	s30 =	sadd.s32 $0xC000, s5;
	s9 =	sadd.s32 $0x10000, s5;
	[dreg:$0x13] =	wrdreg s26  }
0x10: {  	s2 =	sadd.s32 s12, s2;
	s31 =	sadd.s32 $0xFFFFFFFE, s13;
	[dreg:$0x14] =	wrdreg s30  }
0x11: {  	s13 =	sadd.s32 $0xFFFFFFFD, s13;
	s24 =	simm.s32 $0x4;
	[dreg:$0x3] =	wrdreg s31  }
0x12: {  	s14 =	sshll.u32 s10, $0x4;
	s2 =	sshll.u32 s2, $0x4;
	[dreg:$0x4] =	wrdreg s13  }
0x13: {  	s25 =	simm.s32 $0x1C300;
	s26 =	simm.s32 $0x14180;
	s30 =	simm.s32 $0x1C380  }
0x14: {  	s31 =	simm.s32 $0x18200;
	s10 =	sadd.s32 s15, s14;
	[dreg:$0xe] =	wrdreg s25  }
0x15: {  	s11 =	sadd.s32 s16, s14;
	s14 =	sadd.s32 $0x10, s14;
	[dreg:$0xf] =	wrdreg s26  }
0x16: {  	s18 =	sadd.s32 $0x50, s2;
	s8 =	sadd.s32 s2, s15;
	[dreg:$0x10] =	wrdreg s30  }
0x17: {  	s19 =	sadd.s32 s2, s16;
	[dreg:$0x11] =	wrdreg s31;
	s25 =	simm.s32 $0x1  }
0x18: {  	s26 =	simm.s32 $0x7;
	s12 =	sadd.s32 s15, s14;
	s6 =	sadd.s32 s18, s15  }
0x19: {  	s7 =	sadd.s32 s18, s16;
	s18 =	sadd.s32 $0x40, s8;
	[dreg:$0x5] =	wrdreg s6  }
0x1a: {  	s13 =	sadd.s32 s16, s14;
	s14 =	sadd.s32 $0x3D400, s0;
	[dreg:$0x6] =	wrdreg s7  }
0x1b: {  	[dreg:$0x7] =	wrdreg s18;
	s18 =	sadd.s32 $0x40, s19;
	s19 =	sadd.s32 $0x30, s2  }
0x1c: {  	s2 =	sadd.s32 $0x20, s2;
	[dreg:$0x8] =	wrdreg s18;
	s20 =	sadd.s32 s19, s15  }
0x1d: {  	s21 =	sadd.s32 s19, s16;
	s22 =	sadd.s32 s2, s15;
	[dreg:$0x9] =	wrdreg s20  }
0x1e: {  	s15 =	smax.u32 s17, $0x1;
	s23 =	sadd.s32 s2, s16;
	[dreg:$0xa] =	wrdreg s21  }
0x1f: {  	s16 =	simm.s32 $0x14200;
	s17 =	simm.s32 $0x9;
	[dreg:$0xb] =	wrdreg s22  }
0x20: {  	s18 =	simm.s32 $0x14000;
	s19 =	simm.s32 $0x1C200;
	[dreg:$0xc] =	wrdreg s23  }
0x21: {  	v0 =	vimm.f32 $0.0e+00;
	s21 =	simm.s32 $0x1C280;
	s22 =	simm.s32 $0x3;
	s23 =	simm.s32 $0x80  }
.LBB2_1:
0x22: {  	s0 =	simm.s32 $0x0;
	s30 =	simm.s32 $0x200  }
.LBB2_2:
0x23: {  	p1 =	sne.s32 s30, $0xFE00;
	[tilespmem:s0+$0x14270] =	vst v0  }
0x24: {  	[tilespmem:s0+$0x14200] =	vst v0  }
0x25: {  	[tilespmem:s0+$0x14210] =	vst v0  }
.Ltmp0:
0x26: {  	[tilespmem:s0+$0x14220] =	vst v0;
	(pc) =	sbr.rel @p1 .LBB2_2-.Ltmp0, $4  }
0x27: {  	[tilespmem:s0+$0x14230] =	vst v0  }
0x28: {  	[tilespmem:s0+$0x14240] =	vst v0  }
0x29: {  	[tilespmem:s0+$0x14250] =	vst v0  }
0x2a: {  	[tilespmem:s0+$0x14260] =	vst v0;
	s0 =	sshra.s32 s30, $0x2;
	s30 =	sadd.s32 $0x200, s30  }
0x2b: {  	[tilespmem:s0+$0x14270] =	vst v0  }
0x2c: {  	[tilespmem:s0+$0x14200] =	vst v0  }
0x2d: {  	[tilespmem:s0+$0x14210] =	vst v0  }
0x2e: {  	[tilespmem:s0+$0x14220] =	vst v0  }
0x2f: {  	[tilespmem:s0+$0x14230] =	vst v0  }
0x30: {  	[tilespmem:s0+$0x14240] =	vst v0  }
0x31: {  	[tilespmem:s0+$0x14250] =	vst v0  }
0x32: {  	[tilespmem:s0+$0x14260] =	vst v0  }
0x33: {  	[spmem:s5] =	stream.linear.scatter [tilespmem:s16], [sflag:$0x9], $0x4000, $0x38;
	[tilespmem:$0x1C400] =	vst v63  }
0x34: {  	_ =	swait.ge [sflag:s17], $0x4000  }
0x35: {  	[sflag:s17] =	ssyncset.done $0x0  }
0x36: {  	s20 =	rddreg [dreg:$0x12];
	[sflag:s17] =	ssyncadd.s32 $0xFFFFC000  }
0x37: {  	[spmem:s20] =	stream.linear.scatter [tilespmem:s16], [sflag:$0x9], $0x4000, $0x38;
	[tilespmem:$0x1C400] =	vst v63  }
0x38: {  	_ =	swait.ge [sflag:s17], $0x4000  }
0x39: {  	[sflag:s17] =	ssyncset.done $0x0  }
0x3a: {  	s2 =	rddreg [dreg:$0x13];
	[sflag:s17] =	ssyncadd.s32 $0xFFFFC000  }
0x3b: {  	[spmem:s2] =	stream.linear.scatter [tilespmem:s16], [sflag:$0x9], $0x4000, $0x38;
	[tilespmem:$0x1C400] =	vst v63  }
0x3c: {  	_ =	swait.ge [sflag:s17], $0x4000  }
0x3d: {  	[sflag:s17] =	ssyncset.done $0x0  }
0x3e: {  	s6 =	rddreg [dreg:$0x14];
	[sflag:s17] =	ssyncadd.s32 $0xFFFFC000  }
0x3f: {  	[spmem:s6] =	stream.linear.scatter [tilespmem:s16], [sflag:$0x9], $0x4000, $0x38;
	[tilespmem:$0x1C400] =	vst v63  }
0x40: {  	_ =	swait.ge [sflag:s17], $0x4000  }
0x41: {  	[sflag:s17] =	ssyncset.done $0x0  }
0x42: {  	[sflag:s17] =	ssyncadd.s32 $0xFFFFC000  }
0x43: {  	[spmem:s9] =	stream.linear.scatter [tilespmem:s16], [sflag:$0x9], $0x4000, $0x38;
	[tilespmem:$0x1C400] =	vst v63  }
0x44: {  	_ =	swait.ge [sflag:s17], $0x4000  }
0x45: {  	[sflag:s17] =	ssyncset.done $0x0  }
0x46: {  	[sflag:s17] =	ssyncadd.s32 $0xFFFFC000  }
0x47: {  	s7 =	simm.s32 $0x0;
	[bflag:$0x0] =	sbarrier.arrive $0xFFFF  }
0x48: {  	[tilespmem:s18], [sflag:$0x3] =	stream.linear.gather [hbm4b:s10+s7], $0x80, $0x38;
	[tilespmem:$0x1C400] =	vst v63  }
0x49: {  	_ = 	snop  }
0x4a: {  	[tilespmem:s19], [sflag:$0x3] =	stream.linear.gather [hbm4b:s11+s7], $0x80, $0x38;
	[tilespmem:$0x1C400] =	vst v63  }
0x4b: {  	s2 =	simm.s32 $0x14080  }
0x4c: {  	[tilespmem:s2], [sflag:$0x4] =	stream.linear.gather [hbm4b:s12+s7], $0x80, $0x38;
	[tilespmem:$0x1C400] =	vst v63  }
0x4d: {  	_ = 	snop  }
0x4e: {  	[tilespmem:s21], [sflag:$0x4] =	stream.linear.gather [hbm4b:s13+s7], $0x80, $0x38;
	[tilespmem:$0x1C400] =	vst v63  }
0x4f: {  	_ =	swait.ge [sflag:s22], $0x80  }
0x50: {  	[sflag:s22] =	ssyncset.done $0x0  }
0x51: {  	[sflag:s22] =	ssyncadd.s32 $0xFFFFFF80  }
0x52: {  	_ =	swait.ge [sflag:s22], $0x80  }
0x53: {  	p1 =	por $0x1, $0x1;
	[sflag:s22] =	ssyncset.done $0x0  }
0x54: {  	s0 =	simm.s32 @!p1 $0x7;
	[sflag:s22] =	ssyncadd.s32 $0xFFFFFF80  }
0x55: {  	_ =	swait.ge @!p1 [sflag:s0], $0x4000  }
0x56: {  	s8 =	rddreg [dreg:$0xb]  }
0x57: {  	s20 =	rddreg [dreg:$0xd];
	[sflag:s0] =	ssyncset.done @!p1 $0x0  }
0x58: {  	s30 =	rddreg [dreg:$0xc];
	[sflag:s0] =	ssyncadd.s32 @!p1 $0xFFFFC000;
	s6 =	sadd.s32 $0x0, s8  }
0x59: {  	[tilespmem:s20], [sflag:$0x5] =	stream.linear.gather [hbm4b:s6+s3], $0x80, $0x38;
	[tilespmem:$0x1C400] =	vst v63  }
0x5a: {  	s7 =	rddreg [dreg:$0xe];
	s8 =	sadd.s32 $0x0, s30  }
0x5b: {  	[tilespmem:s7], [sflag:$0x5] =	stream.linear.gather [hbm4b:s8+s3], $0x80, $0x38;
	[tilespmem:$0x1C400] =	vst v63  }
0x5c: {  	s0 =	simm.s32 @!p1 $0x2  }
0x5d: {  	[tilespmem:s16], [sflag:$0x1] =	stream.indirect.gather [hbm4b:s4+s23], $0x80, s19, s23, $0xb8;
	[tilespmem:$0x1C400] =	vst v63  }
0x5e: {  	_ =	swait.ge @!p1 [sflag:s0], $0x4000  }
0x5f: {  	s2 =	simm.s32 @!p1 $0x18200;
	[sflag:s0] =	ssyncset.done @!p1 $0x0  }
0x60: {  	s20 =	simm.s32 @!p1 $0x14180;
	[sflag:s0] =	ssyncadd.s32 @!p1 $0xFFFFC000;
	s0 =	simm.s32 @!p1 $0x80  }
0x61: {  	[spmem:s1] =	stream.indirect.scatter.add.f32 @!p1 [tilespmem:s2], [sflag:$0x8], $0x80, s20, s0, $0xb8;
	[tilespmem:$0x1C400] =	vst v63  }
0x62: {  	_ =	swait.ge [sflag:s24], $0x80  }
0x63: {  	[sflag:s24] =	ssyncset.done $0x0  }
0x64: {  	[sflag:s24] =	ssyncadd.s32 $0xFFFFFF80  }
0x65: {  	_ =	swait.ge [sflag:s24], $0x80  }
0x66: {  	[sflag:s24] =	ssyncset.done $0x0  }
0x67: {  	s0 =	simm.s32 @!p1 $0x8;
	[sflag:s24] =	ssyncadd.s32 $0xFFFFFF80  }
0x68: {  	_ =	swait.ge @!p1 [sflag:s0], $0x4000  }
0x69: {  	s20 =	rddreg [dreg:$0x9]  }
0x6a: {  	s6 =	rddreg [dreg:$0xf];
	[sflag:s0] =	ssyncset.done @!p1 $0x0  }
0x6b: {  	s30 =	rddreg [dreg:$0xa];
	[sflag:s0] =	ssyncadd.s32 @!p1 $0xFFFFC000;
	s7 =	sadd.s32 $0x0, s20  }
0x6c: {  	[tilespmem:s6], [sflag:$0x6] =	stream.linear.gather [hbm4b:s7+s3], $0x80, $0x38;
	[tilespmem:$0x1C400] =	vst v63  }
0x6d: {  	s8 =	rddreg [dreg:$0x10];
	s20 =	sadd.s32 $0x0, s30  }
0x6e: {  	[tilespmem:s8], [sflag:$0x6] =	stream.linear.gather [hbm4b:s20+s3], $0x80, $0x38;
	[tilespmem:$0x1C400] =	vst v63  }
0x6f: {  	s6 =	rddreg [dreg:$0x11]  }
0x70: {  	[tilespmem:s6], [sflag:$0x2] =	stream.indirect.gather [hbm4b:s4+s23], $0x80, s21, s23, $0xb8;
	[tilespmem:$0x1C400] =	vst v63  }
0x71: {  	_ =	swait.ge [sflag:s25], $0x4000  }
0x72: {  	[sflag:s25] =	ssyncset.done $0x0;
	s7 =	rddreg [dreg:$0x3]  }
0x73: {  	[sflag:s25] =	ssyncadd.s32 $0xFFFFC000;
	p1 =	sle.u32 s7, $0x0  }
0x74: {  	[spmem:s1] =	stream.indirect.scatter.add.f32 [tilespmem:s16], [sflag:$0x7], $0x80, s18, s23, $0xb8;
	[tilespmem:$0x1C400] =	vst v63  }
0x75: {  	s0 =	simm.s32 @!p1 $0x5  }
0x76: {  	_ =	swait.ge @!p1 [sflag:s0], $0x80  }
0x77: {  	[sflag:s0] =	ssyncset.done @!p1 $0x0  }
0x78: {  	[sflag:s0] =	ssyncadd.s32 @!p1 $0xFFFFFF80  }
0x79: {  	_ =	swait.ge @!p1 [sflag:s0], $0x80  }
0x7a: {  	[sflag:s0] =	ssyncset.done @!p1 $0x0  }
0x7b: {  	[sflag:s0] =	ssyncadd.s32 @!p1 $0xFFFFFF80;
	s0 =	simm.s32 @!p1 $0x7  }
0x7c: {  	_ =	swait.ge @!p1 [sflag:s0], $0x4000  }
0x7d: {  	s2 =	rddreg [dreg:$0x7]  }
0x7e: {  	s20 =	simm.s32 @!p1 $0x14000;
	[sflag:s0] =	ssyncset.done @!p1 $0x0;
	s30 =	rddreg [dreg:$0x8]  }
0x7f: {  	[sflag:s0] =	ssyncadd.s32 @!p1 $0xFFFFC000;
	s0 =	sadd.s32 @!p1 $0x0, s2;
	s2 =	simm.s32 @!p1 $0x0  }
0x80: {  	[tilespmem:s20], [sflag:$0x3] =	stream.linear.gather @!p1 [hbm4b:s0+s2], $0x80, $0x38;
	[tilespmem:$0x1C400] =	vst v63  }
0x81: {  	s0 =	sadd.s32 @!p1 $0x0, s30;
	s20 =	simm.s32 @!p1 $0x1C200;
	s30 =	simm.s32 @!p1 $0x2  }
0x82: {  	[tilespmem:s20], [sflag:$0x3] =	stream.linear.gather @!p1 [hbm4b:s0+s2], $0x80, $0x38;
	[tilespmem:$0x1C400] =	vst v63  }
0x83: {  	s0 =	simm.s32 @!p1 $0x80;
	s2 =	simm.s32 @!p1 $0x1C300;
	s20 =	simm.s32 @!p1 $0x14200  }
0x84: {  	[tilespmem:s20], [sflag:$0x1] =	stream.indirect.gather @!p1 [hbm4b:s4+s0], $0x80, s2, s0, $0xb8;
	[tilespmem:$0x1C400] =	vst v63  }
0x85: {  	_ =	swait.ge @!p1 [sflag:s30], $0x4000  }
0x86: {  	s20 =	simm.s32 @!p1 $0x14080;
	[sflag:s30] =	ssyncset.done @!p1 $0x0;
	s8 =	rddreg [dreg:$0x4]  }
0x87: {  	[sflag:s30] =	ssyncadd.s32 @!p1 $0xFFFFC000;
	s30 =	simm.s32 @!p1 $0x18200;
	p2 =	sle.u32 s8, $0x0  }
0x88: {  	[spmem:s1] =	stream.indirect.scatter.add.f32 @!p1 [tilespmem:s30], [sflag:$0x8], $0x80, s20, s0, $0xb8;
	[tilespmem:$0x1C400] =	vst v63  }
0x89: {  	s0 =	simm.s32 @!p2 $0x6  }
0x8a: {  	_ =	swait.ge @!p2 [sflag:s0], $0x80  }
0x8b: {  	[sflag:s0] =	ssyncset.done @!p2 $0x0  }
0x8c: {  	[sflag:s0] =	ssyncadd.s32 @!p2 $0xFFFFFF80  }
0x8d: {  	_ =	swait.ge @!p2 [sflag:s0], $0x80  }
0x8e: {  	[sflag:s0] =	ssyncset.done @!p2 $0x0  }
0x8f: {  	[sflag:s0] =	ssyncadd.s32 @!p2 $0xFFFFFF80;
	s0 =	simm.s32 @!p2 $0x8  }
0x90: {  	_ =	swait.ge @!p2 [sflag:s0], $0x4000  }
0x91: {  	s2 =	rddreg [dreg:$0x5]  }
0x92: {  	s20 =	simm.s32 @!p2 $0x14080;
	[sflag:s0] =	ssyncset.done @!p2 $0x0;
	s30 =	rddreg [dreg:$0x6]  }
0x93: {  	[sflag:s0] =	ssyncadd.s32 @!p2 $0xFFFFC000;
	s0 =	sadd.s32 @!p2 $0x0, s2;
	s2 =	simm.s32 @!p2 $0x0  }
0x94: {  	[tilespmem:s20], [sflag:$0x4] =	stream.linear.gather @!p2 [hbm4b:s0+s2], $0x80, $0x38;
	[tilespmem:$0x1C400] =	vst v63  }
0x95: {  	s20 =	simm.s32 @!p2 $0x1;
	s0 =	sadd.s32 @!p2 $0x0, s30;
	s30 =	simm.s32 @!p2 $0x1C280  }
0x96: {  	[tilespmem:s30], [sflag:$0x4] =	stream.linear.gather @!p2 [hbm4b:s0+s2], $0x80, $0x38;
	[tilespmem:$0x1C400] =	vst v63  }
0x97: {  	s2 =	simm.s32 @!p2 $0x18200;
	s0 =	simm.s32 @!p2 $0x80;
	s30 =	simm.s32 @!p2 $0x1C380  }
0x98: {  	[tilespmem:s2], [sflag:$0x2] =	stream.indirect.gather @!p2 [hbm4b:s4+s0], $0x80, s30, s0, $0xb8;
	[tilespmem:$0x1C400] =	vst v63  }
0x99: {  	_ =	swait.ge @!p2 [sflag:s20], $0x4000  }
0x9a: {  	s31 =	simm.s32 $0x4;
	s30 =	simm.s32 $0x40;
	[sflag:s20] =	ssyncset.done @!p2 $0x0  }
0x9b: {  	s2 =	simm.s32 @!p2 $0x14100;
	[sflag:s20] =	ssyncadd.s32 @!p2 $0xFFFFC000;
	s20 =	simm.s32 @!p2 $0x14200  }
.LBB2_4:
0x9c: {  	[spmem:s1] =	stream.indirect.scatter.add.f32 @!p2 [tilespmem:s20], [sflag:$0x7], $0x80, s2, s0, $0xb8;
	[tilespmem:$0x1C400] =	vst v63  }
0x9d: {  	_ =	swait.ge [sflag:s22], $0x80  }
0x9e: {  	[sflag:s22] =	ssyncset.done $0x0  }
0x9f: {  	[sflag:s22] =	ssyncadd.s32 $0xFFFFFF80  }
0xa0: {  	s0 =	smov.u32 s30;
	_ =	swait.ge [sflag:s22], $0x80  }
0xa1: {  	p2 =	seq.s32 s0, $0x0;
	[sflag:s22] =	ssyncset.done $0x0  }
0xa2: {  	s2 =	simm.s32 @!p2 $0x7;
	[sflag:s22] =	ssyncadd.s32 $0xFFFFFF80  }
0xa3: {  	_ =	swait.ge @!p2 [sflag:s2], $0x4000  }
0xa4: {  	s8 =	rddreg [dreg:$0xb]  }
0xa5: {  	s6 =	rddreg [dreg:$0xd];
	[sflag:s2] =	ssyncset.done @!p2 $0x0  }
0xa6: {  	s7 =	rddreg [dreg:$0xc];
	[sflag:s2] =	ssyncadd.s32 @!p2 $0xFFFFC000;
	s20 =	sadd.s32 s0, s8  }
0xa7: {  	[tilespmem:s6], [sflag:$0x5] =	stream.linear.gather [hbm4b:s20+s3], $0x80, $0x38;
	[tilespmem:$0x1C400] =	vst v63  }
0xa8: {  	s8 =	rddreg [dreg:$0xe];
	s7 =	sadd.s32 s0, s7  }
0xa9: {  	[tilespmem:s8], [sflag:$0x5] =	stream.linear.gather [hbm4b:s7+s3], $0x80, $0x38;
	[tilespmem:$0x1C400] =	vst v63  }
0xaa: {  	s2 =	simm.s32 @!p2 $0x2  }
0xab: {  	[tilespmem:s16], [sflag:$0x1] =	stream.indirect.gather [hbm4b:s4+s23], $0x80, s19, s23, $0xb8;
	[tilespmem:$0x1C400] =	vst v63  }
0xac: {  	_ =	swait.ge @!p2 [sflag:s2], $0x4000  }
0xad: {  	s6 =	simm.s32 @!p2 $0x18200;
	[sflag:s2] =	ssyncset.done @!p2 $0x0  }
0xae: {  	s7 =	simm.s32 @!p2 $0x14180;
	[sflag:s2] =	ssyncadd.s32 @!p2 $0xFFFFC000;
	s2 =	simm.s32 @!p2 $0x80  }
0xaf: {  	[spmem:s1] =	stream.indirect.scatter.add.f32 @!p2 [tilespmem:s6], [sflag:$0x8], $0x80, s7, s2, $0xb8;
	[tilespmem:$0x1C400] =	vst v63  }
0xb0: {  	_ =	swait.ge [sflag:s24], $0x80  }
0xb1: {  	[sflag:s24] =	ssyncset.done $0x0  }
0xb2: {  	[sflag:s24] =	ssyncadd.s32 $0xFFFFFF80  }
0xb3: {  	_ =	swait.ge [sflag:s24], $0x80  }
0xb4: {  	[sflag:s24] =	ssyncset.done $0x0  }
0xb5: {  	s2 =	simm.s32 @!p2 $0x8;
	[sflag:s24] =	ssyncadd.s32 $0xFFFFFF80  }
0xb6: {  	_ =	swait.ge @!p2 [sflag:s2], $0x4000  }
0xb7: {  	s8 =	rddreg [dreg:$0x9]  }
0xb8: {  	s7 =	rddreg [dreg:$0xf];
	[sflag:s2] =	ssyncset.done @!p2 $0x0  }
0xb9: {  	s20 =	rddreg [dreg:$0xa];
	[sflag:s2] =	ssyncadd.s32 @!p2 $0xFFFFC000;
	s8 =	sadd.s32 s0, s8  }
0xba: {  	[tilespmem:s7], [sflag:$0x6] =	stream.linear.gather [hbm4b:s8+s3], $0x80, $0x38;
	[tilespmem:$0x1C400] =	vst v63  }
0xbb: {  	s6 =	rddreg [dreg:$0x10];
	s8 =	sadd.s32 s0, s20  }
0xbc: {  	[tilespmem:s6], [sflag:$0x6] =	stream.linear.gather [hbm4b:s8+s3], $0x80, $0x38;
	[tilespmem:$0x1C400] =	vst v63  }
0xbd: {  	s20 =	rddreg [dreg:$0x11]  }
0xbe: {  	[tilespmem:s20], [sflag:$0x2] =	stream.indirect.gather [hbm4b:s4+s23], $0x80, s21, s23, $0xb8;
	[tilespmem:$0x1C400] =	vst v63  }
0xbf: {  	_ =	swait.ge [sflag:s25], $0x4000  }
0xc0: {  	[sflag:s25] =	ssyncset.done $0x0;
	s7 =	rddreg [dreg:$0x3]  }
0xc1: {  	[sflag:s25] =	ssyncadd.s32 $0xFFFFC000;
	p2 =	sge.u32 s31, s7  }
0xc2: {  	[spmem:s1] =	stream.indirect.scatter.add.f32 [tilespmem:s16], [sflag:$0x7], $0x80, s18, s23, $0xb8;
	[tilespmem:$0x1C400] =	vst v63  }
0xc3: {  	s2 =	simm.s32 @!p2 $0x5  }
0xc4: {  	_ =	swait.ge @!p2 [sflag:s2], $0x80  }
0xc5: {  	[sflag:s2] =	ssyncset.done @!p2 $0x0  }
0xc6: {  	[sflag:s2] =	ssyncadd.s32 @!p2 $0xFFFFFF80  }
0xc7: {  	_ =	swait.ge @!p2 [sflag:s2], $0x80  }
0xc8: {  	[sflag:s2] =	ssyncset.done @!p2 $0x0  }
0xc9: {  	[sflag:s2] =	ssyncadd.s32 @!p2 $0xFFFFFF80;
	s2 =	simm.s32 @!p2 $0x7  }
0xca: {  	_ =	swait.ge @!p2 [sflag:s2], $0x4000  }
0xcb: {  	s6 =	rddreg [dreg:$0x7]  }
0xcc: {  	s7 =	simm.s32 @!p2 $0x14000;
	[sflag:s2] =	ssyncset.done @!p2 $0x0;
	s20 =	rddreg [dreg:$0x8]  }
0xcd: {  	[sflag:s2] =	ssyncadd.s32 @!p2 $0xFFFFC000;
	s2 =	sadd.s32 @!p2 s0, s6;
	s6 =	simm.s32 @!p2 $0x0  }
0xce: {  	[tilespmem:s7], [sflag:$0x3] =	stream.linear.gather @!p2 [hbm4b:s2+s6], $0x80, $0x38;
	[tilespmem:$0x1C400] =	vst v63  }
0xcf: {  	s2 =	sadd.s32 @!p2 s0, s20;
	s7 =	simm.s32 @!p2 $0x1C200;
	s20 =	simm.s32 @!p2 $0x2  }
0xd0: {  	[tilespmem:s7], [sflag:$0x3] =	stream.linear.gather @!p2 [hbm4b:s2+s6], $0x80, $0x38;
	[tilespmem:$0x1C400] =	vst v63  }
0xd1: {  	s2 =	simm.s32 @!p2 $0x80;
	s6 =	simm.s32 @!p2 $0x1C300;
	s7 =	simm.s32 @!p2 $0x14200  }
0xd2: {  	[tilespmem:s7], [sflag:$0x1] =	stream.indirect.gather @!p2 [hbm4b:s4+s2], $0x80, s6, s2, $0xb8;
	[tilespmem:$0x1C400] =	vst v63  }
0xd3: {  	_ =	swait.ge @!p2 [sflag:s20], $0x4000  }
0xd4: {  	s7 =	simm.s32 @!p2 $0x14080;
	[sflag:s20] =	ssyncset.done @!p2 $0x0  }
0xd5: {  	s8 =	rddreg [dreg:$0x4];
	[sflag:s20] =	ssyncadd.s32 @!p2 $0xFFFFC000;
	s20 =	simm.s32 @!p2 $0x18200  }
0xd6: {  	[spmem:s1] =	stream.indirect.scatter.add.f32 @!p2 [tilespmem:s20], [sflag:$0x8], $0x80, s7, s2, $0xb8;
	[tilespmem:$0x1C400] =	vst v63  }
0xd7: {  	p2 =	sge.u32 s31, s8  }
0xd8: {  	s2 =	simm.s32 @!p2 $0x6  }
0xd9: {  	_ =	swait.ge @!p2 [sflag:s2], $0x80  }
0xda: {  	[sflag:s2] =	ssyncset.done @!p2 $0x0  }
0xdb: {  	[sflag:s2] =	ssyncadd.s32 @!p2 $0xFFFFFF80  }
0xdc: {  	_ =	swait.ge @!p2 [sflag:s2], $0x80  }
0xdd: {  	[sflag:s2] =	ssyncset.done @!p2 $0x0  }
0xde: {  	[sflag:s2] =	ssyncadd.s32 @!p2 $0xFFFFFF80;
	s2 =	simm.s32 @!p2 $0x8  }
0xdf: {  	s30 =	sadd.s32 $0x40, s30;
	_ =	swait.ge @!p2 [sflag:s2], $0x4000  }
0xe0: {  	p1 =	sne.s32 s30, $0x500;
	s7 =	simm.s32 @!p2 $0x1;
	s6 =	rddreg [dreg:$0x5]  }
0xe1: {  	s20 =	simm.s32 @!p2 $0x14080;
	[sflag:s2] =	ssyncset.done @!p2 $0x0;
	s8 =	rddreg [dreg:$0x6]  }
0xe2: {  	[sflag:s2] =	ssyncadd.s32 @!p2 $0xFFFFC000;
	s2 =	sadd.s32 @!p2 s0, s6;
	s6 =	simm.s32 @!p2 $0x0  }
0xe3: {  	[tilespmem:s20], [sflag:$0x4] =	stream.linear.gather @!p2 [hbm4b:s2+s6], $0x80, $0x38;
	[tilespmem:$0x1C400] =	vst v63  }
0xe4: {  	s0 =	sadd.s32 @!p2 s0, s8;
	s8 =	simm.s32 @!p2 $0x18200;
	s2 =	simm.s32 @!p2 $0x1C280  }
0xe5: {  	[tilespmem:s2], [sflag:$0x4] =	stream.linear.gather @!p2 [hbm4b:s0+s6], $0x80, $0x38;
	[tilespmem:$0x1C400] =	vst v63  }
.Ltmp1:
0xe6: {  	s0 =	simm.s32 @!p2 $0x80;
	s2 =	simm.s32 @!p2 $0x1C380;
	(pc) =	sbr.rel @p1 .LBB2_4-.Ltmp1, $4  }
0xe7: {  	[tilespmem:s8], [sflag:$0x2] =	stream.indirect.gather @!p2 [hbm4b:s4+s0], $0x80, s2, s0, $0xb8;
	[tilespmem:$0x1C400] =	vst v63  }
0xe8: {  	_ =	swait.ge @!p2 [sflag:s7], $0x4000  }
0xe9: {  	s31 =	sadd.s32 $0x4, s31;
	[sflag:s7] =	ssyncset.done @!p2 $0x0  }
0xea: {  	s20 =	simm.s32 @!p2 $0x14200;
	s2 =	simm.s32 @!p2 $0x14100;
	[sflag:s7] =	ssyncadd.s32 @!p2 $0xFFFFC000  }
0xeb: {  	[spmem:s1] =	stream.indirect.scatter.add.f32 @!p2 [tilespmem:s20], [sflag:$0x7], $0x80, s2, s0, $0xb8;
	[tilespmem:$0x1C400] =	vst v63  }
0xec: {  	s0 =	simm.s32 @p0 $0x2  }
0xed: {  	_ =	swait.ge @p0 [sflag:s0], $0x4000  }
0xee: {  	s2 =	simm.s32 @p0 $0x14080;
	[sflag:s0] =	ssyncset.done @p0 $0x0  }
0xef: {  	s6 =	simm.s32 @p0 $0x18200;
	[sflag:s0] =	ssyncadd.s32 @p0 $0xFFFFC000;
	s0 =	simm.s32 @p0 $0x80  }
0xf0: {  	[spmem:s1] =	stream.indirect.scatter.add.f32 @p0 [tilespmem:s6], [sflag:$0x8], $0x80, s2, s0, $0xb8;
	[tilespmem:$0x1C400] =	vst v63  }
0xf1: {  	s0 =	simm.s32 @!p0 $0x1  }
0xf2: {  	_ =	swait.ge @!p0 [sflag:s0], $0x4000  }
0xf3: {  	s2 =	simm.s32 @!p0 $0x14100;
	[sflag:s0] =	ssyncset.done @!p0 $0x0  }
0xf4: {  	s6 =	simm.s32 @!p0 $0x14200;
	[sflag:s0] =	ssyncadd.s32 @!p0 $0xFFFFC000;
	s0 =	simm.s32 @!p0 $0x80  }
0xf5: {  	[spmem:s1] =	stream.indirect.scatter.add.f32 @!p0 [tilespmem:s6], [sflag:$0x7], $0x80, s2, s0, $0xb8;
	[tilespmem:$0x1C400] =	vst v63  }
0xf6: {  	_ =	swait.ge [sflag:s26], $0x4000  }
0xf7: {  	[sflag:s26] =	ssyncset.done $0x0  }
0xf8: {  	[sflag:s26] =	ssyncadd.s32 $0xFFFFC000  }
0xf9: {  	_ =	swait.ge [sflag:s28], $0x4000  }
0xfa: {  	s0 =	simm.s32 @!p0 $0x6;
	[sflag:s28] =	ssyncset.done $0x0  }
0xfb: {  	s0 =	simm.s32 @p0 $0x5;
	[sflag:s28] =	ssyncadd.s32 $0xFFFFC000  }
0xfc: {  	_ =	swait.ge [sflag:s0], $0x80  }
0xfd: {  	[sflag:s0] =	ssyncset.done $0x0  }
0xfe: {  	[sflag:s0] =	ssyncadd.s32 $0xFFFFFF80  }
0xff: {  	_ =	swait.ge [sflag:s0], $0x80  }
0x100: {  	s2 =	simm.s32 @!p0 $0x3;
	[sflag:s0] =	ssyncset.done $0x0  }
0x101: {  	s2 =	simm.s32 @p0 $0x6;
	[sflag:s0] =	ssyncadd.s32 $0xFFFFFF80  }
0x102: {  	_ =	swait.ge [sflag:s2], $0x80  }
0x103: {  	[sflag:s2] =	ssyncset.done $0x0  }
0x104: {  	[sflag:s2] =	ssyncadd.s32 $0xFFFFFF80  }
0x105: {  	s30 =	stileid.u32;
	_ =	swait.ge [sflag:s2], $0x80  }
0x106: {  	s31 =	sshrl.u32 s5, $0x3;
	s29 =	sadd.s32 $0x1, s29;
	[sflag:s2] =	ssyncset.done $0x0  }
0x107: {  	p1 =	sne.s32 s29, s15;
	s0 =	sshll.u32 s30, $0x6;
	[sflag:s2] =	ssyncadd.s32 $0xFFFFFF80  }
.Ltmp2:
0x108: {  	s0 =	sor.u32 $0x1C09, s0;
	[bflag:$0x0] =	sbarrier.arrive $0xFFFF;
	(pc) =	sbr.rel @p1 .LBB2_1-.Ltmp2, $4  }
0x109: {  	[hbm:s14], [sflag:s0] =	dma.local [spmem:s31], $0x2800  }
0x10a: {  	_ =	swait.ge [sflag:s17], $0x2800  }
0x10b: {  	[sflag:s17] =	ssyncset.done $0x0  }
0x10c: {  	[sflag:s17] =	ssyncadd.s32 $0xFFFFD800  }
0x10d: {  	_ =	sfence.sel $0x180000  }
0x10e: {  	[bflag:$0x0] =	sbarrier.arrive $0xFFFF  }
0x10f: {  	_ =	strace $0x9000004A  }
0x110: {  	s0 =	stileid.u32;
	[bflag:$0x2] =	sbarrier.arrive $0xFFFF  }
0x111: {  	p0 =	sne.s32 s0, $0x0;
	s0 =	rddreg [dreg:$0x2]  }
0x112: {  	s0 =	sadd.s32 @!p0 $0x100000, s0  }
0x113: {  	[sflag:s0] =	ssyncadd.tile.s32 @!p0 $0x1;
	_ =	shalt  }
.Lfunc_end2:
_tile_overlayer_lowered:
.L_overlay_start_2:
0x114: {  	(tag) =	ssettag $0x2  }
0x115: {  	s0 =	rddreg [dreg:$0x0];
	s2 =	stileid.u32  }
0x116: {  	s1 =	rddreg [dreg:$0x1];
	p0 =	sne.s32 s2, $0x0  }
0x117: {  	s3 =	rddreg [dreg:$0x2];
	[bflag:$0x3] =	sbarrier.arrive $0xFFFF;
	s2 =	simm.s32 @!p0 $0x1C09  }
0x118: {  	[timem:s3], [sflag:s2] =	dma.local @!p0 [hbm:s0], s1  }
0x119: {  	s0 =	simm.s32 @!p0 $0x9  }
0x11a: {  	_ =	swait.ge @!p0 [sflag:s0], s1  }
0x11b: {  	s1 =	ssub.s32 @!p0 $0x0, s1;
	[sflag:s0] =	ssyncset.done @!p0 $0x0  }
0x11c: {  	[sflag:s0] =	ssyncadd.s32 @!p0 s1  }
0x11d: {  	[bflag:$0x3] =	sbarrier.arrive $0xFFFF  }
0x11e: {  	_ =	shalt  }

// kernel: sc_spmm_64.3.cloned.1.call-start
scs
__scs_entry_jumppad:
0x0: {  	(pc) =	sbr.rel $0x88, $3  }
0x1: {  	(tag) =	ssettag $0x0;
	lr =	simm.s32 $0x1  }
0x2: {  	[smem:$0x3F9B] =	sst lr;
	_ =	strace $0xD0000000  }
0x3: {  	_ = 	snop  }
0x4: {  	_ = 	snop  }
0x5: {  	_ = 	snop  }
0x6: {  	_ = 	snop  }
0x7: {  	_ = 	snop  }
__scs_overlays_trampoline_lowered:
0x8: {  	[smem:$0x3FAA] =	sst s0  }
0x9: {  	[smem:$0x3FAB] =	sst s1  }
0xa: {  	[smem:$0x3FAC] =	sst s2  }
0xb: {  	[smem:$0x3FAD] =	sst s3  }
0xc: {  	[smem:$0x3FAE] =	sst s4  }
0xd: {  	[smem:$0x3FAF] =	sst s5  }
0xe: {  	[smem:$0x3FB0] =	sst s6  }
0xf: {  	[smem:$0x3FB1] =	sst s7  }
0x10: {  	[smem:$0x3FB2] =	sst s8  }
0x11: {  	[smem:$0x3FB3] =	sst s9;
	s0 =	simm.s32 @!p0 $0x0  }
0x12: {  	s1 =	sld [smem:$0x3F99];
	s0 =	simm.s32 @p0 $0x1  }
0x13: {  	[smem:$0x3FB4] =	sst s0;
	s0 =	simm.s32 @!p1 $0x0  }
0x14: {  	s2 =	sld [smem:$0x3F98];
	s0 =	simm.s32 @p1 $0x1  }
0x15: {  	[smem:$0x3FB5] =	sst s0;
	s0 =	simm.s32 @!p2 $0x0  }
0x16: {  	s3 =	sld [smem:$0x3FDB];
	s0 =	simm.s32 @p2 $0x1  }
0x17: {  	s4 =	simm.s32 $0x1BF5;
	[smem:$0x3FB7] =	sst s0  }
0x18: {  	s0 =	sld [smem:$0x3F9A];
	_ =	swait.ge [sflag:s4], $0x0  }
0x19: {  	s7 =	sld [smem:$0x3F9B]  }
0x1a: {  	s8 =	sadd.s32 $0xFFFFE003, lr  }
0x1b: {  	s9 =	sadd.s32 $0xFFFFFEF7, lr;
	s5 =	simm.s32 $0xFFFFFFFF;
	p2 =	slt.u32 s8, $0xFFFFF086  }
0x1c: {  	p1 =	slt.u32 s9, $0xF7A;
	s5 =	simm.s32 @!p2 $0x0  }
0x1d: {  	s5 =	simm.s32 @p1 $0x1;
	p0 =	seq.s32 s7, s2  }
0x1e: {  	s7 =	smul.u32 @!p0 $0xF7A, s2;
	p2 =	seq.s32 @!p0 s5, $0x0  }
0x1f: {  	s9 =	smul.u32 $0xF7A, s1;
	s8 =	simm.s32 @!p0 $0x1BF5;
	p2 =	por !p2, p0  }
0x20: {  	[sflag:s8] =	ssyncset.s32 @!p0 $0xFFFFF086;
	s6 =	sadd.s32 @!p0 s3, s7;
	s7 =	simm.s32 @!p0 $0x108  }
0x21: {  	s3 =	sadd.s32 s3, s9;
	s6 =	sadd.s32 @!p0 $0x88, s6;
	s7 =	simm.s32 @p2 $0x1082  }
0x22: {  	[simem:s7], [sflag:s8] =	dma.local @!p0 [hbm:s6], $0xF7A  }
0x23: {  	s9 =	sor.u32 $0xD0000000, s2;
	s6 =	simm.s32 $0x108;
	_ =	swait.ge @!p0 [sflag:s8], $0x0  }
0x24: {  	s3 =	sadd.s32 $0x88, s3;
	s6 =	simm.s32 @!p1 $0x1082;
	[sflag:s4] =	ssyncset.s32 $0xFFFFF086  }
0x25: {  	[simem:s6], [sflag:s4] =	dma.local [hbm:s3], $0xF7A  }
0x26: {  	[smem:$0x3F9B] =	sst s1;
	(tag) =	ssettag s2;
	_ =	strace s9  }
0x27: {  	s1 =	sld [smem:$0x3FAB]  }
0x28: {  	s2 =	sld [smem:$0x3FAC]  }
0x29: {  	s4 =	sld [smem:$0x3FAE]  }
0x2a: {  	p0 =	seq.s32 s5, $0x0;
	s5 =	sld [smem:$0x3FAF]  }
0x2b: {  	s6 =	sld [smem:$0x3FB0]  }
0x2c: {  	s7 =	sld [smem:$0x3FB1]  }
0x2d: {  	s3 =	simm.s32 $0x108;
	s8 =	sld [smem:$0x3FB2]  }
0x2e: {  	s3 =	simm.s32 @!p0 $0x1082;
	s9 =	sld [smem:$0x3FB3]  }
0x2f: {  	lr =	sadd.s32 s0, s3;
	s0 =	sld [smem:$0x3FAA]  }
0x30: {  	s3 =	sld [smem:$0x3FAD]  }
0x31: {  	[smem:$0x3FB6] =	sst s10  }
0x32: {  	s10 =	sld [smem:$0x3FB4];
	_ =	sdelay $0x3  }
0x33: {  	p0 =	seq.s32 s10, $0x1;
	s10 =	sld [smem:$0x3FB6];
	_ =	sdelay $0x3  }
0x34: {  	[smem:$0x3FB6] =	sst s10  }
0x35: {  	s10 =	sld [smem:$0x3FB5];
	_ =	sdelay $0x3  }
0x36: {  	p1 =	seq.s32 s10, $0x1;
	s10 =	sld [smem:$0x3FB6];
	_ =	sdelay $0x3  }
0x37: {  	[smem:$0x3FB6] =	sst s10  }
0x38: {  	s10 =	sld [smem:$0x3FB7]  }
0x39: {  	_ = 	snop;
	(pc) =	sbr.ind lr, $3  }
0x3a: {  	_ = 	snop  }
0x3b: {  	_ = 	snop  }
0x3c: {  	p2 =	seq.s32 s10, $0x1;
	s10 =	sld [smem:$0x3FB6]  }
0x3d: {  	_ =	shalt  }
0x3e: {  	_ =	shalt  }
0x3f: {  	_ =	shalt  }
0x40: {  	_ =	shalt  }
0x41: {  	_ =	shalt  }
0x42: {  	_ =	shalt  }
0x43: {  	_ =	shalt  }
0x44: {  	_ =	shalt  }
0x45: {  	_ =	shalt  }
0x46: {  	_ =	shalt  }
0x47: {  	_ =	shalt  }
0x48: {  	_ =	shalt  }
0x49: {  	_ =	shalt  }
0x4a: {  	_ =	shalt  }
0x4b: {  	_ =	shalt  }
0x4c: {  	_ =	shalt  }
0x4d: {  	_ =	shalt  }
0x4e: {  	_ =	shalt  }
0x4f: {  	_ =	shalt  }
0x50: {  	_ =	shalt  }
0x51: {  	_ =	shalt  }
0x52: {  	_ =	shalt  }
0x53: {  	_ =	shalt  }
0x54: {  	_ =	shalt  }
0x55: {  	_ =	shalt  }
0x56: {  	_ =	shalt  }
0x57: {  	_ =	shalt  }
0x58: {  	_ =	shalt  }
0x59: {  	_ =	shalt  }
0x5a: {  	_ =	shalt  }
0x5b: {  	_ =	shalt  }
0x5c: {  	_ =	shalt  }
0x5d: {  	_ =	shalt  }
0x5e: {  	_ =	shalt  }
0x5f: {  	_ =	shalt  }
0x60: {  	_ =	shalt  }
0x61: {  	_ =	shalt  }
0x62: {  	_ =	shalt  }
0x63: {  	_ =	shalt  }
0x64: {  	_ =	shalt  }
0x65: {  	_ =	shalt  }
0x66: {  	_ =	shalt  }
0x67: {  	_ =	shalt  }
0x68: {  	_ =	shalt  }
0x69: {  	_ =	shalt  }
0x6a: {  	_ =	shalt  }
0x6b: {  	_ =	shalt  }
0x6c: {  	_ =	shalt  }
0x6d: {  	_ =	shalt  }
0x6e: {  	_ =	shalt  }
0x6f: {  	_ =	shalt  }
0x70: {  	_ =	shalt  }
0x71: {  	_ =	shalt  }
0x72: {  	_ =	shalt  }
0x73: {  	_ =	shalt  }
0x74: {  	_ =	shalt  }
0x75: {  	_ =	shalt  }
0x76: {  	_ =	shalt  }
0x77: {  	_ =	shalt  }
0x78: {  	_ =	shalt  }
0x79: {  	_ =	shalt  }
0x7a: {  	_ =	shalt  }
0x7b: {  	_ =	shalt  }
0x7c: {  	_ =	shalt  }
0x7d: {  	_ =	shalt  }
0x7e: {  	_ =	shalt  }
0x7f: {  	_ =	shalt  }
0x80: {  	_ =	shalt  }
0x81: {  	_ =	shalt  }
0x82: {  	_ =	shalt  }
0x83: {  	_ =	shalt  }
0x84: {  	_ =	shalt  }
0x85: {  	_ =	shalt  }
0x86: {  	_ =	shalt  }
0x87: {  	_ =	shalt  }
.Lfunc_end0:
.L_simem_size_0:
called_computation.2_lowered:
.L_overlay_start_0:
0x88: {  	s2 =	sld [smem:$0x3FD9]  }
0x89: {  	s3 =	sld [smem:$0x3FFE];
	_ =	sdelay $0x1  }
0x8a: {  	s1 =	srdreg.scid  }
0x8b: {  	s0 =	sand.u32 $0x1, s1  }
0x8c: {  	s17 =	sshll.u32 s0, $0xA;
	s2 =	sadd.s32 s3, s2  }
0x8d: {  	s2 =	sadd.s32 s2, s17  }
0x8e: {  	[smem:$0x3FC2] =	sst s2  }
0x8f: {  	_ = 	snop  }
0x90: {  	s2 =	sld [smem:$0x3FD0];
	(tm) =	ssettm $0x1  }
0x91: {  	s18 =	sld [smem:$0x3FFB];
	_ =	sdelay $0x3  }
0x92: {  	_ =	strace s18  }
0x93: {  	s3 =	sld [smem:$0x3FFC];
	_ =	sdelay $0x3  }
0x94: {  	_ =	strace s3  }
0x95: {  	s3 =	sld [smem:$0x3FFD];
	_ =	sdelay $0x3  }
0x96: {  	_ =	strace s3  }
0x97: {  	_ =	strace $0x8FFFFFFF  }
0x98: {  	s19 =	sld [smem:$0x3FDB];
	_ =	sdelay $0x1  }
0x99: {  	s4 =	simm.s32 $_scs_section_size  }
0x9a: {  	s5 =	simm.s32 $_size__tile_overlayer_lowered;
	s6 =	simm.s32 $_tile_overlayer_lowered  }
0x9b: {  	s22 =	simm.s32 $0x1BFF;
	s21 =	sshll.u32 s6, $0x1;
	s3 =	sadd.s32 s4, s19  }
0x9c: {  	s7 =	simm.s32 $0x0;
	s20 =	sshll.u32 s5, $0x1;
	s5 =	sadd.s32 s21, s3  }
0x9d: {  	[timem:s7], [sflag:s22] =	dma.local [hbm:s5], s20  }
0x9e: {  	_ =	swait.ge [sflag:s22], s20  }
0x9f: {  	s4 =	ssub.s32 $0x0, s20;
	[sflag:s22] =	ssyncset.done $0x0  }
0xa0: {  	[sflag:s22] =	ssyncadd.s32 s4;
	_ =	sdelay $0x1  }
0xa1: {  	s23 =	simm.s32 $0x1B8B  }
0xa2: {  	_ =	swait.ge [sflag:s23], $0x1  }
0xa3: {  	[sflag:s23] =	ssyncset.done $0x0  }
0xa4: {  	s25 =	simm.s32 $0x1B8E;
	s24 =	sld [smem:$0x3FFE];
	[sflag:s23] =	ssyncadd.s32 $0xFFFFFFFF  }
0xa5: {  	s26 =	simm.s32 $execute0_lowered;
	[smem:$0x3FD2] =	sst s25  }
0xa6: {  	s5 =	sshll.u32 s26, $0x1;
	_ =	strace $0x8000004C;
	[dreg:$0x1] =	wrdreg $0xFFFFFFFF  }
0xa7: {  	s28 =	simm.s32 $_size_execute0_lowered;
	s3 =	sadd.s32 s3, s5;
	[dreg:$0x0] =	wrdreg $0x0  }
0xa8: {  	s5 =	sshll.u32 s28, $0x1;
	[dreg:$0x2] =	wrdreg s3  }
0xa9: {  	[dreg:$0x3] =	wrdreg s5  }
0xaa: {  	[dreg:$0x4] =	wrdreg $0xC0  }
0xab: {  	_ =	task [dreg:s7], $0x5FFFF  }
0xac: {  	[dreg:$0x1] =	wrdreg $0xFFFFFFFF  }
0xad: {  	[dreg:$0x0] =	wrdreg $0x60  }
0xae: {  	[dreg:$0x2] =	wrdreg s2  }
0xaf: {  	[dreg:$0x3] =	wrdreg s24  }
0xb0: {  	[dreg:$0x4] =	wrdreg $0x0  }
0xb1: {  	[dreg:$0x5] =	wrdreg $0x9  }
0xb2: {  	_ =	task.clear_ibuf [dreg:s7], $0x6FFFF;
	_ =	strace $0x9000004C  }
0xb3: {  	s29 =	simm.s32 $0x9;
	_ =	strace $0x8000004E  }
0xb4: {  	_ =	swait.ge [sflag:s29], $0x1  }
0xb5: {  	[sflag:s29] =	ssyncadd.s32 $0xFFFFFFFF  }
0xb6: {  	_ =	strace $0x9000004E  }
0xb7: {  	_ =	sfence  }
0xb8: {  	s30 =	sld [smem:$0x0];
	_ =	sdelay $0x2  }
0xb9: {  	s31 =	sshll.u32 s1, $0xD;
	s1 =	sshrl.u32 s1, $0x2  }
0xba: {  	s3 =	sand.u32 $0x4000, s31;
	s1 =	sadd.s32 s1, s30  }
0xbb: {  	s0 =	sor.u32 s3, s0;
	s1 =	sshll.u32 s1, $0x11  }
0xbc: {  	s0 =	sor.u32 s1, s0  }
0xbd: {  	s0 =	sadd.s32 $0x8F2B, s0  }
0xbe: {  	[sflag:s0] =	ssyncadd.remote.s32 $0x1  }
0xbf: {  	_ =	sfence.sel $0xFFFF  }
0xc0: {  	[dreg:$0x0] =	wrdreg $0xFFFFFFFF;
	(pc) =	sbr.abs _section_cstart, $3  }
0xc1: {  	[dreg:$0x1] =	wrdreg $0xFFFFFFFF  }
0xc2: {  	_ =	task.clear_ibuf [dreg:s7], $0x2FFFF;
	_ =	strace $0x9FFFFFFF  }
0xc3: {  	(tm) =	ssettm $0x7FFFFFFF  }
tec
execute0_lowered:
.L_overlay_start_1:
0x0: {  	(tag) =	ssettag $0x1  }
0x1: {  	s1 =	rddreg [dreg:$0x0]  }
0x2: {  	s0 =	rddreg [dreg:$0x1]  }
0x3: {  	s3 =	rddreg [dreg:$0x2]  }
0x4: {  	s2 =	srdreg.scid;
	s11 =	stileid.u32  }
0x5: {  	s4 =	simm.s32 $0x0;
	s13 =	simm.s32 $0x4E;
	s28 =	simm.s32 $0x8  }
0x6: {  	s29 =	simm.s32 $0x0;
	s2 =	sand.u32 $0x1, s2;
	s5 =	smul.u32 $0xA000, s11  }
0x7: {  	[smem:$0x7FF] =	sst s4;
	s16 =	sadd.s32 $0xC400, s0;
	s24 =	smul.u32 $0x28000, s11  }
0x8: {  	s15 =	sadd.s32 $0x2600, s0;
	s6 =	smul.u32 $0xA0000, s2;
	_ =	strace $0x8000004D  }
0x9: {  	s7 =	sshll.u32 s2, $0x4;
	s8 =	ssub.s32 $0x2, s2;
	s2 =	smul.u32 $0x4E0, s2  }
0xa: {  	s7 =	sor.u32 s11, s7;
	s23 =	sshrl.u32 s8, $0x1;
	s11 =	smul.u32 $0x4E, s11  }
0xb: {  	s6 =	sadd.s32 s5, s6;
	s9 =	smul.u32 $0x4E, s7;
	s17 =	ssub.s32 s8, s23  }
0xc: {  	s12 =	smin.u32 s7, $0x4;
	p0 =	sgt.u32 s7, $0x3;
	s5 =	sadd.s32 s5, s3  }
0xd: {  	s6 =	sshrl.u32 s6, $0x3;
	s13 =	simm.s32 @!p0 $0x4F;
	s2 =	sadd.s32 s11, s2  }
0xe: {  	s0 =	sadd.s32 s6, s0;
	s10 =	sadd.s32 s12, s9;
	s6 =	sshrl.u32 s24, $0x2  }
0xf: {  	s2 =	sadd.s32 s12, s2;
	s31 =	sadd.s32 $0xFFFFFFFE, s13;
	s13 =	sadd.s32 $0xFFFFFFFD, s13  }
0x10: {  	s24 =	simm.s32 $0xA100;
	s25 =	sadd.s32 s6, s3;
	[dreg:$0x4] =	wrdreg s31  }
0x11: {  	s14 =	sshll.u32 s10, $0x4;
	s2 =	sshll.u32 s2, $0x4;
	[dreg:$0x5] =	wrdreg s13  }
0x12: {  	[dreg:$0xe] =	wrdreg s24;
	s31 =	simm.s32 $0xC200;
	s24 =	simm.s32 $0x4  }
0x13: {  	s6 =	sadd.s32 $0x2000, s25;
	s26 =	sadd.s32 $0x4000, s25;
	s30 =	sadd.s32 $0x6000, s25  }
0x14: {  	s9 =	sadd.s32 $0x8000, s25;
	s10 =	sadd.s32 s15, s14;
	[dreg:$0x12] =	wrdreg s31  }
0x15: {  	s11 =	sadd.s32 s16, s14;
	s14 =	sadd.s32 $0x10, s14;
	[dreg:$0x13] =	wrdreg s6  }
0x16: {  	s18 =	sadd.s32 $0x50, s2;
	s8 =	sadd.s32 s2, s15;
	[dreg:$0x14] =	wrdreg s26  }
0x17: {  	s19 =	sadd.s32 s2, s16;
	s25 =	simm.s32 $0xE300;
	[dreg:$0x15] =	wrdreg s30  }
0x18: {  	s12 =	sadd.s32 s15, s14;
	s6 =	sadd.s32 s18, s15;
	[dreg:$0xf] =	wrdreg s25  }
0x19: {  	s7 =	sadd.s32 s18, s16;
	s18 =	sadd.s32 $0x40, s8;
	[dreg:$0x6] =	wrdreg s6  }
0x1a: {  	s13 =	sadd.s32 s16, s14;
	s14 =	sadd.s32 $0x16200, s0;
	[dreg:$0x7] =	wrdreg s7  }
0x1b: {  	s26 =	simm.s32 $0xA180;
	s30 =	simm.s32 $0xE380;
	[dreg:$0x8] =	wrdreg s18  }
0x1c: {  	s25 =	simm.s32 $0x1;
	s18 =	sadd.s32 $0x40, s19;
	[dreg:$0x10] =	wrdreg s26  }
0x1d: {  	s19 =	sadd.s32 $0x30, s2;
	s2 =	sadd.s32 $0x20, s2;
	[dreg:$0x11] =	wrdreg s30  }
0x1e: {  	s26 =	simm.s32 $0x7;
	[dreg:$0x9] =	wrdreg s18;
	s20 =	sadd.s32 s19, s15  }
0x1f: {  	s21 =	sadd.s32 s19, s16;
	s22 =	sadd.s32 s2, s15;
	[dreg:$0xa] =	wrdreg s20  }
0x20: {  	s15 =	smax.u32 s17, $0x1;
	s23 =	sadd.s32 s2, s16;
	[dreg:$0xb] =	wrdreg s21  }
0x21: {  	s16 =	simm.s32 $0xA200;
	s17 =	simm.s32 $0x9;
	[dreg:$0xc] =	wrdreg s22  }
0x22: {  	s18 =	simm.s32 $0xA000;
	s19 =	simm.s32 $0xE200;
	[dreg:$0xd] =	wrdreg s23  }
0x23: {  	v0 =	vimm.f32 $0.0e+00;
	s21 =	simm.s32 $0xE280;
	s22 =	simm.s32 $0x3;
	s23 =	simm.s32 $0x80  }
.LBB2_1:
0x24: {  	s30 =	simm.s32 $0x100;
	s0 =	simm.s32 $0x0  }
.LBB2_2:
0x25: {  	p1 =	sne.s32 s30, $0x7F00;
	[tilespmem:s0+$0xA230] =	vst v0;
	s2 =	smov.u32 s30;
	s30 =	sadd.s32 $0x100, s30  }
.Ltmp0:
0x26: {  	[tilespmem:s0+$0xA220] =	vst v0;
	(pc) =	sbr.rel @p1 .LBB2_2-.Ltmp0, $3  }
0x27: {  	[tilespmem:s0+$0xA200] =	vst v0  }
0x28: {  	[tilespmem:s0+$0xA210] =	vst v0;
	_ =	sdelay $0x1  }
0x29: {  	s0 =	sshra.s32 s2, $0x2  }
0x2a: {  	[tilespmem:s0+$0xA230] =	vst v0  }
0x2b: {  	[tilespmem:s0+$0xA220] =	vst v0  }
0x2c: {  	[tilespmem:s0+$0xA200] =	vst v0  }
0x2d: {  	[tilespmem:s0+$0xA210] =	vst v0  }
0x2e: {  	[spmem:s5] =	stream.linear.scatter [tilespmem:s16], [sflag:$0x9], $0x2000, $0x38;
	[tilespmem:$0xE400] =	vst v63  }
0x2f: {  	_ =	swait.ge [sflag:s17], $0x2000  }
0x30: {  	[sflag:s17] =	ssyncset.done $0x0  }
0x31: {  	s20 =	rddreg [dreg:$0x13];
	[sflag:s17] =	ssyncadd.s32 $0xFFFFE000  }
0x32: {  	[spmem:s20] =	stream.linear.scatter [tilespmem:s16], [sflag:$0x9], $0x2000, $0x38;
	[tilespmem:$0xE400] =	vst v63  }
0x33: {  	_ =	swait.ge [sflag:s17], $0x2000  }
0x34: {  	[sflag:s17] =	ssyncset.done $0x0  }
0x35: {  	s2 =	rddreg [dreg:$0x14];
	[sflag:s17] =	ssyncadd.s32 $0xFFFFE000  }
0x36: {  	[spmem:s2] =	stream.linear.scatter [tilespmem:s16], [sflag:$0x9], $0x2000, $0x38;
	[tilespmem:$0xE400] =	vst v63  }
0x37: {  	_ =	swait.ge [sflag:s17], $0x2000  }
0x38: {  	[sflag:s17] =	ssyncset.done $0x0  }
0x39: {  	s6 =	rddreg [dreg:$0x15];
	[sflag:s17] =	ssyncadd.s32 $0xFFFFE000  }
0x3a: {  	[spmem:s6] =	stream.linear.scatter [tilespmem:s16], [sflag:$0x9], $0x2000, $0x38;
	[tilespmem:$0xE400] =	vst v63  }
0x3b: {  	_ =	swait.ge [sflag:s17], $0x2000  }
0x3c: {  	[sflag:s17] =	ssyncset.done $0x0  }
0x3d: {  	[sflag:s17] =	ssyncadd.s32 $0xFFFFE000  }
0x3e: {  	[spmem:s9] =	stream.linear.scatter [tilespmem:s16], [sflag:$0x9], $0x2000, $0x38;
	[tilespmem:$0xE400] =	vst v63  }
0x3f: {  	_ =	swait.ge [sflag:s17], $0x2000  }
0x40: {  	[sflag:s17] =	ssyncset.done $0x0  }
0x41: {  	[sflag:s17] =	ssyncadd.s32 $0xFFFFE000  }
0x42: {  	s7 =	simm.s32 $0x0;
	[bflag:$0x0] =	sbarrier.arrive $0xFFFF  }
0x43: {  	[tilespmem:s18], [sflag:$0x3] =	stream.linear.gather [hbm4b:s10+s7], $0x80, $0x38;
	[tilespmem:$0xE400] =	vst v63  }
0x44: {  	_ = 	snop  }
0x45: {  	[tilespmem:s19], [sflag:$0x3] =	stream.linear.gather [hbm4b:s11+s7], $0x80, $0x38;
	[tilespmem:$0xE400] =	vst v63  }
0x46: {  	s2 =	simm.s32 $0xA080  }
0x47: {  	[tilespmem:s2], [sflag:$0x4] =	stream.linear.gather [hbm4b:s12+s7], $0x80, $0x38;
	[tilespmem:$0xE400] =	vst v63  }
0x48: {  	_ = 	snop  }
0x49: {  	[tilespmem:s21], [sflag:$0x4] =	stream.linear.gather [hbm4b:s13+s7], $0x80, $0x38;
	[tilespmem:$0xE400] =	vst v63  }
0x4a: {  	_ =	swait.ge [sflag:s22], $0x80  }
0x4b: {  	[sflag:s22] =	ssyncset.done $0x0  }
0x4c: {  	[sflag:s22] =	ssyncadd.s32 $0xFFFFFF80  }
0x4d: {  	_ =	swait.ge [sflag:s22], $0x80  }
0x4e: {  	p1 =	por $0x1, $0x1;
	[sflag:s22] =	ssyncset.done $0x0  }
0x4f: {  	s0 =	simm.s32 @!p1 $0x7;
	[sflag:s22] =	ssyncadd.s32 $0xFFFFFF80  }
0x50: {  	_ =	swait.ge @!p1 [sflag:s0], $0x2000  }
0x51: {  	s8 =	rddreg [dreg:$0xc]  }
0x52: {  	s20 =	rddreg [dreg:$0xe];
	[sflag:s0] =	ssyncset.done @!p1 $0x0  }
0x53: {  	s30 =	rddreg [dreg:$0xd];
	[sflag:s0] =	ssyncadd.s32 @!p1 $0xFFFFE000;
	s6 =	sadd.s32 $0x0, s8  }
0x54: {  	[tilespmem:s20], [sflag:$0x5] =	stream.linear.gather [hbm4b:s6+s4], $0x80, $0x38;
	[tilespmem:$0xE400] =	vst v63  }
0x55: {  	s7 =	rddreg [dreg:$0xf];
	s8 =	sadd.s32 $0x0, s30  }
0x56: {  	[tilespmem:s7], [sflag:$0x5] =	stream.linear.gather [hbm4b:s8+s4], $0x80, $0x38;
	[tilespmem:$0xE400] =	vst v63  }
0x57: {  	s0 =	simm.s32 @!p1 $0x2  }
0x58: {  	[tilespmem:s16], [sflag:$0x1] =	stream.indirect.gather [hbm4b:s1+s23], $0x40, s19, s23, $0xb8;
	[tilespmem:$0xE400] =	vst v63  }
0x59: {  	_ =	swait.ge @!p1 [sflag:s0], $0x2000  }
0x5a: {  	s2 =	simm.s32 @!p1 $0xC200;
	[sflag:s0] =	ssyncset.done @!p1 $0x0  }
0x5b: {  	s20 =	simm.s32 @!p1 $0xA180;
	[sflag:s0] =	ssyncadd.s32 @!p1 $0xFFFFE000;
	s0 =	simm.s32 @!p1 $0x80  }
0x5c: {  	[spmem:s3] =	stream.indirect.scatter.add.f32 @!p1 [tilespmem:s2], [sflag:$0x8], $0x40, s20, s0, $0xb8;
	[tilespmem:$0xE400] =	vst v63  }
0x5d: {  	_ =	swait.ge [sflag:s24], $0x80  }
0x5e: {  	[sflag:s24] =	ssyncset.done $0x0  }
0x5f: {  	[sflag:s24] =	ssyncadd.s32 $0xFFFFFF80  }
0x60: {  	_ =	swait.ge [sflag:s24], $0x80  }
0x61: {  	[sflag:s24] =	ssyncset.done $0x0  }
0x62: {  	s0 =	simm.s32 @!p1 $0x8;
	[sflag:s24] =	ssyncadd.s32 $0xFFFFFF80  }
0x63: {  	_ =	swait.ge @!p1 [sflag:s0], $0x2000  }
0x64: {  	s20 =	rddreg [dreg:$0xa]  }
0x65: {  	s6 =	rddreg [dreg:$0x10];
	[sflag:s0] =	ssyncset.done @!p1 $0x0  }
0x66: {  	s30 =	rddreg [dreg:$0xb];
	[sflag:s0] =	ssyncadd.s32 @!p1 $0xFFFFE000;
	s7 =	sadd.s32 $0x0, s20  }
0x67: {  	[tilespmem:s6], [sflag:$0x6] =	stream.linear.gather [hbm4b:s7+s4], $0x80, $0x38;
	[tilespmem:$0xE400] =	vst v63  }
0x68: {  	s8 =	rddreg [dreg:$0x11];
	s20 =	sadd.s32 $0x0, s30  }
0x69: {  	[tilespmem:s8], [sflag:$0x6] =	stream.linear.gather [hbm4b:s20+s4], $0x80, $0x38;
	[tilespmem:$0xE400] =	vst v63  }
0x6a: {  	s6 =	rddreg [dreg:$0x12]  }
0x6b: {  	[tilespmem:s6], [sflag:$0x2] =	stream.indirect.gather [hbm4b:s1+s23], $0x40, s21, s23, $0xb8;
	[tilespmem:$0xE400] =	vst v63  }
0x6c: {  	_ =	swait.ge [sflag:s25], $0x2000  }
0x6d: {  	[sflag:s25] =	ssyncset.done $0x0;
	s7 =	rddreg [dreg:$0x4]  }
0x6e: {  	[sflag:s25] =	ssyncadd.s32 $0xFFFFE000;
	p1 =	sle.u32 s7, $0x0  }
0x6f: {  	[spmem:s3] =	stream.indirect.scatter.add.f32 [tilespmem:s16], [sflag:$0x7], $0x40, s18, s23, $0xb8;
	[tilespmem:$0xE400] =	vst v63  }
0x70: {  	s0 =	simm.s32 @!p1 $0x5  }
0x71: {  	_ =	swait.ge @!p1 [sflag:s0], $0x80  }
0x72: {  	[sflag:s0] =	ssyncset.done @!p1 $0x0  }
0x73: {  	[sflag:s0] =	ssyncadd.s32 @!p1 $0xFFFFFF80  }
0x74: {  	_ =	swait.ge @!p1 [sflag:s0], $0x80  }
0x75: {  	[sflag:s0] =	ssyncset.done @!p1 $0x0  }
0x76: {  	[sflag:s0] =	ssyncadd.s32 @!p1 $0xFFFFFF80;
	s0 =	simm.s32 @!p1 $0x7  }
0x77: {  	_ =	swait.ge @!p1 [sflag:s0], $0x2000  }
0x78: {  	s2 =	rddreg [dreg:$0x8]  }
0x79: {  	s20 =	simm.s32 @!p1 $0xA000;
	[sflag:s0] =	ssyncset.done @!p1 $0x0;
	s30 =	rddreg [dreg:$0x9]  }
0x7a: {  	[sflag:s0] =	ssyncadd.s32 @!p1 $0xFFFFE000;
	s0 =	sadd.s32 @!p1 $0x0, s2;
	s2 =	simm.s32 @!p1 $0x0  }
0x7b: {  	[tilespmem:s20], [sflag:$0x3] =	stream.linear.gather @!p1 [hbm4b:s0+s2], $0x80, $0x38;
	[tilespmem:$0xE400] =	vst v63  }
0x7c: {  	s0 =	sadd.s32 @!p1 $0x0, s30;
	s20 =	simm.s32 @!p1 $0xE200;
	s30 =	simm.s32 @!p1 $0x2  }
0x7d: {  	[tilespmem:s20], [sflag:$0x3] =	stream.linear.gather @!p1 [hbm4b:s0+s2], $0x80, $0x38;
	[tilespmem:$0xE400] =	vst v63  }
0x7e: {  	s0 =	simm.s32 @!p1 $0x80;
	s2 =	simm.s32 @!p1 $0xE300;
	s20 =	simm.s32 @!p1 $0xA200  }
0x7f: {  	[tilespmem:s20], [sflag:$0x1] =	stream.indirect.gather @!p1 [hbm4b:s1+s0], $0x40, s2, s0, $0xb8;
	[tilespmem:$0xE400] =	vst v63  }
0x80: {  	_ =	swait.ge @!p1 [sflag:s30], $0x2000  }
0x81: {  	s20 =	simm.s32 @!p1 $0xA080;
	[sflag:s30] =	ssyncset.done @!p1 $0x0;
	s8 =	rddreg [dreg:$0x5]  }
0x82: {  	[sflag:s30] =	ssyncadd.s32 @!p1 $0xFFFFE000;
	s30 =	simm.s32 @!p1 $0xC200;
	p2 =	sle.u32 s8, $0x0  }
0x83: {  	[spmem:s3] =	stream.indirect.scatter.add.f32 @!p1 [tilespmem:s30], [sflag:$0x8], $0x40, s20, s0, $0xb8;
	[tilespmem:$0xE400] =	vst v63  }
0x84: {  	s0 =	simm.s32 @!p2 $0x6  }
0x85: {  	_ =	swait.ge @!p2 [sflag:s0], $0x80  }
0x86: {  	[sflag:s0] =	ssyncset.done @!p2 $0x0  }
0x87: {  	[sflag:s0] =	ssyncadd.s32 @!p2 $0xFFFFFF80  }
0x88: {  	_ =	swait.ge @!p2 [sflag:s0], $0x80  }
0x89: {  	[sflag:s0] =	ssyncset.done @!p2 $0x0  }
0x8a: {  	[sflag:s0] =	ssyncadd.s32 @!p2 $0xFFFFFF80;
	s0 =	simm.s32 @!p2 $0x8  }
0x8b: {  	_ =	swait.ge @!p2 [sflag:s0], $0x2000  }
0x8c: {  	s2 =	rddreg [dreg:$0x6]  }
0x8d: {  	s20 =	simm.s32 @!p2 $0xA080;
	[sflag:s0] =	ssyncset.done @!p2 $0x0;
	s30 =	rddreg [dreg:$0x7]  }
0x8e: {  	[sflag:s0] =	ssyncadd.s32 @!p2 $0xFFFFE000;
	s0 =	sadd.s32 @!p2 $0x0, s2;
	s2 =	simm.s32 @!p2 $0x0  }
0x8f: {  	[tilespmem:s20], [sflag:$0x4] =	stream.linear.gather @!p2 [hbm4b:s0+s2], $0x80, $0x38;
	[tilespmem:$0xE400] =	vst v63  }
0x90: {  	s20 =	simm.s32 @!p2 $0x1;
	s0 =	sadd.s32 @!p2 $0x0, s30;
	s30 =	simm.s32 @!p2 $0xE280  }
0x91: {  	[tilespmem:s30], [sflag:$0x4] =	stream.linear.gather @!p2 [hbm4b:s0+s2], $0x80, $0x38;
	[tilespmem:$0xE400] =	vst v63  }
0x92: {  	s2 =	simm.s32 @!p2 $0xC200;
	s0 =	simm.s32 @!p2 $0x80;
	s30 =	simm.s32 @!p2 $0xE380  }
0x93: {  	[tilespmem:s2], [sflag:$0x2] =	stream.indirect.gather @!p2 [hbm4b:s1+s0], $0x40, s30, s0, $0xb8;
	[tilespmem:$0xE400] =	vst v63  }
0x94: {  	_ =	swait.ge @!p2 [sflag:s20], $0x2000  }
0x95: {  	s31 =	simm.s32 $0x4;
	s30 =	simm.s32 $0x40;
	[sflag:s20] =	ssyncset.done @!p2 $0x0  }
0x96: {  	s2 =	simm.s32 @!p2 $0xA100;
	[sflag:s20] =	ssyncadd.s32 @!p2 $0xFFFFE000;
	s20 =	simm.s32 @!p2 $0xA200  }
.LBB2_4:
0x97: {  	[spmem:s3] =	stream.indirect.scatter.add.f32 @!p2 [tilespmem:s20], [sflag:$0x7], $0x40, s2, s0, $0xb8;
	[tilespmem:$0xE400] =	vst v63  }
0x98: {  	_ =	swait.ge [sflag:s22], $0x80  }
0x99: {  	[sflag:s22] =	ssyncset.done $0x0  }
0x9a: {  	[sflag:s22] =	ssyncadd.s32 $0xFFFFFF80  }
0x9b: {  	s0 =	smov.u32 s30;
	_ =	swait.ge [sflag:s22], $0x80  }
0x9c: {  	p2 =	seq.s32 s0, $0x0;
	[sflag:s22] =	ssyncset.done $0x0  }
0x9d: {  	s2 =	simm.s32 @!p2 $0x7;
	[sflag:s22] =	ssyncadd.s32 $0xFFFFFF80  }
0x9e: {  	_ =	swait.ge @!p2 [sflag:s2], $0x2000  }
0x9f: {  	s8 =	rddreg [dreg:$0xc]  }
0xa0: {  	s6 =	rddreg [dreg:$0xe];
	[sflag:s2] =	ssyncset.done @!p2 $0x0  }
0xa1: {  	s7 =	rddreg [dreg:$0xd];
	[sflag:s2] =	ssyncadd.s32 @!p2 $0xFFFFE000;
	s20 =	sadd.s32 s0, s8  }
0xa2: {  	[tilespmem:s6], [sflag:$0x5] =	stream.linear.gather [hbm4b:s20+s4], $0x80, $0x38;
	[tilespmem:$0xE400] =	vst v63  }
0xa3: {  	s8 =	rddreg [dreg:$0xf];
	s7 =	sadd.s32 s0, s7  }
0xa4: {  	[tilespmem:s8], [sflag:$0x5] =	stream.linear.gather [hbm4b:s7+s4], $0x80, $0x38;
	[tilespmem:$0xE400] =	vst v63  }
0xa5: {  	s2 =	simm.s32 @!p2 $0x2  }
0xa6: {  	[tilespmem:s16], [sflag:$0x1] =	stream.indirect.gather [hbm4b:s1+s23], $0x40, s19, s23, $0xb8;
	[tilespmem:$0xE400] =	vst v63  }
0xa7: {  	_ =	swait.ge @!p2 [sflag:s2], $0x2000  }
0xa8: {  	s6 =	simm.s32 @!p2 $0xC200;
	[sflag:s2] =	ssyncset.done @!p2 $0x0  }
0xa9: {  	s7 =	simm.s32 @!p2 $0xA180;
	[sflag:s2] =	ssyncadd.s32 @!p2 $0xFFFFE000;
	s2 =	simm.s32 @!p2 $0x80  }
0xaa: {  	[spmem:s3] =	stream.indirect.scatter.add.f32 @!p2 [tilespmem:s6], [sflag:$0x8], $0x40, s7, s2, $0xb8;
	[tilespmem:$0xE400] =	vst v63  }
0xab: {  	_ =	swait.ge [sflag:s24], $0x80  }
0xac: {  	[sflag:s24] =	ssyncset.done $0x0  }
0xad: {  	[sflag:s24] =	ssyncadd.s32 $0xFFFFFF80  }
0xae: {  	_ =	swait.ge [sflag:s24], $0x80  }
0xaf: {  	[sflag:s24] =	ssyncset.done $0x0  }
0xb0: {  	s2 =	simm.s32 @!p2 $0x8;
	[sflag:s24] =	ssyncadd.s32 $0xFFFFFF80  }
0xb1: {  	_ =	swait.ge @!p2 [sflag:s2], $0x2000  }
0xb2: {  	s8 =	rddreg [dreg:$0xa]  }
0xb3: {  	s7 =	rddreg [dreg:$0x10];
	[sflag:s2] =	ssyncset.done @!p2 $0x0  }
0xb4: {  	s20 =	rddreg [dreg:$0xb];
	[sflag:s2] =	ssyncadd.s32 @!p2 $0xFFFFE000;
	s8 =	sadd.s32 s0, s8  }
0xb5: {  	[tilespmem:s7], [sflag:$0x6] =	stream.linear.gather [hbm4b:s8+s4], $0x80, $0x38;
	[tilespmem:$0xE400] =	vst v63  }
0xb6: {  	s6 =	rddreg [dreg:$0x11];
	s8 =	sadd.s32 s0, s20  }
0xb7: {  	[tilespmem:s6], [sflag:$0x6] =	stream.linear.gather [hbm4b:s8+s4], $0x80, $0x38;
	[tilespmem:$0xE400] =	vst v63  }
0xb8: {  	s20 =	rddreg [dreg:$0x12]  }
0xb9: {  	[tilespmem:s20], [sflag:$0x2] =	stream.indirect.gather [hbm4b:s1+s23], $0x40, s21, s23, $0xb8;
	[tilespmem:$0xE400] =	vst v63  }
0xba: {  	_ =	swait.ge [sflag:s25], $0x2000  }
0xbb: {  	[sflag:s25] =	ssyncset.done $0x0;
	s7 =	rddreg [dreg:$0x4]  }
0xbc: {  	[sflag:s25] =	ssyncadd.s32 $0xFFFFE000;
	p2 =	sge.u32 s31, s7  }
0xbd: {  	[spmem:s3] =	stream.indirect.scatter.add.f32 [tilespmem:s16], [sflag:$0x7], $0x40, s18, s23, $0xb8;
	[tilespmem:$0xE400] =	vst v63  }
0xbe: {  	s2 =	simm.s32 @!p2 $0x5  }
0xbf: {  	_ =	swait.ge @!p2 [sflag:s2], $0x80  }
0xc0: {  	[sflag:s2] =	ssyncset.done @!p2 $0x0  }
0xc1: {  	[sflag:s2] =	ssyncadd.s32 @!p2 $0xFFFFFF80  }
0xc2: {  	_ =	swait.ge @!p2 [sflag:s2], $0x80  }
0xc3: {  	[sflag:s2] =	ssyncset.done @!p2 $0x0  }
0xc4: {  	[sflag:s2] =	ssyncadd.s32 @!p2 $0xFFFFFF80;
	s2 =	simm.s32 @!p2 $0x7  }
0xc5: {  	_ =	swait.ge @!p2 [sflag:s2], $0x2000  }
0xc6: {  	s6 =	rddreg [dreg:$0x8]  }
0xc7: {  	s7 =	simm.s32 @!p2 $0xA000;
	[sflag:s2] =	ssyncset.done @!p2 $0x0;
	s20 =	rddreg [dreg:$0x9]  }
0xc8: {  	[sflag:s2] =	ssyncadd.s32 @!p2 $0xFFFFE000;
	s2 =	sadd.s32 @!p2 s0, s6;
	s6 =	simm.s32 @!p2 $0x0  }
0xc9: {  	[tilespmem:s7], [sflag:$0x3] =	stream.linear.gather @!p2 [hbm4b:s2+s6], $0x80, $0x38;
	[tilespmem:$0xE400] =	vst v63  }
0xca: {  	s2 =	sadd.s32 @!p2 s0, s20;
	s7 =	simm.s32 @!p2 $0xE200;
	s20 =	simm.s32 @!p2 $0x2  }
0xcb: {  	[tilespmem:s7], [sflag:$0x3] =	stream.linear.gather @!p2 [hbm4b:s2+s6], $0x80, $0x38;
	[tilespmem:$0xE400] =	vst v63  }
0xcc: {  	s2 =	simm.s32 @!p2 $0x80;
	s6 =	simm.s32 @!p2 $0xE300;
	s7 =	simm.s32 @!p2 $0xA200  }
0xcd: {  	[tilespmem:s7], [sflag:$0x1] =	stream.indirect.gather @!p2 [hbm4b:s1+s2], $0x40, s6, s2, $0xb8;
	[tilespmem:$0xE400] =	vst v63  }
0xce: {  	_ =	swait.ge @!p2 [sflag:s20], $0x2000  }
0xcf: {  	s7 =	simm.s32 @!p2 $0xA080;
	[sflag:s20] =	ssyncset.done @!p2 $0x0  }
0xd0: {  	s8 =	rddreg [dreg:$0x5];
	[sflag:s20] =	ssyncadd.s32 @!p2 $0xFFFFE000;
	s20 =	simm.s32 @!p2 $0xC200  }
0xd1: {  	[spmem:s3] =	stream.indirect.scatter.add.f32 @!p2 [tilespmem:s20], [sflag:$0x8], $0x40, s7, s2, $0xb8;
	[tilespmem:$0xE400] =	vst v63  }
0xd2: {  	p2 =	sge.u32 s31, s8  }
0xd3: {  	s2 =	simm.s32 @!p2 $0x6  }
0xd4: {  	_ =	swait.ge @!p2 [sflag:s2], $0x80  }
0xd5: {  	[sflag:s2] =	ssyncset.done @!p2 $0x0  }
0xd6: {  	[sflag:s2] =	ssyncadd.s32 @!p2 $0xFFFFFF80  }
0xd7: {  	_ =	swait.ge @!p2 [sflag:s2], $0x80  }
0xd8: {  	[sflag:s2] =	ssyncset.done @!p2 $0x0  }
0xd9: {  	[sflag:s2] =	ssyncadd.s32 @!p2 $0xFFFFFF80;
	s2 =	simm.s32 @!p2 $0x8  }
0xda: {  	s30 =	sadd.s32 $0x40, s30;
	_ =	swait.ge @!p2 [sflag:s2], $0x2000  }
0xdb: {  	p1 =	sne.s32 s30, $0x500;
	s7 =	simm.s32 @!p2 $0x1;
	s6 =	rddreg [dreg:$0x6]  }
0xdc: {  	s20 =	simm.s32 @!p2 $0xA080;
	[sflag:s2] =	ssyncset.done @!p2 $0x0;
	s8 =	rddreg [dreg:$0x7]  }
0xdd: {  	[sflag:s2] =	ssyncadd.s32 @!p2 $0xFFFFE000;
	s2 =	sadd.s32 @!p2 s0, s6;
	s6 =	simm.s32 @!p2 $0x0  }
0xde: {  	[tilespmem:s20], [sflag:$0x4] =	stream.linear.gather @!p2 [hbm4b:s2+s6], $0x80, $0x38;
	[tilespmem:$0xE400] =	vst v63  }
0xdf: {  	s0 =	sadd.s32 @!p2 s0, s8;
	s8 =	simm.s32 @!p2 $0xC200;
	s2 =	simm.s32 @!p2 $0xE280  }
0xe0: {  	[tilespmem:s2], [sflag:$0x4] =	stream.linear.gather @!p2 [hbm4b:s0+s6], $0x80, $0x38;
	[tilespmem:$0xE400] =	vst v63  }
.Ltmp1:
0xe1: {  	s0 =	simm.s32 @!p2 $0x80;
	s2 =	simm.s32 @!p2 $0xE380;
	(pc) =	sbr.rel @p1 .LBB2_4-.Ltmp1, $4  }
0xe2: {  	[tilespmem:s8], [sflag:$0x2] =	stream.indirect.gather @!p2 [hbm4b:s1+s0], $0x40, s2, s0, $0xb8;
	[tilespmem:$0xE400] =	vst v63  }
0xe3: {  	_ =	swait.ge @!p2 [sflag:s7], $0x2000  }
0xe4: {  	s31 =	sadd.s32 $0x4, s31;
	[sflag:s7] =	ssyncset.done @!p2 $0x0  }
0xe5: {  	s20 =	simm.s32 @!p2 $0xA200;
	s2 =	simm.s32 @!p2 $0xA100;
	[sflag:s7] =	ssyncadd.s32 @!p2 $0xFFFFE000  }
0xe6: {  	[spmem:s3] =	stream.indirect.scatter.add.f32 @!p2 [tilespmem:s20], [sflag:$0x7], $0x40, s2, s0, $0xb8;
	[tilespmem:$0xE400] =	vst v63  }
0xe7: {  	s0 =	simm.s32 @p0 $0x2  }
0xe8: {  	_ =	swait.ge @p0 [sflag:s0], $0x2000  }
0xe9: {  	s2 =	simm.s32 @p0 $0xA080;
	[sflag:s0] =	ssyncset.done @p0 $0x0  }
0xea: {  	s6 =	simm.s32 @p0 $0xC200;
	[sflag:s0] =	ssyncadd.s32 @p0 $0xFFFFE000;
	s0 =	simm.s32 @p0 $0x80  }
0xeb: {  	[spmem:s3] =	stream.indirect.scatter.add.f32 @p0 [tilespmem:s6], [sflag:$0x8], $0x40, s2, s0, $0xb8;
	[tilespmem:$0xE400] =	vst v63  }
0xec: {  	s0 =	simm.s32 @!p0 $0x1  }
0xed: {  	_ =	swait.ge @!p0 [sflag:s0], $0x2000  }
0xee: {  	s2 =	simm.s32 @!p0 $0xA100;
	[sflag:s0] =	ssyncset.done @!p0 $0x0  }
0xef: {  	s6 =	simm.s32 @!p0 $0xA200;
	[sflag:s0] =	ssyncadd.s32 @!p0 $0xFFFFE000;
	s0 =	simm.s32 @!p0 $0x80  }
0xf0: {  	[spmem:s3] =	stream.indirect.scatter.add.f32 @!p0 [tilespmem:s6], [sflag:$0x7], $0x40, s2, s0, $0xb8;
	[tilespmem:$0xE400] =	vst v63  }
0xf1: {  	_ =	swait.ge [sflag:s26], $0x2000  }
0xf2: {  	[sflag:s26] =	ssyncset.done $0x0  }
0xf3: {  	[sflag:s26] =	ssyncadd.s32 $0xFFFFE000  }
0xf4: {  	_ =	swait.ge [sflag:s28], $0x2000  }
0xf5: {  	s0 =	simm.s32 @!p0 $0x6;
	[sflag:s28] =	ssyncset.done $0x0  }
0xf6: {  	s0 =	simm.s32 @p0 $0x5;
	[sflag:s28] =	ssyncadd.s32 $0xFFFFE000  }
0xf7: {  	_ =	swait.ge [sflag:s0], $0x80  }
0xf8: {  	[sflag:s0] =	ssyncset.done $0x0  }
0xf9: {  	[sflag:s0] =	ssyncadd.s32 $0xFFFFFF80  }
0xfa: {  	_ =	swait.ge [sflag:s0], $0x80  }
0xfb: {  	s2 =	simm.s32 @!p0 $0x3;
	[sflag:s0] =	ssyncset.done $0x0  }
0xfc: {  	s2 =	simm.s32 @p0 $0x6;
	[sflag:s0] =	ssyncadd.s32 $0xFFFFFF80  }
0xfd: {  	_ =	swait.ge [sflag:s2], $0x80  }
0xfe: {  	[sflag:s2] =	ssyncset.done $0x0  }
0xff: {  	[sflag:s2] =	ssyncadd.s32 $0xFFFFFF80  }
0x100: {  	s30 =	stileid.u32;
	_ =	swait.ge [sflag:s2], $0x80  }
0x101: {  	s31 =	sshrl.u32 s5, $0x3;
	s29 =	sadd.s32 $0x1, s29;
	[sflag:s2] =	ssyncset.done $0x0  }
0x102: {  	p1 =	sne.s32 s29, s15;
	s0 =	sshll.u32 s30, $0x6;
	[sflag:s2] =	ssyncadd.s32 $0xFFFFFF80  }
.Ltmp2:
0x103: {  	s0 =	sor.u32 $0x1C09, s0;
	[bflag:$0x0] =	sbarrier.arrive $0xFFFF;
	(pc) =	sbr.rel @p1 .LBB2_1-.Ltmp2, $4  }
0x104: {  	[hbm:s14], [sflag:s0] =	dma.local [spmem:s31], $0x1400  }
0x105: {  	_ =	swait.ge [sflag:s17], $0x1400  }
0x106: {  	[sflag:s17] =	ssyncset.done $0x0  }
0x107: {  	[sflag:s17] =	ssyncadd.s32 $0xFFFFEC00  }
0x108: {  	_ =	sfence.sel $0x180000  }
0x109: {  	[bflag:$0x0] =	sbarrier.arrive $0xFFFF  }
0x10a: {  	_ =	strace $0x9000004D  }
0x10b: {  	s0 =	stileid.u32;
	[bflag:$0x2] =	sbarrier.arrive $0xFFFF  }
0x10c: {  	p0 =	sne.s32 s0, $0x0;
	s0 =	rddreg [dreg:$0x3]  }
0x10d: {  	s0 =	sadd.s32 @!p0 $0x100000, s0  }
0x10e: {  	[sflag:s0] =	ssyncadd.tile.s32 @!p0 $0x1;
	_ =	shalt  }
.Lfunc_end2:
_tile_overlayer_lowered:
.L_overlay_start_2:
0x10f: {  	(tag) =	ssettag $0x2  }
0x110: {  	s0 =	rddreg [dreg:$0x0];
	s2 =	stileid.u32  }
0x111: {  	s1 =	rddreg [dreg:$0x1];
	p0 =	sne.s32 s2, $0x0  }
0x112: {  	s3 =	rddreg [dreg:$0x2];
	[bflag:$0x3] =	sbarrier.arrive $0xFFFF;
	s2 =	simm.s32 @!p0 $0x1C09  }
0x113: {  	[timem:s3], [sflag:s2] =	dma.local @!p0 [hbm:s0], s1  }
0x114: {  	s0 =	simm.s32 @!p0 $0x9  }
0x115: {  	_ =	swait.ge @!p0 [sflag:s0], s1  }
0x116: {  	s1 =	ssub.s32 @!p0 $0x0, s1;
	[sflag:s0] =	ssyncset.done @!p0 $0x0  }
0x117: {  	[sflag:s0] =	ssyncadd.s32 @!p0 s1  }
0x118: {  	[bflag:$0x3] =	sbarrier.arrive $0xFFFF  }
0x119: {  	_ =	shalt  }

</sc_bundles>
